<compile_context>
chip_gen: v7x
topology: tpu7x:2x2x1
jax: 0.10.2.dev20260603
libtpu: 0.0.44.dev20260713+nightly
codegen_flags: <defaults>
</compile_context>

<pallas_src>
import functools

import jax
import jax.numpy as jnp
from jax import lax
from jax.experimental import pallas as pl
from jax.experimental.pallas import tpu as pltpu
from jax.experimental.pallas import tpu_sc as plsc

_HASH_SEEDS = (2654435769, 3210233709, 2496678331, 3249880090)
_TBL = 8192
_D = 64
_L = 16
_NC = 2
_NS = 16
_NW = _NC * _NS

_B = 4096
_S = 50
_NB = _S - 1
_RPW = _B // _NW
_TPW = _RPW * _S
_GPC = _RPW // _L


def _gf_hash(x, seed):
    x = x ^ jnp.uint32(seed)
    x = (x ^ (x >> jnp.uint32(16))) * jnp.uint32(2146121005)
    x = (x ^ (x >> jnp.uint32(15))) * jnp.uint32(2221713035)
    x = x ^ (x >> jnp.uint32(16))
    return (x & jnp.uint32(_TBL - 1)).astype(jnp.int32)


def _body(tok_hbm, t0, t1, t2, t3, out_hbm,
          tok_v, idx0, idx1, idx2, idx3,
          a0, a1, a2, a3, b0, b1, b2, b3, c0_, c1_, c2_, c3_, oa, ob, oc,
          sga, sgb, sgc, soa, sob, soc):
    wid = lax.axis_index("s") * _NC + lax.axis_index("c")

    pltpu.sync_copy(tok_hbm.at[pl.ds(wid * _TPW, _TPW)], tok_v)

    lane = lax.iota(jnp.int32, _L)
    lane50 = lane * jnp.int32(_S)
    idx_refs = (idx0, idx1, idx2, idx3)
    tables = (t0, t1, t2, t3)

    def build_idx(j):
        @plsc.parallel_loop(0, _GPC, unroll=2)
        def _hash_loop(g):
            pos = lane50 + (g * (_L * _S) + j)
            left = plsc.load_gather(tok_v, [pos]).astype(jnp.uint32)
            right = plsc.load_gather(tok_v, [pos + 1]).astype(jnp.uint32)
            bg = (left << jnp.uint32(10)) | right
            base = (j * _GPC + g) * _L
            for h in range(4):
                idx_refs[h][pl.ds(base, _L)] = _gf_hash(bg, _HASH_SEEDS[h])

    sets = (((a0, a1, a2, a3), oa, sga, soa),
            ((b0, b1, b2, b3), ob, sgb, sob),
            ((c0_, c1_, c2_, c3_), oc, sgc, soc))

    def issue(j, bset):
        bufs, _, sg, _ = bset
        for h in range(4):
            pltpu.async_copy(
                tables[h].at[idx_refs[h].at[pl.ds(j * _RPW, _RPW)]],
                bufs[h], sg)

    def wait_gathers(bset):
        bufs, _, sg, _ = bset
        for h in range(4):
            pltpu.make_async_copy(
                tables[h].at[idx_refs[h].at[pl.ds(0, _RPW)]],
                bufs[h], sg).wait()

    def wait_out(bset):
        _, o, _, so = bset
        pltpu.make_async_copy(o, out_hbm.at[0, :, 0], so).wait()

    quarter_bf = jnp.full((2 * _L,), 0.25, jnp.bfloat16)

    def combine(bset):
        bufs, o, _, _ = bset
        c0, c1, c2, c3 = bufs

        @plsc.parallel_loop(0, _L, unroll=1)
        def _skew(j):
            colskew = (lane + j) & jnp.int32(_L - 1)
            dvecs = []
            for dt in range(_D // (2 * _L)):
                de = (colskew + jnp.int32(dt * _L)) * jnp.int32(2)
                do = de + jnp.int32(1)
                dvecs.append((de >> jnp.int32(3), de & jnp.int32(7),
                              do >> jnp.int32(3), do & jnp.int32(7)))

            @plsc.parallel_loop(0, _RPW // _L, unroll=1)
            def _bt(bt):
                rowv = lane + bt * _L
                for dt in range(_D // (2 * _L)):
                    colv = colskew + jnp.int32(dt * _L)
                    s = ((plsc.bitcast(plsc.load_gather(c0, [rowv, colv]),
                                       jnp.bfloat16)
                          + plsc.bitcast(plsc.load_gather(c1, [rowv, colv]),
                                         jnp.bfloat16))
                         + (plsc.bitcast(plsc.load_gather(c2, [rowv, colv]),
                                         jnp.bfloat16)
                            + plsc.bitcast(plsc.load_gather(c3, [rowv, colv]),
                                           jnp.bfloat16))) * quarter_bf
                    we, wo = plsc.unpack(s, format=plsc.PackFormat.INTERLEAVED)
                    dhe, dle, dho, dlo = dvecs[dt]
                    plsc.store_scatter(o, [dhe, dle, rowv], we)
                    plsc.store_scatter(o, [dho, dlo, rowv], wo)

    def out_dma(j, bset):
        _, o, _, so = bset
        pltpu.async_copy(o, out_hbm.at[j, :, wid], so)

    build_idx(jnp.int32(0))
    build_idx(jnp.int32(1))
    issue(0, sets[0])
    issue(1, sets[1])

    def triple_body(k, carry):
        for i in range(3):
            c = 3 * k + i
            nxt = jnp.minimum(c + 2, _NB - 1)
            build_idx(nxt)
            issue(nxt, sets[(i + 2) % 3])
            st = sets[i]
            wait_gathers(st)

            @pl.when(k > 0)
            def _():
                wait_out(st)

            combine(st)
            out_dma(c, st)
        return carry

    lax.fori_loop(0, (_NB - 1) // 3, triple_body, 0)

    wait_gathers(sets[0])
    wait_out(sets[0])
    combine(sets[0])
    out_dma(_NB - 1, sets[0])
    wait_gathers(sets[1])
    wait_out(sets[0])
    wait_out(sets[1])
    wait_out(sets[2])


_sc_call = functools.partial(
    pl.kernel,
    out_type=jax.ShapeDtypeStruct((_NB, _D // 8, _NW, 8, _RPW), jnp.float32),
    mesh=plsc.VectorSubcoreMesh(
        core_axis_name="c", subcore_axis_name="s",
        num_cores=_NC, num_subcores=_NS),
    scratch_types=[
        pltpu.VMEM((_TPW,), jnp.int32),
        pltpu.VMEM((_NB * _RPW,), jnp.int32),
        pltpu.VMEM((_NB * _RPW,), jnp.int32),
        pltpu.VMEM((_NB * _RPW,), jnp.int32),
        pltpu.VMEM((_NB * _RPW,), jnp.int32),
        pltpu.VMEM((_RPW, _D // 2), jnp.int32),
        pltpu.VMEM((_RPW, _D // 2), jnp.int32),
        pltpu.VMEM((_RPW, _D // 2), jnp.int32),
        pltpu.VMEM((_RPW, _D // 2), jnp.int32),
        pltpu.VMEM((_RPW, _D // 2), jnp.int32),
        pltpu.VMEM((_RPW, _D // 2), jnp.int32),
        pltpu.VMEM((_RPW, _D // 2), jnp.int32),
        pltpu.VMEM((_RPW, _D // 2), jnp.int32),
        pltpu.VMEM((_RPW, _D // 2), jnp.int32),
        pltpu.VMEM((_RPW, _D // 2), jnp.int32),
        pltpu.VMEM((_RPW, _D // 2), jnp.int32),
        pltpu.VMEM((_RPW, _D // 2), jnp.int32),
        pltpu.VMEM((_D // 8, 8, _RPW), jnp.float32),
        pltpu.VMEM((_D // 8, 8, _RPW), jnp.float32),
        pltpu.VMEM((_D // 8, 8, _RPW), jnp.float32),
        pltpu.SemaphoreType.DMA,
        pltpu.SemaphoreType.DMA,
        pltpu.SemaphoreType.DMA,
        pltpu.SemaphoreType.DMA,
        pltpu.SemaphoreType.DMA,
        pltpu.SemaphoreType.DMA,
    ],
    compiler_params=pltpu.CompilerParams(
        needs_layout_passes=False, use_tc_tiling_on_sc=False),
)(_body)


def _pack_table(t):
    return lax.bitcast_convert_type(
        t.astype(jnp.bfloat16).reshape(_TBL, _D // 2, 2), jnp.int32)


@jax.jit
def kernel(token_ids, table0, table1, table2, table3):
    out = _sc_call(token_ids.reshape(-1),
                   _pack_table(table0), _pack_table(table1),
                   _pack_table(table2), _pack_table(table3))
    return jnp.transpose(out, (2, 4, 0, 1, 3)).reshape(_B, _NB, _D)

# --- scband reference (transcript-rebuilt; emitter-appended) ---
"""Pipeline reference for scband-galois-field-hash-embedding-46866683134513 (READ-ONLY COPY).

The authoritative reference and input builder live on the scoring server;
editing this copy changes nothing except your own understanding.
"""

import jax, jax.numpy as jnp
import numpy as np

SEEDS = [2654435769, 3210233709, 2496678331, 3249880090]
TABLE_SIZE = 8192
EMB_DIM = 64
NUM_HASH = 4


def _gf256_hash(bigram_u32, seed):
    x = bigram_u32 ^ jnp.uint32(seed)
    x = (x ^ (x >> jnp.uint32(16))) * jnp.uint32(2146121005)
    x = (x ^ (x >> jnp.uint32(15))) * jnp.uint32(2221713035)
    x = x ^ (x >> jnp.uint32(16))
    return (x % jnp.uint32(TABLE_SIZE)).astype(jnp.int32)


def setup_inputs(seed: int = 0) -> dict:
    key = jax.random.key(seed)
    ks = jax.random.split(key, NUM_HASH + 1)
    token_ids = jax.random.randint(ks[0], (4096, 50), 0, 1000, dtype=jnp.int32)
    inp = {"token_ids": token_ids}
    for h in range(NUM_HASH):
        inp[f"table{h}"] = jax.random.normal(ks[h + 1], (TABLE_SIZE, EMB_DIM), dtype=jnp.float32) * 0.02
    return inp


def reference(token_ids, table0, table1, table2, table3):
    tables = [table0, table1, table2, table3]
    t = token_ids.astype(jnp.uint32)
    bigram = (t[:, :-1] << jnp.uint32(10)) | t[:, 1:]
    outs = []
    for h in range(NUM_HASH):
        idx = _gf256_hash(bigram, SEEDS[h])
        outs.append(jnp.take(tables[h], idx, axis=0))
    combined = jnp.mean(jnp.stack(outs, axis=0), axis=0)
    return combined

if __name__ == "__main__":
    import jax
    _d = setup_inputs()
    print(jax.jit(kernel)(*tuple(_d.values())))

</pallas_src>

<mosaic_0001>
#map = affine_map<(d0, d1) -> (0)>
#map1 = affine_map<(d0, d1) -> (0, 0)>
#map2 = affine_map<(d0, d1) -> (0, 0, 0, 0, 0)>
module attributes {stable_mosaic.version = 14 : i64} {
  func.func @_body(%arg0: i32, %arg1: i32, %arg2: memref<204800xi32, #tpu.memory_space<hbm>>, %arg3: memref<8192x32xi32, #tpu.memory_space<hbm>>, %arg4: memref<8192x32xi32, #tpu.memory_space<hbm>>, %arg5: memref<8192x32xi32, #tpu.memory_space<hbm>>, %arg6: memref<8192x32xi32, #tpu.memory_space<hbm>>, %arg7: memref<49x8x32x8x128xf32, #tpu.memory_space<hbm>>, %arg8: memref<6400xi32, #tpu.memory_space<vmem>>, %arg9: memref<6272xi32, #tpu.memory_space<vmem>>, %arg10: memref<6272xi32, #tpu.memory_space<vmem>>, %arg11: memref<6272xi32, #tpu.memory_space<vmem>>, %arg12: memref<6272xi32, #tpu.memory_space<vmem>>, %arg13: memref<128x32xi32, #tpu.memory_space<vmem>>, %arg14: memref<128x32xi32, #tpu.memory_space<vmem>>, %arg15: memref<128x32xi32, #tpu.memory_space<vmem>>, %arg16: memref<128x32xi32, #tpu.memory_space<vmem>>, %arg17: memref<128x32xi32, #tpu.memory_space<vmem>>, %arg18: memref<128x32xi32, #tpu.memory_space<vmem>>, %arg19: memref<128x32xi32, #tpu.memory_space<vmem>>, %arg20: memref<128x32xi32, #tpu.memory_space<vmem>>, %arg21: memref<128x32xi32, #tpu.memory_space<vmem>>, %arg22: memref<128x32xi32, #tpu.memory_space<vmem>>, %arg23: memref<128x32xi32, #tpu.memory_space<vmem>>, %arg24: memref<128x32xi32, #tpu.memory_space<vmem>>, %arg25: memref<8x8x128xf32, #tpu.memory_space<vmem>>, %arg26: memref<8x8x128xf32, #tpu.memory_space<vmem>>, %arg27: memref<8x8x128xf32, #tpu.memory_space<vmem>>, %arg28: memref<!tpu.dma_semaphore, #tpu.memory_space<semaphore_mem>>, %arg29: memref<!tpu.dma_semaphore, #tpu.memory_space<semaphore_mem>>, %arg30: memref<!tpu.dma_semaphore, #tpu.memory_space<semaphore_mem>>, %arg31: memref<!tpu.dma_semaphore, #tpu.memory_space<semaphore_mem>>, %arg32: memref<!tpu.dma_semaphore, #tpu.memory_space<semaphore_mem>>, %arg33: memref<!tpu.dma_semaphore, #tpu.memory_space<semaphore_mem>>) attributes {dimension_semantics = [#tpu.dimension_semantics<core_parallel>, #tpu.dimension_semantics<subcore_parallel>], iteration_bounds = array<i64: 2, 16>, scalar_prefetch = 0 : i64, scratch_operands = 26 : i64, tpu.core_type = #tpu.core_type<sc_vector_subcore>, window_params = [{transform_indices = #map}, {transform_indices = #map1}, {transform_indices = #map1}, {transform_indices = #map1}, {transform_indices = #map1}, {transform_indices = #map2}]} {
    %mul3A = arith.constant 2 : i32
    %mul3A_0 = arith.muli %arg1, %mul3A : i32
    %add3A = arith.addi %mul3A_0, %arg0 : i32
    %mul3A_1 = arith.constant 6400 : i32
    %mul3A_2 = arith.muli %add3A, %mul3A_1 : i32
    "tpu.region"() ({
      %run_scoped3A = tpu.sem_alloc : memref<!tpu.dma_semaphore, #tpu.memory_space<semaphore_mem>>
      %dma_start3A_159 = tpu.memref_slice %arg2[%mul3A_2] : memref<204800xi32, #tpu.memory_space<hbm>> -> memref<6400xi32, #tpu.memory_space<hbm>>
      %dma_start3A_160 = tpu.memref_slice %arg2[%mul3A_2] : memref<204800xi32, #tpu.memory_space<hbm>> -> memref<6400xi32, #tpu.memory_space<hbm>>
      tpu.enqueue_dma source(%dma_start3A_160 : memref<6400xi32, #tpu.memory_space<hbm>>) target(%arg8 : memref<6400xi32, #tpu.memory_space<vmem>>) target_semaphore(%run_scoped3A : memref<!tpu.dma_semaphore, #tpu.memory_space<semaphore_mem>>)
      %dma_wait3A_161 = tpu.memref_slice %arg2[%mul3A_2] : memref<204800xi32, #tpu.memory_space<hbm>> -> memref<6400xi32, #tpu.memory_space<hbm>>
      %dma_wait3A_162 = tpu.memref_slice %arg2[%mul3A_2] : memref<204800xi32, #tpu.memory_space<hbm>> -> memref<6400xi32, #tpu.memory_space<hbm>>
      tpu.wait_dma2 semaphore(%run_scoped3A : memref<!tpu.dma_semaphore, #tpu.memory_space<semaphore_mem>>) src(%dma_wait3A_162 : memref<6400xi32, #tpu.memory_space<hbm>>) dst(%arg8 : memref<6400xi32, #tpu.memory_space<vmem>>)
      tpu.yield
    }) : () -> ()
    %iota3A = tpu.iota {dimensions = array<i32: 0>} : vector<16xi32>
    %mul3A_3 = arith.constant 50 : i32
    %mul3A_4 = vector.broadcast %mul3A_3 : i32 to vector<16xi32>
    %mul3A_5 = arith.muli %iota3A, %mul3A_4 : vector<16xi32>
    %broadcast_in_dim3A = arith.constant 2.500000e-01 : bf16
    %broadcast_in_dim3A_6 = vector.broadcast %broadcast_in_dim3A : bf16 to vector<32xbf16>
    %parallel_loop3A = arith.constant 0 : i32
    %parallel_loop3A_7 = arith.constant 8 : i32
    %parallel_loop3A_8 = arith.constant 1 : i32
    %parallel_loop3A_9 = arith.constant 0 : i32
    scf.for %parallel_loop3A_159 = %parallel_loop3A to %parallel_loop3A_7 step %parallel_loop3A_8  : i32 {
      %parallel_loop3A_160 = arith.constant 800 : i32
      %parallel_loop3A_161 = arith.muli %parallel_loop3A_159, %parallel_loop3A_160 : i32
      %parallel_loop3A_162 = arith.addi %parallel_loop3A_161, %parallel_loop3A_9 : i32
      %parallel_loop3A_163 = vector.broadcast %parallel_loop3A_162 : i32 to vector<16xi32>
      %parallel_loop3A_164 = arith.addi %mul3A_5, %parallel_loop3A_163 : vector<16xi32>
      %parallel_loop3A_165 = tpu.vector_load_idx %arg8[%parallel_loop3A_164] : memref<6400xi32, #tpu.memory_space<vmem>>[vector<16xi32>], vector<16xi32>,
      %parallel_loop3A_166 = arith.constant 1 : i32
      %parallel_loop3A_167 = vector.broadcast %parallel_loop3A_166 : i32 to vector<16xi32>
      %parallel_loop3A_168 = arith.addi %parallel_loop3A_164, %parallel_loop3A_167 : vector<16xi32>
      %parallel_loop3A_169 = tpu.vector_load_idx %arg8[%parallel_loop3A_168] : memref<6400xi32, #tpu.memory_space<vmem>>[vector<16xi32>], vector<16xi32>,
      %parallel_loop3A_170 = arith.constant 10 : i32
      %parallel_loop3A_171 = vector.broadcast %parallel_loop3A_170 : i32 to vector<16xi32>
      %parallel_loop3A_172 = arith.shli %parallel_loop3A_165, %parallel_loop3A_171 : vector<16xi32>
      %parallel_loop3A_173 = arith.ori %parallel_loop3A_172, %parallel_loop3A_169 : vector<16xi32>
      %parallel_loop3A_174 = arith.constant 8 : i32
      %parallel_loop3A_175 = arith.muli %parallel_loop3A_9, %parallel_loop3A_174 : i32
      %parallel_loop3A_176 = arith.addi %parallel_loop3A_175, %parallel_loop3A_159 : i32
      %parallel_loop3A_177 = arith.constant 16 : i32
      %parallel_loop3A_178 = arith.muli %parallel_loop3A_176, %parallel_loop3A_177 : i32
      %parallel_loop3A_179 = arith.constant -1640531527 : i32
      %parallel_loop3A_180 = vector.broadcast %parallel_loop3A_179 : i32 to vector<16xi32>
      %parallel_loop3A_181 = arith.xori %parallel_loop3A_173, %parallel_loop3A_180 : vector<16xi32>
      %parallel_loop3A_182 = arith.constant 16 : i32
      %parallel_loop3A_183 = vector.broadcast %parallel_loop3A_182 : i32 to vector<16xi32>
      %parallel_loop3A_184 = arith.shrui %parallel_loop3A_181, %parallel_loop3A_183 : vector<16xi32>
      %parallel_loop3A_185 = arith.xori %parallel_loop3A_181, %parallel_loop3A_184 : vector<16xi32>
      %parallel_loop3A_186 = arith.constant 2146121005 : i32
      %parallel_loop3A_187 = vector.broadcast %parallel_loop3A_186 : i32 to vector<16xi32>
      %parallel_loop3A_188 = arith.muli %parallel_loop3A_185, %parallel_loop3A_187 : vector<16xi32>
      %parallel_loop3A_189 = arith.constant 15 : i32
      %parallel_loop3A_190 = vector.broadcast %parallel_loop3A_189 : i32 to vector<16xi32>
      %parallel_loop3A_191 = arith.shrui %parallel_loop3A_188, %parallel_loop3A_190 : vector<16xi32>
      %parallel_loop3A_192 = arith.xori %parallel_loop3A_188, %parallel_loop3A_191 : vector<16xi32>
      %parallel_loop3A_193 = arith.constant -2073254261 : i32
      %parallel_loop3A_194 = vector.broadcast %parallel_loop3A_193 : i32 to vector<16xi32>
      %parallel_loop3A_195 = arith.muli %parallel_loop3A_192, %parallel_loop3A_194 : vector<16xi32>
      %parallel_loop3A_196 = arith.constant 16 : i32
      %parallel_loop3A_197 = vector.broadcast %parallel_loop3A_196 : i32 to vector<16xi32>
      %parallel_loop3A_198 = arith.shrui %parallel_loop3A_195, %parallel_loop3A_197 : vector<16xi32>
      %parallel_loop3A_199 = arith.xori %parallel_loop3A_195, %parallel_loop3A_198 : vector<16xi32>
      %parallel_loop3A_200 = arith.constant 8191 : i32
      %parallel_loop3A_201 = vector.broadcast %parallel_loop3A_200 : i32 to vector<16xi32>
      %parallel_loop3A_202 = arith.andi %parallel_loop3A_199, %parallel_loop3A_201 : vector<16xi32>
      %parallel_loop3A_203 = arith.index_cast %parallel_loop3A_178 : i32 to index
      %parallel_loop3A_204 = tpu.vector_load %arg9[%parallel_loop3A_203] {strides = array<i32>} : memref<6272xi32, #tpu.memory_space<vmem>>, vector<16xi32>,
      tpu.vector_store %arg9[%parallel_loop3A_203], %parallel_loop3A_202 {strides = array<i32>} : memref<6272xi32, #tpu.memory_space<vmem>>, vector<16xi32>,
      %parallel_loop3A_205 = arith.constant -1084733587 : i32
      %parallel_loop3A_206 = vector.broadcast %parallel_loop3A_205 : i32 to vector<16xi32>
      %parallel_loop3A_207 = arith.xori %parallel_loop3A_173, %parallel_loop3A_206 : vector<16xi32>
      %parallel_loop3A_208 = arith.constant 16 : i32
      %parallel_loop3A_209 = vector.broadcast %parallel_loop3A_208 : i32 to vector<16xi32>
      %parallel_loop3A_210 = arith.shrui %parallel_loop3A_207, %parallel_loop3A_209 : vector<16xi32>
      %parallel_loop3A_211 = arith.xori %parallel_loop3A_207, %parallel_loop3A_210 : vector<16xi32>
      %parallel_loop3A_212 = arith.constant 2146121005 : i32
      %parallel_loop3A_213 = vector.broadcast %parallel_loop3A_212 : i32 to vector<16xi32>
      %parallel_loop3A_214 = arith.muli %parallel_loop3A_211, %parallel_loop3A_213 : vector<16xi32>
      %parallel_loop3A_215 = arith.constant 15 : i32
      %parallel_loop3A_216 = vector.broadcast %parallel_loop3A_215 : i32 to vector<16xi32>
      %parallel_loop3A_217 = arith.shrui %parallel_loop3A_214, %parallel_loop3A_216 : vector<16xi32>
      %parallel_loop3A_218 = arith.xori %parallel_loop3A_214, %parallel_loop3A_217 : vector<16xi32>
      %parallel_loop3A_219 = arith.constant -2073254261 : i32
      %parallel_loop3A_220 = vector.broadcast %parallel_loop3A_219 : i32 to vector<16xi32>
      %parallel_loop3A_221 = arith.muli %parallel_loop3A_218, %parallel_loop3A_220 : vector<16xi32>
      %parallel_loop3A_222 = arith.constant 16 : i32
      %parallel_loop3A_223 = vector.broadcast %parallel_loop3A_222 : i32 to vector<16xi32>
      %parallel_loop3A_224 = arith.shrui %parallel_loop3A_221, %parallel_loop3A_223 : vector<16xi32>
      %parallel_loop3A_225 = arith.xori %parallel_loop3A_221, %parallel_loop3A_224 : vector<16xi32>
      %parallel_loop3A_226 = arith.constant 8191 : i32
      %parallel_loop3A_227 = vector.broadcast %parallel_loop3A_226 : i32 to vector<16xi32>
      %parallel_loop3A_228 = arith.andi %parallel_loop3A_225, %parallel_loop3A_227 : vector<16xi32>
      %parallel_loop3A_229 = arith.index_cast %parallel_loop3A_178 : i32 to index
      %parallel_loop3A_230 = tpu.vector_load %arg10[%parallel_loop3A_229] {strides = array<i32>} : memref<6272xi32, #tpu.memory_space<vmem>>, vector<16xi32>,
      tpu.vector_store %arg10[%parallel_loop3A_229], %parallel_loop3A_228 {strides = array<i32>} : memref<6272xi32, #tpu.memory_space<vmem>>, vector<16xi32>,
      %parallel_loop3A_231 = arith.constant -1798288965 : i32
      %parallel_loop3A_232 = vector.broadcast %parallel_loop3A_231 : i32 to vector<16xi32>
      %parallel_loop3A_233 = arith.xori %parallel_loop3A_173, %parallel_loop3A_232 : vector<16xi32>
      %parallel_loop3A_234 = arith.constant 16 : i32
      %parallel_loop3A_235 = vector.broadcast %parallel_loop3A_234 : i32 to vector<16xi32>
      %parallel_loop3A_236 = arith.shrui %parallel_loop3A_233, %parallel_loop3A_235 : vector<16xi32>
      %parallel_loop3A_237 = arith.xori %parallel_loop3A_233, %parallel_loop3A_236 : vector<16xi32>
      %parallel_loop3A_238 = arith.constant 2146121005 : i32
      %parallel_loop3A_239 = vector.broadcast %parallel_loop3A_238 : i32 to vector<16xi32>
      %parallel_loop3A_240 = arith.muli %parallel_loop3A_237, %parallel_loop3A_239 : vector<16xi32>
      %parallel_loop3A_241 = arith.constant 15 : i32
      %parallel_loop3A_242 = vector.broadcast %parallel_loop3A_241 : i32 to vector<16xi32>
      %parallel_loop3A_243 = arith.shrui %parallel_loop3A_240, %parallel_loop3A_242 : vector<16xi32>
      %parallel_loop3A_244 = arith.xori %parallel_loop3A_240, %parallel_loop3A_243 : vector<16xi32>
      %parallel_loop3A_245 = arith.constant -2073254261 : i32
      %parallel_loop3A_246 = vector.broadcast %parallel_loop3A_245 : i32 to vector<16xi32>
      %parallel_loop3A_247 = arith.muli %parallel_loop3A_244, %parallel_loop3A_246 : vector<16xi32>
      %parallel_loop3A_248 = arith.constant 16 : i32
      %parallel_loop3A_249 = vector.broadcast %parallel_loop3A_248 : i32 to vector<16xi32>
      %parallel_loop3A_250 = arith.shrui %parallel_loop3A_247, %parallel_loop3A_249 : vector<16xi32>
      %parallel_loop3A_251 = arith.xori %parallel_loop3A_247, %parallel_loop3A_250 : vector<16xi32>
      %parallel_loop3A_252 = arith.constant 8191 : i32
      %parallel_loop3A_253 = vector.broadcast %parallel_loop3A_252 : i32 to vector<16xi32>
      %parallel_loop3A_254 = arith.andi %parallel_loop3A_251, %parallel_loop3A_253 : vector<16xi32>
      %parallel_loop3A_255 = arith.index_cast %parallel_loop3A_178 : i32 to index
      %parallel_loop3A_256 = tpu.vector_load %arg11[%parallel_loop3A_255] {strides = array<i32>} : memref<6272xi32, #tpu.memory_space<vmem>>, vector<16xi32>,
      tpu.vector_store %arg11[%parallel_loop3A_255], %parallel_loop3A_254 {strides = array<i32>} : memref<6272xi32, #tpu.memory_space<vmem>>, vector<16xi32>,
      %parallel_loop3A_257 = arith.constant -1045087206 : i32
      %parallel_loop3A_258 = vector.broadcast %parallel_loop3A_257 : i32 to vector<16xi32>
      %parallel_loop3A_259 = arith.xori %parallel_loop3A_173, %parallel_loop3A_258 : vector<16xi32>
      %parallel_loop3A_260 = arith.constant 16 : i32
      %parallel_loop3A_261 = vector.broadcast %parallel_loop3A_260 : i32 to vector<16xi32>
      %parallel_loop3A_262 = arith.shrui %parallel_loop3A_259, %parallel_loop3A_261 : vector<16xi32>
      %parallel_loop3A_263 = arith.xori %parallel_loop3A_259, %parallel_loop3A_262 : vector<16xi32>
      %parallel_loop3A_264 = arith.constant 2146121005 : i32
      %parallel_loop3A_265 = vector.broadcast %parallel_loop3A_264 : i32 to vector<16xi32>
      %parallel_loop3A_266 = arith.muli %parallel_loop3A_263, %parallel_loop3A_265 : vector<16xi32>
      %parallel_loop3A_267 = arith.constant 15 : i32
      %parallel_loop3A_268 = vector.broadcast %parallel_loop3A_267 : i32 to vector<16xi32>
      %parallel_loop3A_269 = arith.shrui %parallel_loop3A_266, %parallel_loop3A_268 : vector<16xi32>
      %parallel_loop3A_270 = arith.xori %parallel_loop3A_266, %parallel_loop3A_269 : vector<16xi32>
      %parallel_loop3A_271 = arith.constant -2073254261 : i32
      %parallel_loop3A_272 = vector.broadcast %parallel_loop3A_271 : i32 to vector<16xi32>
      %parallel_loop3A_273 = arith.muli %parallel_loop3A_270, %parallel_loop3A_272 : vector<16xi32>
      %parallel_loop3A_274 = arith.constant 16 : i32
      %parallel_loop3A_275 = vector.broadcast %parallel_loop3A_274 : i32 to vector<16xi32>
      %parallel_loop3A_276 = arith.shrui %parallel_loop3A_273, %parallel_loop3A_275 : vector<16xi32>
      %parallel_loop3A_277 = arith.xori %parallel_loop3A_273, %parallel_loop3A_276 : vector<16xi32>
      %parallel_loop3A_278 = arith.constant 8191 : i32
      %parallel_loop3A_279 = vector.broadcast %parallel_loop3A_278 : i32 to vector<16xi32>
      %parallel_loop3A_280 = arith.andi %parallel_loop3A_277, %parallel_loop3A_279 : vector<16xi32>
      %parallel_loop3A_281 = arith.index_cast %parallel_loop3A_178 : i32 to index
      %parallel_loop3A_282 = tpu.vector_load %arg12[%parallel_loop3A_281] {strides = array<i32>} : memref<6272xi32, #tpu.memory_space<vmem>>, vector<16xi32>,
      tpu.vector_store %arg12[%parallel_loop3A_281], %parallel_loop3A_280 {strides = array<i32>} : memref<6272xi32, #tpu.memory_space<vmem>>, vector<16xi32>,
    } {sc.loop_unroll_factor = 2 : i64, sc.parallel_access}
    %parallel_loop3A_10 = arith.constant 0 : i32
    %parallel_loop3A_11 = arith.constant 8 : i32
    %parallel_loop3A_12 = arith.constant 1 : i32
    %parallel_loop3A_13 = arith.constant 1 : i32
    scf.for %parallel_loop3A_159 = %parallel_loop3A_10 to %parallel_loop3A_11 step %parallel_loop3A_12  : i32 {
      %parallel_loop3A_160 = arith.constant 800 : i32
      %parallel_loop3A_161 = arith.muli %parallel_loop3A_159, %parallel_loop3A_160 : i32
      %parallel_loop3A_162 = arith.addi %parallel_loop3A_161, %parallel_loop3A_13 : i32
      %parallel_loop3A_163 = vector.broadcast %parallel_loop3A_162 : i32 to vector<16xi32>
      %parallel_loop3A_164 = arith.addi %mul3A_5, %parallel_loop3A_163 : vector<16xi32>
      %parallel_loop3A_165 = tpu.vector_load_idx %arg8[%parallel_loop3A_164] : memref<6400xi32, #tpu.memory_space<vmem>>[vector<16xi32>], vector<16xi32>,
      %parallel_loop3A_166 = arith.constant 1 : i32
      %parallel_loop3A_167 = vector.broadcast %parallel_loop3A_166 : i32 to vector<16xi32>
      %parallel_loop3A_168 = arith.addi %parallel_loop3A_164, %parallel_loop3A_167 : vector<16xi32>
      %parallel_loop3A_169 = tpu.vector_load_idx %arg8[%parallel_loop3A_168] : memref<6400xi32, #tpu.memory_space<vmem>>[vector<16xi32>], vector<16xi32>,
      %parallel_loop3A_170 = arith.constant 10 : i32
      %parallel_loop3A_171 = vector.broadcast %parallel_loop3A_170 : i32 to vector<16xi32>
      %parallel_loop3A_172 = arith.shli %parallel_loop3A_165, %parallel_loop3A_171 : vector<16xi32>
      %parallel_loop3A_173 = arith.ori %parallel_loop3A_172, %parallel_loop3A_169 : vector<16xi32>
      %parallel_loop3A_174 = arith.constant 8 : i32
      %parallel_loop3A_175 = arith.muli %parallel_loop3A_13, %parallel_loop3A_174 : i32
      %parallel_loop3A_176 = arith.addi %parallel_loop3A_175, %parallel_loop3A_159 : i32
      %parallel_loop3A_177 = arith.constant 16 : i32
      %parallel_loop3A_178 = arith.muli %parallel_loop3A_176, %parallel_loop3A_177 : i32
      %parallel_loop3A_179 = arith.constant -1640531527 : i32
      %parallel_loop3A_180 = vector.broadcast %parallel_loop3A_179 : i32 to vector<16xi32>
      %parallel_loop3A_181 = arith.xori %parallel_loop3A_173, %parallel_loop3A_180 : vector<16xi32>
      %parallel_loop3A_182 = arith.constant 16 : i32
      %parallel_loop3A_183 = vector.broadcast %parallel_loop3A_182 : i32 to vector<16xi32>
      %parallel_loop3A_184 = arith.shrui %parallel_loop3A_181, %parallel_loop3A_183 : vector<16xi32>
      %parallel_loop3A_185 = arith.xori %parallel_loop3A_181, %parallel_loop3A_184 : vector<16xi32>
      %parallel_loop3A_186 = arith.constant 2146121005 : i32
      %parallel_loop3A_187 = vector.broadcast %parallel_loop3A_186 : i32 to vector<16xi32>
      %parallel_loop3A_188 = arith.muli %parallel_loop3A_185, %parallel_loop3A_187 : vector<16xi32>
      %parallel_loop3A_189 = arith.constant 15 : i32
      %parallel_loop3A_190 = vector.broadcast %parallel_loop3A_189 : i32 to vector<16xi32>
      %parallel_loop3A_191 = arith.shrui %parallel_loop3A_188, %parallel_loop3A_190 : vector<16xi32>
      %parallel_loop3A_192 = arith.xori %parallel_loop3A_188, %parallel_loop3A_191 : vector<16xi32>
      %parallel_loop3A_193 = arith.constant -2073254261 : i32
      %parallel_loop3A_194 = vector.broadcast %parallel_loop3A_193 : i32 to vector<16xi32>
      %parallel_loop3A_195 = arith.muli %parallel_loop3A_192, %parallel_loop3A_194 : vector<16xi32>
      %parallel_loop3A_196 = arith.constant 16 : i32
      %parallel_loop3A_197 = vector.broadcast %parallel_loop3A_196 : i32 to vector<16xi32>
      %parallel_loop3A_198 = arith.shrui %parallel_loop3A_195, %parallel_loop3A_197 : vector<16xi32>
      %parallel_loop3A_199 = arith.xori %parallel_loop3A_195, %parallel_loop3A_198 : vector<16xi32>
      %parallel_loop3A_200 = arith.constant 8191 : i32
      %parallel_loop3A_201 = vector.broadcast %parallel_loop3A_200 : i32 to vector<16xi32>
      %parallel_loop3A_202 = arith.andi %parallel_loop3A_199, %parallel_loop3A_201 : vector<16xi32>
      %parallel_loop3A_203 = arith.index_cast %parallel_loop3A_178 : i32 to index
      %parallel_loop3A_204 = tpu.vector_load %arg9[%parallel_loop3A_203] {strides = array<i32>} : memref<6272xi32, #tpu.memory_space<vmem>>, vector<16xi32>,
      tpu.vector_store %arg9[%parallel_loop3A_203], %parallel_loop3A_202 {strides = array<i32>} : memref<6272xi32, #tpu.memory_space<vmem>>, vector<16xi32>,
      %parallel_loop3A_205 = arith.constant -1084733587 : i32
      %parallel_loop3A_206 = vector.broadcast %parallel_loop3A_205 : i32 to vector<16xi32>
      %parallel_loop3A_207 = arith.xori %parallel_loop3A_173, %parallel_loop3A_206 : vector<16xi32>
      %parallel_loop3A_208 = arith.constant 16 : i32
      %parallel_loop3A_209 = vector.broadcast %parallel_loop3A_208 : i32 to vector<16xi32>
      %parallel_loop3A_210 = arith.shrui %parallel_loop3A_207, %parallel_loop3A_209 : vector<16xi32>
      %parallel_loop3A_211 = arith.xori %parallel_loop3A_207, %parallel_loop3A_210 : vector<16xi32>
      %parallel_loop3A_212 = arith.constant 2146121005 : i32
      %parallel_loop3A_213 = vector.broadcast %parallel_loop3A_212 : i32 to vector<16xi32>
      %parallel_loop3A_214 = arith.muli %parallel_loop3A_211, %parallel_loop3A_213 : vector<16xi32>
      %parallel_loop3A_215 = arith.constant 15 : i32
      %parallel_loop3A_216 = vector.broadcast %parallel_loop3A_215 : i32 to vector<16xi32>
      %parallel_loop3A_217 = arith.shrui %parallel_loop3A_214, %parallel_loop3A_216 : vector<16xi32>
      %parallel_loop3A_218 = arith.xori %parallel_loop3A_214, %parallel_loop3A_217 : vector<16xi32>
      %parallel_loop3A_219 = arith.constant -2073254261 : i32
      %parallel_loop3A_220 = vector.broadcast %parallel_loop3A_219 : i32 to vector<16xi32>
      %parallel_loop3A_221 = arith.muli %parallel_loop3A_218, %parallel_loop3A_220 : vector<16xi32>
      %parallel_loop3A_222 = arith.constant 16 : i32
      %parallel_loop3A_223 = vector.broadcast %parallel_loop3A_222 : i32 to vector<16xi32>
      %parallel_loop3A_224 = arith.shrui %parallel_loop3A_221, %parallel_loop3A_223 : vector<16xi32>
      %parallel_loop3A_225 = arith.xori %parallel_loop3A_221, %parallel_loop3A_224 : vector<16xi32>
      %parallel_loop3A_226 = arith.constant 8191 : i32
      %parallel_loop3A_227 = vector.broadcast %parallel_loop3A_226 : i32 to vector<16xi32>
      %parallel_loop3A_228 = arith.andi %parallel_loop3A_225, %parallel_loop3A_227 : vector<16xi32>
      %parallel_loop3A_229 = arith.index_cast %parallel_loop3A_178 : i32 to index
      %parallel_loop3A_230 = tpu.vector_load %arg10[%parallel_loop3A_229] {strides = array<i32>} : memref<6272xi32, #tpu.memory_space<vmem>>, vector<16xi32>,
      tpu.vector_store %arg10[%parallel_loop3A_229], %parallel_loop3A_228 {strides = array<i32>} : memref<6272xi32, #tpu.memory_space<vmem>>, vector<16xi32>,
      %parallel_loop3A_231 = arith.constant -1798288965 : i32
      %parallel_loop3A_232 = vector.broadcast %parallel_loop3A_231 : i32 to vector<16xi32>
      %parallel_loop3A_233 = arith.xori %parallel_loop3A_173, %parallel_loop3A_232 : vector<16xi32>
      %parallel_loop3A_234 = arith.constant 16 : i32
      %parallel_loop3A_235 = vector.broadcast %parallel_loop3A_234 : i32 to vector<16xi32>
      %parallel_loop3A_236 = arith.shrui %parallel_loop3A_233, %parallel_loop3A_235 : vector<16xi32>
      %parallel_loop3A_237 = arith.xori %parallel_loop3A_233, %parallel_loop3A_236 : vector<16xi32>
      %parallel_loop3A_238 = arith.constant 2146121005 : i32
      %parallel_loop3A_239 = vector.broadcast %parallel_loop3A_238 : i32 to vector<16xi32>
      %parallel_loop3A_240 = arith.muli %parallel_loop3A_237, %parallel_loop3A_239 : vector<16xi32>
      %parallel_loop3A_241 = arith.constant 15 : i32
      %parallel_loop3A_242 = vector.broadcast %parallel_loop3A_241 : i32 to vector<16xi32>
      %parallel_loop3A_243 = arith.shrui %parallel_loop3A_240, %parallel_loop3A_242 : vector<16xi32>
      %parallel_loop3A_244 = arith.xori %parallel_loop3A_240, %parallel_loop3A_243 : vector<16xi32>
      %parallel_loop3A_245 = arith.constant -2073254261 : i32
      %parallel_loop3A_246 = vector.broadcast %parallel_loop3A_245 : i32 to vector<16xi32>
      %parallel_loop3A_247 = arith.muli %parallel_loop3A_244, %parallel_loop3A_246 : vector<16xi32>
      %parallel_loop3A_248 = arith.constant 16 : i32
      %parallel_loop3A_249 = vector.broadcast %parallel_loop3A_248 : i32 to vector<16xi32>
      %parallel_loop3A_250 = arith.shrui %parallel_loop3A_247, %parallel_loop3A_249 : vector<16xi32>
      %parallel_loop3A_251 = arith.xori %parallel_loop3A_247, %parallel_loop3A_250 : vector<16xi32>
      %parallel_loop3A_252 = arith.constant 8191 : i32
      %parallel_loop3A_253 = vector.broadcast %parallel_loop3A_252 : i32 to vector<16xi32>
      %parallel_loop3A_254 = arith.andi %parallel_loop3A_251, %parallel_loop3A_253 : vector<16xi32>
      %parallel_loop3A_255 = arith.index_cast %parallel_loop3A_178 : i32 to index
      %parallel_loop3A_256 = tpu.vector_load %arg11[%parallel_loop3A_255] {strides = array<i32>} : memref<6272xi32, #tpu.memory_space<vmem>>, vector<16xi32>,
      tpu.vector_store %arg11[%parallel_loop3A_255], %parallel_loop3A_254 {strides = array<i32>} : memref<6272xi32, #tpu.memory_space<vmem>>, vector<16xi32>,
      %parallel_loop3A_257 = arith.constant -1045087206 : i32
      %parallel_loop3A_258 = vector.broadcast %parallel_loop3A_257 : i32 to vector<16xi32>
      %parallel_loop3A_259 = arith.xori %parallel_loop3A_173, %parallel_loop3A_258 : vector<16xi32>
      %parallel_loop3A_260 = arith.constant 16 : i32
      %parallel_loop3A_261 = vector.broadcast %parallel_loop3A_260 : i32 to vector<16xi32>
      %parallel_loop3A_262 = arith.shrui %parallel_loop3A_259, %parallel_loop3A_261 : vector<16xi32>
      %parallel_loop3A_263 = arith.xori %parallel_loop3A_259, %parallel_loop3A_262 : vector<16xi32>
      %parallel_loop3A_264 = arith.constant 2146121005 : i32
      %parallel_loop3A_265 = vector.broadcast %parallel_loop3A_264 : i32 to vector<16xi32>
      %parallel_loop3A_266 = arith.muli %parallel_loop3A_263, %parallel_loop3A_265 : vector<16xi32>
      %parallel_loop3A_267 = arith.constant 15 : i32
      %parallel_loop3A_268 = vector.broadcast %parallel_loop3A_267 : i32 to vector<16xi32>
      %parallel_loop3A_269 = arith.shrui %parallel_loop3A_266, %parallel_loop3A_268 : vector<16xi32>
      %parallel_loop3A_270 = arith.xori %parallel_loop3A_266, %parallel_loop3A_269 : vector<16xi32>
      %parallel_loop3A_271 = arith.constant -2073254261 : i32
      %parallel_loop3A_272 = vector.broadcast %parallel_loop3A_271 : i32 to vector<16xi32>
      %parallel_loop3A_273 = arith.muli %parallel_loop3A_270, %parallel_loop3A_272 : vector<16xi32>
      %parallel_loop3A_274 = arith.constant 16 : i32
      %parallel_loop3A_275 = vector.broadcast %parallel_loop3A_274 : i32 to vector<16xi32>
      %parallel_loop3A_276 = arith.shrui %parallel_loop3A_273, %parallel_loop3A_275 : vector<16xi32>
      %parallel_loop3A_277 = arith.xori %parallel_loop3A_273, %parallel_loop3A_276 : vector<16xi32>
      %parallel_loop3A_278 = arith.constant 8191 : i32
      %parallel_loop3A_279 = vector.broadcast %parallel_loop3A_278 : i32 to vector<16xi32>
      %parallel_loop3A_280 = arith.andi %parallel_loop3A_277, %parallel_loop3A_279 : vector<16xi32>
      %parallel_loop3A_281 = arith.index_cast %parallel_loop3A_178 : i32 to index
      %parallel_loop3A_282 = tpu.vector_load %arg12[%parallel_loop3A_281] {strides = array<i32>} : memref<6272xi32, #tpu.memory_space<vmem>>, vector<16xi32>,
      tpu.vector_store %arg12[%parallel_loop3A_281], %parallel_loop3A_280 {strides = array<i32>} : memref<6272xi32, #tpu.memory_space<vmem>>, vector<16xi32>,
    } {sc.loop_unroll_factor = 2 : i64, sc.parallel_access}
    %dma_start3A = arith.constant 0 : i32
    %dma_start3A_14 = tpu.memref_slice %arg9[%dma_start3A] : memref<6272xi32, #tpu.memory_space<vmem>> -> memref<128xi32, #tpu.memory_space<vmem>>
    %dma_start3A_15 = arith.constant 0 : i32
    %dma_start3A_16 = arith.constant 0 : i32
    %dma_start3A_17 = tpu.memref_slice %arg3[%dma_start3A_15, %dma_start3A_16] : memref<8192x32xi32, #tpu.memory_space<hbm>> -> memref<8192x32xi32, #tpu.memory_space<hbm>>
    tpu.enqueue_indirect_dma source(%dma_start3A_17 : memref<8192x32xi32, #tpu.memory_space<hbm>>) target(%arg13 : memref<128x32xi32, #tpu.memory_space<vmem>>) offsets(%dma_start3A_14 : memref<128xi32, #tpu.memory_space<vmem>>) semaphore(%arg28 : memref<!tpu.dma_semaphore, #tpu.memory_space<semaphore_mem>>)
    %dma_start3A_18 = arith.constant 0 : i32
    %dma_start3A_19 = tpu.memref_slice %arg10[%dma_start3A_18] : memref<6272xi32, #tpu.memory_space<vmem>> -> memref<128xi32, #tpu.memory_space<vmem>>
    %dma_start3A_20 = arith.constant 0 : i32
    %dma_start3A_21 = arith.constant 0 : i32
    %dma_start3A_22 = tpu.memref_slice %arg4[%dma_start3A_20, %dma_start3A_21] : memref<8192x32xi32, #tpu.memory_space<hbm>> -> memref<8192x32xi32, #tpu.memory_space<hbm>>
    tpu.enqueue_indirect_dma source(%dma_start3A_22 : memref<8192x32xi32, #tpu.memory_space<hbm>>) target(%arg14 : memref<128x32xi32, #tpu.memory_space<vmem>>) offsets(%dma_start3A_19 : memref<128xi32, #tpu.memory_space<vmem>>) semaphore(%arg28 : memref<!tpu.dma_semaphore, #tpu.memory_space<semaphore_mem>>)
    %dma_start3A_23 = arith.constant 0 : i32
    %dma_start3A_24 = tpu.memref_slice %arg11[%dma_start3A_23] : memref<6272xi32, #tpu.memory_space<vmem>> -> memref<128xi32, #tpu.memory_space<vmem>>
    %dma_start3A_25 = arith.constant 0 : i32
    %dma_start3A_26 = arith.constant 0 : i32
    %dma_start3A_27 = tpu.memref_slice %arg5[%dma_start3A_25, %dma_start3A_26] : memref<8192x32xi32, #tpu.memory_space<hbm>> -> memref<8192x32xi32, #tpu.memory_space<hbm>>
    tpu.enqueue_indirect_dma source(%dma_start3A_27 : memref<8192x32xi32, #tpu.memory_space<hbm>>) target(%arg15 : memref<128x32xi32, #tpu.memory_space<vmem>>) offsets(%dma_start3A_24 : memref<128xi32, #tpu.memory_space<vmem>>) semaphore(%arg28 : memref<!tpu.dma_semaphore, #tpu.memory_space<semaphore_mem>>)
    %dma_start3A_28 = arith.constant 0 : i32
    %dma_start3A_29 = tpu.memref_slice %arg12[%dma_start3A_28] : memref<6272xi32, #tpu.memory_space<vmem>> -> memref<128xi32, #tpu.memory_space<vmem>>
    %dma_start3A_30 = arith.constant 0 : i32
    %dma_start3A_31 = arith.constant 0 : i32
    %dma_start3A_32 = tpu.memref_slice %arg6[%dma_start3A_30, %dma_start3A_31] : memref<8192x32xi32, #tpu.memory_space<hbm>> -> memref<8192x32xi32, #tpu.memory_space<hbm>>
    tpu.enqueue_indirect_dma source(%dma_start3A_32 : memref<8192x32xi32, #tpu.memory_space<hbm>>) target(%arg16 : memref<128x32xi32, #tpu.memory_space<vmem>>) offsets(%dma_start3A_29 : memref<128xi32, #tpu.memory_space<vmem>>) semaphore(%arg28 : memref<!tpu.dma_semaphore, #tpu.memory_space<semaphore_mem>>)
    %dma_start3A_33 = arith.constant 128 : i32
    %dma_start3A_34 = tpu.memref_slice %arg9[%dma_start3A_33] : memref<6272xi32, #tpu.memory_space<vmem>> -> memref<128xi32, #tpu.memory_space<vmem>>
    %dma_start3A_35 = arith.constant 0 : i32
    %dma_start3A_36 = arith.constant 0 : i32
    %dma_start3A_37 = tpu.memref_slice %arg3[%dma_start3A_35, %dma_start3A_36] : memref<8192x32xi32, #tpu.memory_space<hbm>> -> memref<8192x32xi32, #tpu.memory_space<hbm>>
    tpu.enqueue_indirect_dma source(%dma_start3A_37 : memref<8192x32xi32, #tpu.memory_space<hbm>>) target(%arg17 : memref<128x32xi32, #tpu.memory_space<vmem>>) offsets(%dma_start3A_34 : memref<128xi32, #tpu.memory_space<vmem>>) semaphore(%arg29 : memref<!tpu.dma_semaphore, #tpu.memory_space<semaphore_mem>>)
    %dma_start3A_38 = arith.constant 128 : i32
    %dma_start3A_39 = tpu.memref_slice %arg10[%dma_start3A_38] : memref<6272xi32, #tpu.memory_space<vmem>> -> memref<128xi32, #tpu.memory_space<vmem>>
    %dma_start3A_40 = arith.constant 0 : i32
    %dma_start3A_41 = arith.constant 0 : i32
    %dma_start3A_42 = tpu.memref_slice %arg4[%dma_start3A_40, %dma_start3A_41] : memref<8192x32xi32, #tpu.memory_space<hbm>> -> memref<8192x32xi32, #tpu.memory_space<hbm>>
    tpu.enqueue_indirect_dma source(%dma_start3A_42 : memref<8192x32xi32, #tpu.memory_space<hbm>>) target(%arg18 : memref<128x32xi32, #tpu.memory_space<vmem>>) offsets(%dma_start3A_39 : memref<128xi32, #tpu.memory_space<vmem>>) semaphore(%arg29 : memref<!tpu.dma_semaphore, #tpu.memory_space<semaphore_mem>>)
    %dma_start3A_43 = arith.constant 128 : i32
    %dma_start3A_44 = tpu.memref_slice %arg11[%dma_start3A_43] : memref<6272xi32, #tpu.memory_space<vmem>> -> memref<128xi32, #tpu.memory_space<vmem>>
    %dma_start3A_45 = arith.constant 0 : i32
    %dma_start3A_46 = arith.constant 0 : i32
    %dma_start3A_47 = tpu.memref_slice %arg5[%dma_start3A_45, %dma_start3A_46] : memref<8192x32xi32, #tpu.memory_space<hbm>> -> memref<8192x32xi32, #tpu.memory_space<hbm>>
    tpu.enqueue_indirect_dma source(%dma_start3A_47 : memref<8192x32xi32, #tpu.memory_space<hbm>>) target(%arg19 : memref<128x32xi32, #tpu.memory_space<vmem>>) offsets(%dma_start3A_44 : memref<128xi32, #tpu.memory_space<vmem>>) semaphore(%arg29 : memref<!tpu.dma_semaphore, #tpu.memory_space<semaphore_mem>>)
    %dma_start3A_48 = arith.constant 128 : i32
    %dma_start3A_49 = tpu.memref_slice %arg12[%dma_start3A_48] : memref<6272xi32, #tpu.memory_space<vmem>> -> memref<128xi32, #tpu.memory_space<vmem>>
    %dma_start3A_50 = arith.constant 0 : i32
    %dma_start3A_51 = arith.constant 0 : i32
    %dma_start3A_52 = tpu.memref_slice %arg6[%dma_start3A_50, %dma_start3A_51] : memref<8192x32xi32, #tpu.memory_space<hbm>> -> memref<8192x32xi32, #tpu.memory_space<hbm>>
    tpu.enqueue_indirect_dma source(%dma_start3A_52 : memref<8192x32xi32, #tpu.memory_space<hbm>>) target(%arg20 : memref<128x32xi32, #tpu.memory_space<vmem>>) offsets(%dma_start3A_49 : memref<128xi32, #tpu.memory_space<vmem>>) semaphore(%arg29 : memref<!tpu.dma_semaphore, #tpu.memory_space<semaphore_mem>>)
    %scan3A = arith.constant 0 : i32
    %scan3A_53 = arith.constant 0 : i32
    %scan3A_54 = arith.constant 16 : i32
    %scan3A_55 = arith.addi %scan3A_53, %scan3A_54 : i32
    %scan3A_56 = arith.constant 1 : i32
    scf.for %scan3A_159 = %scan3A_53 to %scan3A_55 step %scan3A_56  : i32 {
      %mul3A_160 = arith.constant 3 : i32
      %mul3A_161 = arith.muli %mul3A_160, %scan3A_159 : i32
      %add3A_162 = arith.constant 0 : i32
      %add3A_163 = arith.addi %mul3A_161, %add3A_162 : i32
      %add3A_164 = arith.constant 2 : i32
      %add3A_165 = arith.addi %add3A_163, %add3A_164 : i32
      %min3A = arith.constant 48 : i32
      %min3A_166 = arith.minsi %add3A_165, %min3A : i32
      %parallel_loop3A_167 = arith.constant 0 : i32
      %parallel_loop3A_168 = arith.constant 8 : i32
      %parallel_loop3A_169 = arith.constant 1 : i32
      scf.for %parallel_loop3A_375 = %parallel_loop3A_167 to %parallel_loop3A_168 step %parallel_loop3A_169  : i32 {
        %parallel_loop3A_376 = arith.constant 800 : i32
        %parallel_loop3A_377 = arith.muli %parallel_loop3A_375, %parallel_loop3A_376 : i32
        %parallel_loop3A_378 = arith.addi %parallel_loop3A_377, %min3A_166 : i32
        %parallel_loop3A_379 = vector.broadcast %parallel_loop3A_378 : i32 to vector<16xi32>
        %parallel_loop3A_380 = arith.addi %mul3A_5, %parallel_loop3A_379 : vector<16xi32>
        %parallel_loop3A_381 = tpu.vector_load_idx %arg8[%parallel_loop3A_380] : memref<6400xi32, #tpu.memory_space<vmem>>[vector<16xi32>], vector<16xi32>,
        %parallel_loop3A_382 = arith.constant 1 : i32
        %parallel_loop3A_383 = vector.broadcast %parallel_loop3A_382 : i32 to vector<16xi32>
        %parallel_loop3A_384 = arith.addi %parallel_loop3A_380, %parallel_loop3A_383 : vector<16xi32>
        %parallel_loop3A_385 = tpu.vector_load_idx %arg8[%parallel_loop3A_384] : memref<6400xi32, #tpu.memory_space<vmem>>[vector<16xi32>], vector<16xi32>,
        %parallel_loop3A_386 = arith.constant 10 : i32
        %parallel_loop3A_387 = vector.broadcast %parallel_loop3A_386 : i32 to vector<16xi32>
        %parallel_loop3A_388 = arith.shli %parallel_loop3A_381, %parallel_loop3A_387 : vector<16xi32>
        %parallel_loop3A_389 = arith.ori %parallel_loop3A_388, %parallel_loop3A_385 : vector<16xi32>
        %parallel_loop3A_390 = arith.constant 8 : i32
        %parallel_loop3A_391 = arith.muli %min3A_166, %parallel_loop3A_390 : i32
        %parallel_loop3A_392 = arith.addi %parallel_loop3A_391, %parallel_loop3A_375 : i32
        %parallel_loop3A_393 = arith.constant 16 : i32
        %parallel_loop3A_394 = arith.muli %parallel_loop3A_392, %parallel_loop3A_393 : i32
        %parallel_loop3A_395 = arith.constant -1640531527 : i32
        %parallel_loop3A_396 = vector.broadcast %parallel_loop3A_395 : i32 to vector<16xi32>
        %parallel_loop3A_397 = arith.xori %parallel_loop3A_389, %parallel_loop3A_396 : vector<16xi32>
        %parallel_loop3A_398 = arith.constant 16 : i32
        %parallel_loop3A_399 = vector.broadcast %parallel_loop3A_398 : i32 to vector<16xi32>
        %parallel_loop3A_400 = arith.shrui %parallel_loop3A_397, %parallel_loop3A_399 : vector<16xi32>
        %parallel_loop3A_401 = arith.xori %parallel_loop3A_397, %parallel_loop3A_400 : vector<16xi32>
        %parallel_loop3A_402 = arith.constant 2146121005 : i32
        %parallel_loop3A_403 = vector.broadcast %parallel_loop3A_402 : i32 to vector<16xi32>
        %parallel_loop3A_404 = arith.muli %parallel_loop3A_401, %parallel_loop3A_403 : vector<16xi32>
        %parallel_loop3A_405 = arith.constant 15 : i32
        %parallel_loop3A_406 = vector.broadcast %parallel_loop3A_405 : i32 to vector<16xi32>
        %parallel_loop3A_407 = arith.shrui %parallel_loop3A_404, %parallel_loop3A_406 : vector<16xi32>
        %parallel_loop3A_408 = arith.xori %parallel_loop3A_404, %parallel_loop3A_407 : vector<16xi32>
        %parallel_loop3A_409 = arith.constant -2073254261 : i32
        %parallel_loop3A_410 = vector.broadcast %parallel_loop3A_409 : i32 to vector<16xi32>
        %parallel_loop3A_411 = arith.muli %parallel_loop3A_408, %parallel_loop3A_410 : vector<16xi32>
        %parallel_loop3A_412 = arith.constant 16 : i32
        %parallel_loop3A_413 = vector.broadcast %parallel_loop3A_412 : i32 to vector<16xi32>
        %parallel_loop3A_414 = arith.shrui %parallel_loop3A_411, %parallel_loop3A_413 : vector<16xi32>
        %parallel_loop3A_415 = arith.xori %parallel_loop3A_411, %parallel_loop3A_414 : vector<16xi32>
        %parallel_loop3A_416 = arith.constant 8191 : i32
        %parallel_loop3A_417 = vector.broadcast %parallel_loop3A_416 : i32 to vector<16xi32>
        %parallel_loop3A_418 = arith.andi %parallel_loop3A_415, %parallel_loop3A_417 : vector<16xi32>
        %parallel_loop3A_419 = arith.index_cast %parallel_loop3A_394 : i32 to index
        %parallel_loop3A_420 = tpu.vector_load %arg9[%parallel_loop3A_419] {strides = array<i32>} : memref<6272xi32, #tpu.memory_space<vmem>>, vector<16xi32>,
        tpu.vector_store %arg9[%parallel_loop3A_419], %parallel_loop3A_418 {strides = array<i32>} : memref<6272xi32, #tpu.memory_space<vmem>>, vector<16xi32>,
        %parallel_loop3A_421 = arith.constant -1084733587 : i32
        %parallel_loop3A_422 = vector.broadcast %parallel_loop3A_421 : i32 to vector<16xi32>
        %parallel_loop3A_423 = arith.xori %parallel_loop3A_389, %parallel_loop3A_422 : vector<16xi32>
        %parallel_loop3A_424 = arith.constant 16 : i32
        %parallel_loop3A_425 = vector.broadcast %parallel_loop3A_424 : i32 to vector<16xi32>
        %parallel_loop3A_426 = arith.shrui %parallel_loop3A_423, %parallel_loop3A_425 : vector<16xi32>
        %parallel_loop3A_427 = arith.xori %parallel_loop3A_423, %parallel_loop3A_426 : vector<16xi32>
        %parallel_loop3A_428 = arith.constant 2146121005 : i32
        %parallel_loop3A_429 = vector.broadcast %parallel_loop3A_428 : i32 to vector<16xi32>
        %parallel_loop3A_430 = arith.muli %parallel_loop3A_427, %parallel_loop3A_429 : vector<16xi32>
        %parallel_loop3A_431 = arith.constant 15 : i32
        %parallel_loop3A_432 = vector.broadcast %parallel_loop3A_431 : i32 to vector<16xi32>
        %parallel_loop3A_433 = arith.shrui %parallel_loop3A_430, %parallel_loop3A_432 : vector<16xi32>
        %parallel_loop3A_434 = arith.xori %parallel_loop3A_430, %parallel_loop3A_433 : vector<16xi32>
        %parallel_loop3A_435 = arith.constant -2073254261 : i32
        %parallel_loop3A_436 = vector.broadcast %parallel_loop3A_435 : i32 to vector<16xi32>
        %parallel_loop3A_437 = arith.muli %parallel_loop3A_434, %parallel_loop3A_436 : vector<16xi32>
        %parallel_loop3A_438 = arith.constant 16 : i32
        %parallel_loop3A_439 = vector.broadcast %parallel_loop3A_438 : i32 to vector<16xi32>
        %parallel_loop3A_440 = arith.shrui %parallel_loop3A_437, %parallel_loop3A_439 : vector<16xi32>
        %parallel_loop3A_441 = arith.xori %parallel_loop3A_437, %parallel_loop3A_440 : vector<16xi32>
        %parallel_loop3A_442 = arith.constant 8191 : i32
        %parallel_loop3A_443 = vector.broadcast %parallel_loop3A_442 : i32 to vector<16xi32>
        %parallel_loop3A_444 = arith.andi %parallel_loop3A_441, %parallel_loop3A_443 : vector<16xi32>
        %parallel_loop3A_445 = arith.index_cast %parallel_loop3A_394 : i32 to index
        %parallel_loop3A_446 = tpu.vector_load %arg10[%parallel_loop3A_445] {strides = array<i32>} : memref<6272xi32, #tpu.memory_space<vmem>>, vector<16xi32>,
        tpu.vector_store %arg10[%parallel_loop3A_445], %parallel_loop3A_444 {strides = array<i32>} : memref<6272xi32, #tpu.memory_space<vmem>>, vector<16xi32>,
        %parallel_loop3A_447 = arith.constant -1798288965 : i32
        %parallel_loop3A_448 = vector.broadcast %parallel_loop3A_447 : i32 to vector<16xi32>
        %parallel_loop3A_449 = arith.xori %parallel_loop3A_389, %parallel_loop3A_448 : vector<16xi32>
        %parallel_loop3A_450 = arith.constant 16 : i32
        %parallel_loop3A_451 = vector.broadcast %parallel_loop3A_450 : i32 to vector<16xi32>
        %parallel_loop3A_452 = arith.shrui %parallel_loop3A_449, %parallel_loop3A_451 : vector<16xi32>
        %parallel_loop3A_453 = arith.xori %parallel_loop3A_449, %parallel_loop3A_452 : vector<16xi32>
        %parallel_loop3A_454 = arith.constant 2146121005 : i32
        %parallel_loop3A_455 = vector.broadcast %parallel_loop3A_454 : i32 to vector<16xi32>
        %parallel_loop3A_456 = arith.muli %parallel_loop3A_453, %parallel_loop3A_455 : vector<16xi32>
        %parallel_loop3A_457 = arith.constant 15 : i32
        %parallel_loop3A_458 = vector.broadcast %parallel_loop3A_457 : i32 to vector<16xi32>
        %parallel_loop3A_459 = arith.shrui %parallel_loop3A_456, %parallel_loop3A_458 : vector<16xi32>
        %parallel_loop3A_460 = arith.xori %parallel_loop3A_456, %parallel_loop3A_459 : vector<16xi32>
        %parallel_loop3A_461 = arith.constant -2073254261 : i32
        %parallel_loop3A_462 = vector.broadcast %parallel_loop3A_461 : i32 to vector<16xi32>
        %parallel_loop3A_463 = arith.muli %parallel_loop3A_460, %parallel_loop3A_462 : vector<16xi32>
        %parallel_loop3A_464 = arith.constant 16 : i32
        %parallel_loop3A_465 = vector.broadcast %parallel_loop3A_464 : i32 to vector<16xi32>
        %parallel_loop3A_466 = arith.shrui %parallel_loop3A_463, %parallel_loop3A_465 : vector<16xi32>
        %parallel_loop3A_467 = arith.xori %parallel_loop3A_463, %parallel_loop3A_466 : vector<16xi32>
        %parallel_loop3A_468 = arith.constant 8191 : i32
        %parallel_loop3A_469 = vector.broadcast %parallel_loop3A_468 : i32 to vector<16xi32>
        %parallel_loop3A_470 = arith.andi %parallel_loop3A_467, %parallel_loop3A_469 : vector<16xi32>
        %parallel_loop3A_471 = arith.index_cast %parallel_loop3A_394 : i32 to index
        %parallel_loop3A_472 = tpu.vector_load %arg11[%parallel_loop3A_471] {strides = array<i32>} : memref<6272xi32, #tpu.memory_space<vmem>>, vector<16xi32>,
        tpu.vector_store %arg11[%parallel_loop3A_471], %parallel_loop3A_470 {strides = array<i32>} : memref<6272xi32, #tpu.memory_space<vmem>>, vector<16xi32>,
        %parallel_loop3A_473 = arith.constant -1045087206 : i32
        %parallel_loop3A_474 = vector.broadcast %parallel_loop3A_473 : i32 to vector<16xi32>
        %parallel_loop3A_475 = arith.xori %parallel_loop3A_389, %parallel_loop3A_474 : vector<16xi32>
        %parallel_loop3A_476 = arith.constant 16 : i32
        %parallel_loop3A_477 = vector.broadcast %parallel_loop3A_476 : i32 to vector<16xi32>
        %parallel_loop3A_478 = arith.shrui %parallel_loop3A_475, %parallel_loop3A_477 : vector<16xi32>
        %parallel_loop3A_479 = arith.xori %parallel_loop3A_475, %parallel_loop3A_478 : vector<16xi32>
        %parallel_loop3A_480 = arith.constant 2146121005 : i32
        %parallel_loop3A_481 = vector.broadcast %parallel_loop3A_480 : i32 to vector<16xi32>
        %parallel_loop3A_482 = arith.muli %parallel_loop3A_479, %parallel_loop3A_481 : vector<16xi32>
        %parallel_loop3A_483 = arith.constant 15 : i32
        %parallel_loop3A_484 = vector.broadcast %parallel_loop3A_483 : i32 to vector<16xi32>
        %parallel_loop3A_485 = arith.shrui %parallel_loop3A_482, %parallel_loop3A_484 : vector<16xi32>
        %parallel_loop3A_486 = arith.xori %parallel_loop3A_482, %parallel_loop3A_485 : vector<16xi32>
        %parallel_loop3A_487 = arith.constant -2073254261 : i32
        %parallel_loop3A_488 = vector.broadcast %parallel_loop3A_487 : i32 to vector<16xi32>
        %parallel_loop3A_489 = arith.muli %parallel_loop3A_486, %parallel_loop3A_488 : vector<16xi32>
        %parallel_loop3A_490 = arith.constant 16 : i32
        %parallel_loop3A_491 = vector.broadcast %parallel_loop3A_490 : i32 to vector<16xi32>
        %parallel_loop3A_492 = arith.shrui %parallel_loop3A_489, %parallel_loop3A_491 : vector<16xi32>
        %parallel_loop3A_493 = arith.xori %parallel_loop3A_489, %parallel_loop3A_492 : vector<16xi32>
        %parallel_loop3A_494 = arith.constant 8191 : i32
        %parallel_loop3A_495 = vector.broadcast %parallel_loop3A_494 : i32 to vector<16xi32>
        %parallel_loop3A_496 = arith.andi %parallel_loop3A_493, %parallel_loop3A_495 : vector<16xi32>
        %parallel_loop3A_497 = arith.index_cast %parallel_loop3A_394 : i32 to index
        %parallel_loop3A_498 = tpu.vector_load %arg12[%parallel_loop3A_497] {strides = array<i32>} : memref<6272xi32, #tpu.memory_space<vmem>>, vector<16xi32>,
        tpu.vector_store %arg12[%parallel_loop3A_497], %parallel_loop3A_496 {strides = array<i32>} : memref<6272xi32, #tpu.memory_space<vmem>>, vector<16xi32>,
      } {sc.loop_unroll_factor = 2 : i64, sc.parallel_access}
      %mul3A_170 = arith.constant 128 : i32
      %mul3A_171 = arith.muli %min3A_166, %mul3A_170 : i32
      %dma_start3A_172 = tpu.memref_slice %arg9[%mul3A_171] : memref<6272xi32, #tpu.memory_space<vmem>> -> memref<128xi32, #tpu.memory_space<vmem>>
      %dma_start3A_173 = arith.constant 0 : i32
      %dma_start3A_174 = arith.constant 0 : i32
      %dma_start3A_175 = tpu.memref_slice %arg3[%dma_start3A_173, %dma_start3A_174] : memref<8192x32xi32, #tpu.memory_space<hbm>> -> memref<8192x32xi32, #tpu.memory_space<hbm>>
      tpu.enqueue_indirect_dma source(%dma_start3A_175 : memref<8192x32xi32, #tpu.memory_space<hbm>>) target(%arg21 : memref<128x32xi32, #tpu.memory_space<vmem>>) offsets(%dma_start3A_172 : memref<128xi32, #tpu.memory_space<vmem>>) semaphore(%arg30 : memref<!tpu.dma_semaphore, #tpu.memory_space<semaphore_mem>>)
      %mul3A_176 = arith.constant 128 : i32
      %mul3A_177 = arith.muli %min3A_166, %mul3A_176 : i32
      %dma_start3A_178 = tpu.memref_slice %arg10[%mul3A_177] : memref<6272xi32, #tpu.memory_space<vmem>> -> memref<128xi32, #tpu.memory_space<vmem>>
      %dma_start3A_179 = arith.constant 0 : i32
      %dma_start3A_180 = arith.constant 0 : i32
      %dma_start3A_181 = tpu.memref_slice %arg4[%dma_start3A_179, %dma_start3A_180] : memref<8192x32xi32, #tpu.memory_space<hbm>> -> memref<8192x32xi32, #tpu.memory_space<hbm>>
      tpu.enqueue_indirect_dma source(%dma_start3A_181 : memref<8192x32xi32, #tpu.memory_space<hbm>>) target(%arg22 : memref<128x32xi32, #tpu.memory_space<vmem>>) offsets(%dma_start3A_178 : memref<128xi32, #tpu.memory_space<vmem>>) semaphore(%arg30 : memref<!tpu.dma_semaphore, #tpu.memory_space<semaphore_mem>>)
      %mul3A_182 = arith.constant 128 : i32
      %mul3A_183 = arith.muli %min3A_166, %mul3A_182 : i32
      %dma_start3A_184 = tpu.memref_slice %arg11[%mul3A_183] : memref<6272xi32, #tpu.memory_space<vmem>> -> memref<128xi32, #tpu.memory_space<vmem>>
      %dma_start3A_185 = arith.constant 0 : i32
      %dma_start3A_186 = arith.constant 0 : i32
      %dma_start3A_187 = tpu.memref_slice %arg5[%dma_start3A_185, %dma_start3A_186] : memref<8192x32xi32, #tpu.memory_space<hbm>> -> memref<8192x32xi32, #tpu.memory_space<hbm>>
      tpu.enqueue_indirect_dma source(%dma_start3A_187 : memref<8192x32xi32, #tpu.memory_space<hbm>>) target(%arg23 : memref<128x32xi32, #tpu.memory_space<vmem>>) offsets(%dma_start3A_184 : memref<128xi32, #tpu.memory_space<vmem>>) semaphore(%arg30 : memref<!tpu.dma_semaphore, #tpu.memory_space<semaphore_mem>>)
      %mul3A_188 = arith.constant 128 : i32
      %mul3A_189 = arith.muli %min3A_166, %mul3A_188 : i32
      %dma_start3A_190 = tpu.memref_slice %arg12[%mul3A_189] : memref<6272xi32, #tpu.memory_space<vmem>> -> memref<128xi32, #tpu.memory_space<vmem>>
      %dma_start3A_191 = arith.constant 0 : i32
      %dma_start3A_192 = arith.constant 0 : i32
      %dma_start3A_193 = tpu.memref_slice %arg6[%dma_start3A_191, %dma_start3A_192] : memref<8192x32xi32, #tpu.memory_space<hbm>> -> memref<8192x32xi32, #tpu.memory_space<hbm>>
      tpu.enqueue_indirect_dma source(%dma_start3A_193 : memref<8192x32xi32, #tpu.memory_space<hbm>>) target(%arg24 : memref<128x32xi32, #tpu.memory_space<vmem>>) offsets(%dma_start3A_190 : memref<128xi32, #tpu.memory_space<vmem>>) semaphore(%arg30 : memref<!tpu.dma_semaphore, #tpu.memory_space<semaphore_mem>>)
      %dma_wait3A_194 = arith.constant 0 : i32
      %dma_wait3A_195 = tpu.memref_slice %arg9[%dma_wait3A_194] : memref<6272xi32, #tpu.memory_space<vmem>> -> memref<128xi32, #tpu.memory_space<vmem>>
      %dma_wait3A_196 = arith.constant 0 : i32
      %dma_wait3A_197 = arith.constant 0 : i32
      %dma_wait3A_198 = tpu.memref_slice %arg3[%dma_wait3A_196, %dma_wait3A_197] : memref<8192x32xi32, #tpu.memory_space<hbm>> -> memref<8192x32xi32, #tpu.memory_space<hbm>>
      tpu.wait_indirect_dma semaphore(%arg28 : memref<!tpu.dma_semaphore, #tpu.memory_space<semaphore_mem>>) src(%dma_wait3A_198 : memref<8192x32xi32, #tpu.memory_space<hbm>>) dst(%arg13 : memref<128x32xi32, #tpu.memory_space<vmem>>)
      %dma_wait3A_199 = arith.constant 0 : i32
      %dma_wait3A_200 = tpu.memref_slice %arg10[%dma_wait3A_199] : memref<6272xi32, #tpu.memory_space<vmem>> -> memref<128xi32, #tpu.memory_space<vmem>>
      %dma_wait3A_201 = arith.constant 0 : i32
      %dma_wait3A_202 = arith.constant 0 : i32
      %dma_wait3A_203 = tpu.memref_slice %arg4[%dma_wait3A_201, %dma_wait3A_202] : memref<8192x32xi32, #tpu.memory_space<hbm>> -> memref<8192x32xi32, #tpu.memory_space<hbm>>
      tpu.wait_indirect_dma semaphore(%arg28 : memref<!tpu.dma_semaphore, #tpu.memory_space<semaphore_mem>>) src(%dma_wait3A_203 : memref<8192x32xi32, #tpu.memory_space<hbm>>) dst(%arg14 : memref<128x32xi32, #tpu.memory_space<vmem>>)
      %dma_wait3A_204 = arith.constant 0 : i32
      %dma_wait3A_205 = tpu.memref_slice %arg11[%dma_wait3A_204] : memref<6272xi32, #tpu.memory_space<vmem>> -> memref<128xi32, #tpu.memory_space<vmem>>
      %dma_wait3A_206 = arith.constant 0 : i32
      %dma_wait3A_207 = arith.constant 0 : i32
      %dma_wait3A_208 = tpu.memref_slice %arg5[%dma_wait3A_206, %dma_wait3A_207] : memref<8192x32xi32, #tpu.memory_space<hbm>> -> memref<8192x32xi32, #tpu.memory_space<hbm>>
      tpu.wait_indirect_dma semaphore(%arg28 : memref<!tpu.dma_semaphore, #tpu.memory_space<semaphore_mem>>) src(%dma_wait3A_208 : memref<8192x32xi32, #tpu.memory_space<hbm>>) dst(%arg15 : memref<128x32xi32, #tpu.memory_space<vmem>>)
      %dma_wait3A_209 = arith.constant 0 : i32
      %dma_wait3A_210 = tpu.memref_slice %arg12[%dma_wait3A_209] : memref<6272xi32, #tpu.memory_space<vmem>> -> memref<128xi32, #tpu.memory_space<vmem>>
      %dma_wait3A_211 = arith.constant 0 : i32
      %dma_wait3A_212 = arith.constant 0 : i32
      %dma_wait3A_213 = tpu.memref_slice %arg6[%dma_wait3A_211, %dma_wait3A_212] : memref<8192x32xi32, #tpu.memory_space<hbm>> -> memref<8192x32xi32, #tpu.memory_space<hbm>>
      tpu.wait_indirect_dma semaphore(%arg28 : memref<!tpu.dma_semaphore, #tpu.memory_space<semaphore_mem>>) src(%dma_wait3A_213 : memref<8192x32xi32, #tpu.memory_space<hbm>>) dst(%arg16 : memref<128x32xi32, #tpu.memory_space<vmem>>)
      %gt3A = arith.constant 0 : i32
      %gt3A_214 = arith.cmpi sgt, %scan3A_159, %gt3A : i32
      %convert_element_type3A = arith.extui %gt3A_214 : i1 to i32
      %cond3A = arith.constant 0 : i32
      %cond3A_215 = arith.cmpi ne, %convert_element_type3A, %cond3A : i32
      scf.if %cond3A_215 {
        %dma_wait3A_375 = arith.constant 0 : i32
        %dma_wait3A_376 = arith.constant 0 : i32
        %dma_wait3A_377 = arith.constant 0 : i32
        %dma_wait3A_378 = arith.constant 0 : i32
        %dma_wait3A_379 = arith.constant 0 : i32
        %dma_wait3A_380 = tpu.memref_slice %arg7[%dma_wait3A_375, %dma_wait3A_377, %dma_wait3A_376, %dma_wait3A_378, %dma_wait3A_379] : memref<49x8x32x8x128xf32, #tpu.memory_space<hbm>> -> memref<1x8x1x8x128xf32, #tpu.memory_space<hbm>>
        %dma_wait3A_381 = tpu.memref_squeeze %dma_wait3A_380 : memref<1x8x1x8x128xf32, #tpu.memory_space<hbm>> -> memref<8x8x128xf32, #tpu.memory_space<hbm>>
        %dma_wait3A_382 = arith.constant 0 : i32
        %dma_wait3A_383 = arith.constant 0 : i32
        %dma_wait3A_384 = arith.constant 0 : i32
        %dma_wait3A_385 = tpu.memref_slice %arg7[%dma_wait3A_375, %dma_wait3A_382, %dma_wait3A_376, %dma_wait3A_383, %dma_wait3A_384] : memref<49x8x32x8x128xf32, #tpu.memory_space<hbm>> -> memref<1x8x1x8x128xf32, #tpu.memory_space<hbm>>
        %dma_wait3A_386 = tpu.memref_squeeze %dma_wait3A_385 : memref<1x8x1x8x128xf32, #tpu.memory_space<hbm>> -> memref<8x8x128xf32, #tpu.memory_space<hbm>>
        tpu.wait_dma2 semaphore(%arg31 : memref<!tpu.dma_semaphore, #tpu.memory_space<semaphore_mem>>) src(%arg25 : memref<8x8x128xf32, #tpu.memory_space<vmem>>) dst(%dma_wait3A_386 : memref<8x8x128xf32, #tpu.memory_space<hbm>>)
      } else {
      }
      %parallel_loop3A_216 = arith.constant 0 : i32
      %parallel_loop3A_217 = arith.constant 16 : i32
      %parallel_loop3A_218 = arith.constant 1 : i32
      scf.for %parallel_loop3A_375 = %parallel_loop3A_216 to %parallel_loop3A_217 step %parallel_loop3A_218  : i32 {
        %parallel_loop3A_376 = vector.broadcast %parallel_loop3A_375 : i32 to vector<16xi32>
        %parallel_loop3A_377 = arith.addi %iota3A, %parallel_loop3A_376 : vector<16xi32>
        %parallel_loop3A_378 = arith.constant 15 : i32
        %parallel_loop3A_379 = vector.broadcast %parallel_loop3A_378 : i32 to vector<16xi32>
        %parallel_loop3A_380 = arith.andi %parallel_loop3A_377, %parallel_loop3A_379 : vector<16xi32>
        %parallel_loop3A_381 = arith.constant 0 : i32
        %parallel_loop3A_382 = vector.broadcast %parallel_loop3A_381 : i32 to vector<16xi32>
        %parallel_loop3A_383 = arith.addi %parallel_loop3A_380, %parallel_loop3A_382 : vector<16xi32>
        %parallel_loop3A_384 = arith.constant 2 : i32
        %parallel_loop3A_385 = vector.broadcast %parallel_loop3A_384 : i32 to vector<16xi32>
        %parallel_loop3A_386 = arith.muli %parallel_loop3A_383, %parallel_loop3A_385 : vector<16xi32>
        %parallel_loop3A_387 = arith.constant 1 : i32
        %parallel_loop3A_388 = vector.broadcast %parallel_loop3A_387 : i32 to vector<16xi32>
        %parallel_loop3A_389 = arith.addi %parallel_loop3A_386, %parallel_loop3A_388 : vector<16xi32>
        %parallel_loop3A_390 = arith.constant 3 : i32
        %parallel_loop3A_391 = vector.broadcast %parallel_loop3A_390 : i32 to vector<16xi32>
        %parallel_loop3A_392 = arith.shrsi %parallel_loop3A_386, %parallel_loop3A_391 : vector<16xi32>
        %parallel_loop3A_393 = arith.constant 7 : i32
        %parallel_loop3A_394 = vector.broadcast %parallel_loop3A_393 : i32 to vector<16xi32>
        %parallel_loop3A_395 = arith.andi %parallel_loop3A_386, %parallel_loop3A_394 : vector<16xi32>
        %parallel_loop3A_396 = arith.constant 3 : i32
        %parallel_loop3A_397 = vector.broadcast %parallel_loop3A_396 : i32 to vector<16xi32>
        %parallel_loop3A_398 = arith.shrsi %parallel_loop3A_389, %parallel_loop3A_397 : vector<16xi32>
        %parallel_loop3A_399 = arith.constant 7 : i32
        %parallel_loop3A_400 = vector.broadcast %parallel_loop3A_399 : i32 to vector<16xi32>
        %parallel_loop3A_401 = arith.andi %parallel_loop3A_389, %parallel_loop3A_400 : vector<16xi32>
        %parallel_loop3A_402 = arith.constant 16 : i32
        %parallel_loop3A_403 = vector.broadcast %parallel_loop3A_402 : i32 to vector<16xi32>
        %parallel_loop3A_404 = arith.addi %parallel_loop3A_380, %parallel_loop3A_403 : vector<16xi32>
        %parallel_loop3A_405 = arith.constant 2 : i32
        %parallel_loop3A_406 = vector.broadcast %parallel_loop3A_405 : i32 to vector<16xi32>
        %parallel_loop3A_407 = arith.muli %parallel_loop3A_404, %parallel_loop3A_406 : vector<16xi32>
        %parallel_loop3A_408 = arith.constant 1 : i32
        %parallel_loop3A_409 = vector.broadcast %parallel_loop3A_408 : i32 to vector<16xi32>
        %parallel_loop3A_410 = arith.addi %parallel_loop3A_407, %parallel_loop3A_409 : vector<16xi32>
        %parallel_loop3A_411 = arith.constant 3 : i32
        %parallel_loop3A_412 = vector.broadcast %parallel_loop3A_411 : i32 to vector<16xi32>
        %parallel_loop3A_413 = arith.shrsi %parallel_loop3A_407, %parallel_loop3A_412 : vector<16xi32>
        %parallel_loop3A_414 = arith.constant 7 : i32
        %parallel_loop3A_415 = vector.broadcast %parallel_loop3A_414 : i32 to vector<16xi32>
        %parallel_loop3A_416 = arith.andi %parallel_loop3A_407, %parallel_loop3A_415 : vector<16xi32>
        %parallel_loop3A_417 = arith.constant 3 : i32
        %parallel_loop3A_418 = vector.broadcast %parallel_loop3A_417 : i32 to vector<16xi32>
        %parallel_loop3A_419 = arith.shrsi %parallel_loop3A_410, %parallel_loop3A_418 : vector<16xi32>
        %parallel_loop3A_420 = arith.constant 7 : i32
        %parallel_loop3A_421 = vector.broadcast %parallel_loop3A_420 : i32 to vector<16xi32>
        %parallel_loop3A_422 = arith.andi %parallel_loop3A_410, %parallel_loop3A_421 : vector<16xi32>
        %parallel_loop3A_423 = arith.constant 0 : i32
        %parallel_loop3A_424 = arith.constant 8 : i32
        %parallel_loop3A_425 = arith.constant 1 : i32
        scf.for %parallel_loop3A_426 = %parallel_loop3A_423 to %parallel_loop3A_424 step %parallel_loop3A_425  : i32 {
          %parallel_loop3A_427 = arith.constant 16 : i32
          %parallel_loop3A_428 = arith.muli %parallel_loop3A_426, %parallel_loop3A_427 : i32
          %parallel_loop3A_429 = vector.broadcast %parallel_loop3A_428 : i32 to vector<16xi32>
          %parallel_loop3A_430 = arith.addi %iota3A, %parallel_loop3A_429 : vector<16xi32>
          %parallel_loop3A_431 = arith.constant 0 : i32
          %parallel_loop3A_432 = vector.broadcast %parallel_loop3A_431 : i32 to vector<16xi32>
          %parallel_loop3A_433 = arith.addi %parallel_loop3A_380, %parallel_loop3A_432 : vector<16xi32>
          %parallel_loop3A_434 = tpu.vector_load_idx %arg13[%parallel_loop3A_430, %parallel_loop3A_433] : memref<128x32xi32, #tpu.memory_space<vmem>>[vector<16xi32>, vector<16xi32>], vector<16xi32>,
          %parallel_loop3A_435 = vector.bitcast %parallel_loop3A_434 : vector<16xi32> to vector<32xbf16>
          %parallel_loop3A_436 = tpu.vector_load_idx %arg14[%parallel_loop3A_430, %parallel_loop3A_433] : memref<128x32xi32, #tpu.memory_space<vmem>>[vector<16xi32>, vector<16xi32>], vector<16xi32>,
          %parallel_loop3A_437 = vector.bitcast %parallel_loop3A_436 : vector<16xi32> to vector<32xbf16>
          %parallel_loop3A_438 = arith.addf %parallel_loop3A_435, %parallel_loop3A_437 : vector<32xbf16>
          %parallel_loop3A_439 = tpu.vector_load_idx %arg15[%parallel_loop3A_430, %parallel_loop3A_433] : memref<128x32xi32, #tpu.memory_space<vmem>>[vector<16xi32>, vector<16xi32>], vector<16xi32>,
          %parallel_loop3A_440 = vector.bitcast %parallel_loop3A_439 : vector<16xi32> to vector<32xbf16>
          %parallel_loop3A_441 = tpu.vector_load_idx %arg16[%parallel_loop3A_430, %parallel_loop3A_433] : memref<128x32xi32, #tpu.memory_space<vmem>>[vector<16xi32>, vector<16xi32>], vector<16xi32>,
          %parallel_loop3A_442 = vector.bitcast %parallel_loop3A_441 : vector<16xi32> to vector<32xbf16>
          %parallel_loop3A_443 = arith.addf %parallel_loop3A_440, %parallel_loop3A_442 : vector<32xbf16>
          %parallel_loop3A_444 = arith.addf %parallel_loop3A_438, %parallel_loop3A_443 : vector<32xbf16>
          %parallel_loop3A_445 = arith.mulf %parallel_loop3A_444, %broadcast_in_dim3A_6 : vector<32xbf16>
          %parallel_loop3A_446 = tpu.unpack_subelements %parallel_loop3A_445, 0 {pack_format = #tpu.pack_format<interleaved>} : vector<32xbf16> -> vector<16xf32>
          %parallel_loop3A_447 = tpu.unpack_subelements %parallel_loop3A_445, 1 {pack_format = #tpu.pack_format<interleaved>} : vector<32xbf16> -> vector<16xf32>
          tpu.vector_store_idx %arg25[%parallel_loop3A_392, %parallel_loop3A_395, %parallel_loop3A_430], %parallel_loop3A_446 : memref<8x8x128xf32, #tpu.memory_space<vmem>>[vector<16xi32>, vector<16xi32>, vector<16xi32>], vector<16xf32>,
          tpu.vector_store_idx %arg25[%parallel_loop3A_398, %parallel_loop3A_401, %parallel_loop3A_430], %parallel_loop3A_447 : memref<8x8x128xf32, #tpu.memory_space<vmem>>[vector<16xi32>, vector<16xi32>, vector<16xi32>], vector<16xf32>,
          %parallel_loop3A_448 = arith.constant 16 : i32
          %parallel_loop3A_449 = vector.broadcast %parallel_loop3A_448 : i32 to vector<16xi32>
          %parallel_loop3A_450 = arith.addi %parallel_loop3A_380, %parallel_loop3A_449 : vector<16xi32>
          %parallel_loop3A_451 = tpu.vector_load_idx %arg13[%parallel_loop3A_430, %parallel_loop3A_450] : memref<128x32xi32, #tpu.memory_space<vmem>>[vector<16xi32>, vector<16xi32>], vector<16xi32>,
          %parallel_loop3A_452 = vector.bitcast %parallel_loop3A_451 : vector<16xi32> to vector<32xbf16>
          %parallel_loop3A_453 = tpu.vector_load_idx %arg14[%parallel_loop3A_430, %parallel_loop3A_450] : memref<128x32xi32, #tpu.memory_space<vmem>>[vector<16xi32>, vector<16xi32>], vector<16xi32>,
          %parallel_loop3A_454 = vector.bitcast %parallel_loop3A_453 : vector<16xi32> to vector<32xbf16>
          %parallel_loop3A_455 = arith.addf %parallel_loop3A_452, %parallel_loop3A_454 : vector<32xbf16>
          %parallel_loop3A_456 = tpu.vector_load_idx %arg15[%parallel_loop3A_430, %parallel_loop3A_450] : memref<128x32xi32, #tpu.memory_space<vmem>>[vector<16xi32>, vector<16xi32>], vector<16xi32>,
          %parallel_loop3A_457 = vector.bitcast %parallel_loop3A_456 : vector<16xi32> to vector<32xbf16>
          %parallel_loop3A_458 = tpu.vector_load_idx %arg16[%parallel_loop3A_430, %parallel_loop3A_450] : memref<128x32xi32, #tpu.memory_space<vmem>>[vector<16xi32>, vector<16xi32>], vector<16xi32>,
          %parallel_loop3A_459 = vector.bitcast %parallel_loop3A_458 : vector<16xi32> to vector<32xbf16>
          %parallel_loop3A_460 = arith.addf %parallel_loop3A_457, %parallel_loop3A_459 : vector<32xbf16>
          %parallel_loop3A_461 = arith.addf %parallel_loop3A_455, %parallel_loop3A_460 : vector<32xbf16>
          %parallel_loop3A_462 = arith.mulf %parallel_loop3A_461, %broadcast_in_dim3A_6 : vector<32xbf16>
          %parallel_loop3A_463 = tpu.unpack_subelements %parallel_loop3A_462, 0 {pack_format = #tpu.pack_format<interleaved>} : vector<32xbf16> -> vector<16xf32>
          %parallel_loop3A_464 = tpu.unpack_subelements %parallel_loop3A_462, 1 {pack_format = #tpu.pack_format<interleaved>} : vector<32xbf16> -> vector<16xf32>
          tpu.vector_store_idx %arg25[%parallel_loop3A_413, %parallel_loop3A_416, %parallel_loop3A_430], %parallel_loop3A_463 : memref<8x8x128xf32, #tpu.memory_space<vmem>>[vector<16xi32>, vector<16xi32>, vector<16xi32>], vector<16xf32>,
          tpu.vector_store_idx %arg25[%parallel_loop3A_419, %parallel_loop3A_422, %parallel_loop3A_430], %parallel_loop3A_464 : memref<8x8x128xf32, #tpu.memory_space<vmem>>[vector<16xi32>, vector<16xi32>, vector<16xi32>], vector<16xf32>,
        } {sc.loop_unroll_factor = 1 : i64, sc.parallel_access}
      } {sc.loop_unroll_factor = 1 : i64, sc.parallel_access}
      %dma_start3A_219 = arith.constant 0 : i32
      %dma_start3A_220 = arith.constant 0 : i32
      %dma_start3A_221 = arith.constant 0 : i32
      %dma_start3A_222 = tpu.memref_slice %arg7[%add3A_163, %dma_start3A_219, %add3A, %dma_start3A_220, %dma_start3A_221] : memref<49x8x32x8x128xf32, #tpu.memory_space<hbm>> -> memref<1x8x1x8x128xf32, #tpu.memory_space<hbm>>
      %dma_start3A_223 = tpu.memref_squeeze %dma_start3A_222 : memref<1x8x1x8x128xf32, #tpu.memory_space<hbm>> -> memref<8x8x128xf32, #tpu.memory_space<hbm>>
      %dma_start3A_224 = arith.constant 0 : i32
      %dma_start3A_225 = arith.constant 0 : i32
      %dma_start3A_226 = arith.constant 0 : i32
      %dma_start3A_227 = tpu.memref_slice %arg7[%add3A_163, %dma_start3A_224, %add3A, %dma_start3A_225, %dma_start3A_226] : memref<49x8x32x8x128xf32, #tpu.memory_space<hbm>> -> memref<1x8x1x8x128xf32, #tpu.memory_space<hbm>>
      %dma_start3A_228 = tpu.memref_squeeze %dma_start3A_227 : memref<1x8x1x8x128xf32, #tpu.memory_space<hbm>> -> memref<8x8x128xf32, #tpu.memory_space<hbm>>
      tpu.enqueue_dma source(%arg25 : memref<8x8x128xf32, #tpu.memory_space<vmem>>) target(%dma_start3A_228 : memref<8x8x128xf32, #tpu.memory_space<hbm>>) target_semaphore(%arg31 : memref<!tpu.dma_semaphore, #tpu.memory_space<semaphore_mem>>)
      %mul3A_229 = arith.constant 3 : i32
      %mul3A_230 = arith.muli %mul3A_229, %scan3A_159 : i32
      %add3A_231 = arith.constant 1 : i32
      %add3A_232 = arith.addi %mul3A_230, %add3A_231 : i32
      %add3A_233 = arith.constant 2 : i32
      %add3A_234 = arith.addi %add3A_232, %add3A_233 : i32
      %min3A_235 = arith.constant 48 : i32
      %min3A_236 = arith.minsi %add3A_234, %min3A_235 : i32
      %parallel_loop3A_237 = arith.constant 0 : i32
      %parallel_loop3A_238 = arith.constant 8 : i32
      %parallel_loop3A_239 = arith.constant 1 : i32
      scf.for %parallel_loop3A_375 = %parallel_loop3A_237 to %parallel_loop3A_238 step %parallel_loop3A_239  : i32 {
        %parallel_loop3A_376 = arith.constant 800 : i32
        %parallel_loop3A_377 = arith.muli %parallel_loop3A_375, %parallel_loop3A_376 : i32
        %parallel_loop3A_378 = arith.addi %parallel_loop3A_377, %min3A_236 : i32
        %parallel_loop3A_379 = vector.broadcast %parallel_loop3A_378 : i32 to vector<16xi32>
        %parallel_loop3A_380 = arith.addi %mul3A_5, %parallel_loop3A_379 : vector<16xi32>
        %parallel_loop3A_381 = tpu.vector_load_idx %arg8[%parallel_loop3A_380] : memref<6400xi32, #tpu.memory_space<vmem>>[vector<16xi32>], vector<16xi32>,
        %parallel_loop3A_382 = arith.constant 1 : i32
        %parallel_loop3A_383 = vector.broadcast %parallel_loop3A_382 : i32 to vector<16xi32>
        %parallel_loop3A_384 = arith.addi %parallel_loop3A_380, %parallel_loop3A_383 : vector<16xi32>
        %parallel_loop3A_385 = tpu.vector_load_idx %arg8[%parallel_loop3A_384] : memref<6400xi32, #tpu.memory_space<vmem>>[vector<16xi32>], vector<16xi32>,
        %parallel_loop3A_386 = arith.constant 10 : i32
        %parallel_loop3A_387 = vector.broadcast %parallel_loop3A_386 : i32 to vector<16xi32>
        %parallel_loop3A_388 = arith.shli %parallel_loop3A_381, %parallel_loop3A_387 : vector<16xi32>
        %parallel_loop3A_389 = arith.ori %parallel_loop3A_388, %parallel_loop3A_385 : vector<16xi32>
        %parallel_loop3A_390 = arith.constant 8 : i32
        %parallel_loop3A_391 = arith.muli %min3A_236, %parallel_loop3A_390 : i32
        %parallel_loop3A_392 = arith.addi %parallel_loop3A_391, %parallel_loop3A_375 : i32
        %parallel_loop3A_393 = arith.constant 16 : i32
        %parallel_loop3A_394 = arith.muli %parallel_loop3A_392, %parallel_loop3A_393 : i32
        %parallel_loop3A_395 = arith.constant -1640531527 : i32
        %parallel_loop3A_396 = vector.broadcast %parallel_loop3A_395 : i32 to vector<16xi32>
        %parallel_loop3A_397 = arith.xori %parallel_loop3A_389, %parallel_loop3A_396 : vector<16xi32>
        %parallel_loop3A_398 = arith.constant 16 : i32
        %parallel_loop3A_399 = vector.broadcast %parallel_loop3A_398 : i32 to vector<16xi32>
        %parallel_loop3A_400 = arith.shrui %parallel_loop3A_397, %parallel_loop3A_399 : vector<16xi32>
        %parallel_loop3A_401 = arith.xori %parallel_loop3A_397, %parallel_loop3A_400 : vector<16xi32>
        %parallel_loop3A_402 = arith.constant 2146121005 : i32
        %parallel_loop3A_403 = vector.broadcast %parallel_loop3A_402 : i32 to vector<16xi32>
        %parallel_loop3A_404 = arith.muli %parallel_loop3A_401, %parallel_loop3A_403 : vector<16xi32>
        %parallel_loop3A_405 = arith.constant 15 : i32
        %parallel_loop3A_406 = vector.broadcast %parallel_loop3A_405 : i32 to vector<16xi32>
        %parallel_loop3A_407 = arith.shrui %parallel_loop3A_404, %parallel_loop3A_406 : vector<16xi32>
        %parallel_loop3A_408 = arith.xori %parallel_loop3A_404, %parallel_loop3A_407 : vector<16xi32>
        %parallel_loop3A_409 = arith.constant -2073254261 : i32
        %parallel_loop3A_410 = vector.broadcast %parallel_loop3A_409 : i32 to vector<16xi32>
        %parallel_loop3A_411 = arith.muli %parallel_loop3A_408, %parallel_loop3A_410 : vector<16xi32>
        %parallel_loop3A_412 = arith.constant 16 : i32
        %parallel_loop3A_413 = vector.broadcast %parallel_loop3A_412 : i32 to vector<16xi32>
        %parallel_loop3A_414 = arith.shrui %parallel_loop3A_411, %parallel_loop3A_413 : vector<16xi32>
        %parallel_loop3A_415 = arith.xori %parallel_loop3A_411, %parallel_loop3A_414 : vector<16xi32>
        %parallel_loop3A_416 = arith.constant 8191 : i32
        %parallel_loop3A_417 = vector.broadcast %parallel_loop3A_416 : i32 to vector<16xi32>
        %parallel_loop3A_418 = arith.andi %parallel_loop3A_415, %parallel_loop3A_417 : vector<16xi32>
        %parallel_loop3A_419 = arith.index_cast %parallel_loop3A_394 : i32 to index
        %parallel_loop3A_420 = tpu.vector_load %arg9[%parallel_loop3A_419] {strides = array<i32>} : memref<6272xi32, #tpu.memory_space<vmem>>, vector<16xi32>,
        tpu.vector_store %arg9[%parallel_loop3A_419], %parallel_loop3A_418 {strides = array<i32>} : memref<6272xi32, #tpu.memory_space<vmem>>, vector<16xi32>,
        %parallel_loop3A_421 = arith.constant -1084733587 : i32
        %parallel_loop3A_422 = vector.broadcast %parallel_loop3A_421 : i32 to vector<16xi32>
        %parallel_loop3A_423 = arith.xori %parallel_loop3A_389, %parallel_loop3A_422 : vector<16xi32>
        %parallel_loop3A_424 = arith.constant 16 : i32
        %parallel_loop3A_425 = vector.broadcast %parallel_loop3A_424 : i32 to vector<16xi32>
        %parallel_loop3A_426 = arith.shrui %parallel_loop3A_423, %parallel_loop3A_425 : vector<16xi32>
        %parallel_loop3A_427 = arith.xori %parallel_loop3A_423, %parallel_loop3A_426 : vector<16xi32>
        %parallel_loop3A_428 = arith.constant 2146121005 : i32
        %parallel_loop3A_429 = vector.broadcast %parallel_loop3A_428 : i32 to vector<16xi32>
        %parallel_loop3A_430 = arith.muli %parallel_loop3A_427, %parallel_loop3A_429 : vector<16xi32>
        %parallel_loop3A_431 = arith.constant 15 : i32
        %parallel_loop3A_432 = vector.broadcast %parallel_loop3A_431 : i32 to vector<16xi32>
        %parallel_loop3A_433 = arith.shrui %parallel_loop3A_430, %parallel_loop3A_432 : vector<16xi32>
        %parallel_loop3A_434 = arith.xori %parallel_loop3A_430, %parallel_loop3A_433 : vector<16xi32>
        %parallel_loop3A_435 = arith.constant -2073254261 : i32
        %parallel_loop3A_436 = vector.broadcast %parallel_loop3A_435 : i32 to vector<16xi32>
        %parallel_loop3A_437 = arith.muli %parallel_loop3A_434, %parallel_loop3A_436 : vector<16xi32>
        %parallel_loop3A_438 = arith.constant 16 : i32
        %parallel_loop3A_439 = vector.broadcast %parallel_loop3A_438 : i32 to vector<16xi32>
        %parallel_loop3A_440 = arith.shrui %parallel_loop3A_437, %parallel_loop3A_439 : vector<16xi32>
        %parallel_loop3A_441 = arith.xori %parallel_loop3A_437, %parallel_loop3A_440 : vector<16xi32>
        %parallel_loop3A_442 = arith.constant 8191 : i32
        %parallel_loop3A_443 = vector.broadcast %parallel_loop3A_442 : i32 to vector<16xi32>
        %parallel_loop3A_444 = arith.andi %parallel_loop3A_441, %parallel_loop3A_443 : vector<16xi32>
        %parallel_loop3A_445 = arith.index_cast %parallel_loop3A_394 : i32 to index
        %parallel_loop3A_446 = tpu.vector_load %arg10[%parallel_loop3A_445] {strides = array<i32>} : memref<6272xi32, #tpu.memory_space<vmem>>, vector<16xi32>,
        tpu.vector_store %arg10[%parallel_loop3A_445], %parallel_loop3A_444 {strides = array<i32>} : memref<6272xi32, #tpu.memory_space<vmem>>, vector<16xi32>,
        %parallel_loop3A_447 = arith.constant -1798288965 : i32
        %parallel_loop3A_448 = vector.broadcast %parallel_loop3A_447 : i32 to vector<16xi32>
        %parallel_loop3A_449 = arith.xori %parallel_loop3A_389, %parallel_loop3A_448 : vector<16xi32>
        %parallel_loop3A_450 = arith.constant 16 : i32
        %parallel_loop3A_451 = vector.broadcast %parallel_loop3A_450 : i32 to vector<16xi32>
        %parallel_loop3A_452 = arith.shrui %parallel_loop3A_449, %parallel_loop3A_451 : vector<16xi32>
        %parallel_loop3A_453 = arith.xori %parallel_loop3A_449, %parallel_loop3A_452 : vector<16xi32>
        %parallel_loop3A_454 = arith.constant 2146121005 : i32
        %parallel_loop3A_455 = vector.broadcast %parallel_loop3A_454 : i32 to vector<16xi32>
        %parallel_loop3A_456 = arith.muli %parallel_loop3A_453, %parallel_loop3A_455 : vector<16xi32>
        %parallel_loop3A_457 = arith.constant 15 : i32
        %parallel_loop3A_458 = vector.broadcast %parallel_loop3A_457 : i32 to vector<16xi32>
        %parallel_loop3A_459 = arith.shrui %parallel_loop3A_456, %parallel_loop3A_458 : vector<16xi32>
        %parallel_loop3A_460 = arith.xori %parallel_loop3A_456, %parallel_loop3A_459 : vector<16xi32>
        %parallel_loop3A_461 = arith.constant -2073254261 : i32
        %parallel_loop3A_462 = vector.broadcast %parallel_loop3A_461 : i32 to vector<16xi32>
        %parallel_loop3A_463 = arith.muli %parallel_loop3A_460, %parallel_loop3A_462 : vector<16xi32>
        %parallel_loop3A_464 = arith.constant 16 : i32
        %parallel_loop3A_465 = vector.broadcast %parallel_loop3A_464 : i32 to vector<16xi32>
        %parallel_loop3A_466 = arith.shrui %parallel_loop3A_463, %parallel_loop3A_465 : vector<16xi32>
        %parallel_loop3A_467 = arith.xori %parallel_loop3A_463, %parallel_loop3A_466 : vector<16xi32>
        %parallel_loop3A_468 = arith.constant 8191 : i32
        %parallel_loop3A_469 = vector.broadcast %parallel_loop3A_468 : i32 to vector<16xi32>
        %parallel_loop3A_470 = arith.andi %parallel_loop3A_467, %parallel_loop3A_469 : vector<16xi32>
        %parallel_loop3A_471 = arith.index_cast %parallel_loop3A_394 : i32 to index
        %parallel_loop3A_472 = tpu.vector_load %arg11[%parallel_loop3A_471] {strides = array<i32>} : memref<6272xi32, #tpu.memory_space<vmem>>, vector<16xi32>,
        tpu.vector_store %arg11[%parallel_loop3A_471], %parallel_loop3A_470 {strides = array<i32>} : memref<6272xi32, #tpu.memory_space<vmem>>, vector<16xi32>,
        %parallel_loop3A_473 = arith.constant -1045087206 : i32
        %parallel_loop3A_474 = vector.broadcast %parallel_loop3A_473 : i32 to vector<16xi32>
        %parallel_loop3A_475 = arith.xori %parallel_loop3A_389, %parallel_loop3A_474 : vector<16xi32>
        %parallel_loop3A_476 = arith.constant 16 : i32
        %parallel_loop3A_477 = vector.broadcast %parallel_loop3A_476 : i32 to vector<16xi32>
        %parallel_loop3A_478 = arith.shrui %parallel_loop3A_475, %parallel_loop3A_477 : vector<16xi32>
        %parallel_loop3A_479 = arith.xori %parallel_loop3A_475, %parallel_loop3A_478 : vector<16xi32>
        %parallel_loop3A_480 = arith.constant 2146121005 : i32
        %parallel_loop3A_481 = vector.broadcast %parallel_loop3A_480 : i32 to vector<16xi32>
        %parallel_loop3A_482 = arith.muli %parallel_loop3A_479, %parallel_loop3A_481 : vector<16xi32>
        %parallel_loop3A_483 = arith.constant 15 : i32
        %parallel_loop3A_484 = vector.broadcast %parallel_loop3A_483 : i32 to vector<16xi32>
        %parallel_loop3A_485 = arith.shrui %parallel_loop3A_482, %parallel_loop3A_484 : vector<16xi32>
        %parallel_loop3A_486 = arith.xori %parallel_loop3A_482, %parallel_loop3A_485 : vector<16xi32>
        %parallel_loop3A_487 = arith.constant -2073254261 : i32
        %parallel_loop3A_488 = vector.broadcast %parallel_loop3A_487 : i32 to vector<16xi32>
        %parallel_loop3A_489 = arith.muli %parallel_loop3A_486, %parallel_loop3A_488 : vector<16xi32>
        %parallel_loop3A_490 = arith.constant 16 : i32
        %parallel_loop3A_491 = vector.broadcast %parallel_loop3A_490 : i32 to vector<16xi32>
        %parallel_loop3A_492 = arith.shrui %parallel_loop3A_489, %parallel_loop3A_491 : vector<16xi32>
        %parallel_loop3A_493 = arith.xori %parallel_loop3A_489, %parallel_loop3A_492 : vector<16xi32>
        %parallel_loop3A_494 = arith.constant 8191 : i32
        %parallel_loop3A_495 = vector.broadcast %parallel_loop3A_494 : i32 to vector<16xi32>
        %parallel_loop3A_496 = arith.andi %parallel_loop3A_493, %parallel_loop3A_495 : vector<16xi32>
        %parallel_loop3A_497 = arith.index_cast %parallel_loop3A_394 : i32 to index
        %parallel_loop3A_498 = tpu.vector_load %arg12[%parallel_loop3A_497] {strides = array<i32>} : memref<6272xi32, #tpu.memory_space<vmem>>, vector<16xi32>,
        tpu.vector_store %arg12[%parallel_loop3A_497], %parallel_loop3A_496 {strides = array<i32>} : memref<6272xi32, #tpu.memory_space<vmem>>, vector<16xi32>,
      } {sc.loop_unroll_factor = 2 : i64, sc.parallel_access}
      %mul3A_240 = arith.constant 128 : i32
      %mul3A_241 = arith.muli %min3A_236, %mul3A_240 : i32
      %dma_start3A_242 = tpu.memref_slice %arg9[%mul3A_241] : memref<6272xi32, #tpu.memory_space<vmem>> -> memref<128xi32, #tpu.memory_space<vmem>>
      %dma_start3A_243 = arith.constant 0 : i32
      %dma_start3A_244 = arith.constant 0 : i32
      %dma_start3A_245 = tpu.memref_slice %arg3[%dma_start3A_243, %dma_start3A_244] : memref<8192x32xi32, #tpu.memory_space<hbm>> -> memref<8192x32xi32, #tpu.memory_space<hbm>>
      tpu.enqueue_indirect_dma source(%dma_start3A_245 : memref<8192x32xi32, #tpu.memory_space<hbm>>) target(%arg13 : memref<128x32xi32, #tpu.memory_space<vmem>>) offsets(%dma_start3A_242 : memref<128xi32, #tpu.memory_space<vmem>>) semaphore(%arg28 : memref<!tpu.dma_semaphore, #tpu.memory_space<semaphore_mem>>)
      %mul3A_246 = arith.constant 128 : i32
      %mul3A_247 = arith.muli %min3A_236, %mul3A_246 : i32
      %dma_start3A_248 = tpu.memref_slice %arg10[%mul3A_247] : memref<6272xi32, #tpu.memory_space<vmem>> -> memref<128xi32, #tpu.memory_space<vmem>>
      %dma_start3A_249 = arith.constant 0 : i32
      %dma_start3A_250 = arith.constant 0 : i32
      %dma_start3A_251 = tpu.memref_slice %arg4[%dma_start3A_249, %dma_start3A_250] : memref<8192x32xi32, #tpu.memory_space<hbm>> -> memref<8192x32xi32, #tpu.memory_space<hbm>>
      tpu.enqueue_indirect_dma source(%dma_start3A_251 : memref<8192x32xi32, #tpu.memory_space<hbm>>) target(%arg14 : memref<128x32xi32, #tpu.memory_space<vmem>>) offsets(%dma_start3A_248 : memref<128xi32, #tpu.memory_space<vmem>>) semaphore(%arg28 : memref<!tpu.dma_semaphore, #tpu.memory_space<semaphore_mem>>)
      %mul3A_252 = arith.constant 128 : i32
      %mul3A_253 = arith.muli %min3A_236, %mul3A_252 : i32
      %dma_start3A_254 = tpu.memref_slice %arg11[%mul3A_253] : memref<6272xi32, #tpu.memory_space<vmem>> -> memref<128xi32, #tpu.memory_space<vmem>>
      %dma_start3A_255 = arith.constant 0 : i32
      %dma_start3A_256 = arith.constant 0 : i32
      %dma_start3A_257 = tpu.memref_slice %arg5[%dma_start3A_255, %dma_start3A_256] : memref<8192x32xi32, #tpu.memory_space<hbm>> -> memref<8192x32xi32, #tpu.memory_space<hbm>>
      tpu.enqueue_indirect_dma source(%dma_start3A_257 : memref<8192x32xi32, #tpu.memory_space<hbm>>) target(%arg15 : memref<128x32xi32, #tpu.memory_space<vmem>>) offsets(%dma_start3A_254 : memref<128xi32, #tpu.memory_space<vmem>>) semaphore(%arg28 : memref<!tpu.dma_semaphore, #tpu.memory_space<semaphore_mem>>)
      %mul3A_258 = arith.constant 128 : i32
      %mul3A_259 = arith.muli %min3A_236, %mul3A_258 : i32
      %dma_start3A_260 = tpu.memref_slice %arg12[%mul3A_259] : memref<6272xi32, #tpu.memory_space<vmem>> -> memref<128xi32, #tpu.memory_space<vmem>>
      %dma_start3A_261 = arith.constant 0 : i32
      %dma_start3A_262 = arith.constant 0 : i32
      %dma_start3A_263 = tpu.memref_slice %arg6[%dma_start3A_261, %dma_start3A_262] : memref<8192x32xi32, #tpu.memory_space<hbm>> -> memref<8192x32xi32, #tpu.memory_space<hbm>>
      tpu.enqueue_indirect_dma source(%dma_start3A_263 : memref<8192x32xi32, #tpu.memory_space<hbm>>) target(%arg16 : memref<128x32xi32, #tpu.memory_space<vmem>>) offsets(%dma_start3A_260 : memref<128xi32, #tpu.memory_space<vmem>>) semaphore(%arg28 : memref<!tpu.dma_semaphore, #tpu.memory_space<semaphore_mem>>)
      %dma_wait3A_264 = arith.constant 0 : i32
      %dma_wait3A_265 = tpu.memref_slice %arg9[%dma_wait3A_264] : memref<6272xi32, #tpu.memory_space<vmem>> -> memref<128xi32, #tpu.memory_space<vmem>>
      %dma_wait3A_266 = arith.constant 0 : i32
      %dma_wait3A_267 = arith.constant 0 : i32
      %dma_wait3A_268 = tpu.memref_slice %arg3[%dma_wait3A_266, %dma_wait3A_267] : memref<8192x32xi32, #tpu.memory_space<hbm>> -> memref<8192x32xi32, #tpu.memory_space<hbm>>
      tpu.wait_indirect_dma semaphore(%arg29 : memref<!tpu.dma_semaphore, #tpu.memory_space<semaphore_mem>>) src(%dma_wait3A_268 : memref<8192x32xi32, #tpu.memory_space<hbm>>) dst(%arg17 : memref<128x32xi32, #tpu.memory_space<vmem>>)
      %dma_wait3A_269 = arith.constant 0 : i32
      %dma_wait3A_270 = tpu.memref_slice %arg10[%dma_wait3A_269] : memref<6272xi32, #tpu.memory_space<vmem>> -> memref<128xi32, #tpu.memory_space<vmem>>
      %dma_wait3A_271 = arith.constant 0 : i32
      %dma_wait3A_272 = arith.constant 0 : i32
      %dma_wait3A_273 = tpu.memref_slice %arg4[%dma_wait3A_271, %dma_wait3A_272] : memref<8192x32xi32, #tpu.memory_space<hbm>> -> memref<8192x32xi32, #tpu.memory_space<hbm>>
      tpu.wait_indirect_dma semaphore(%arg29 : memref<!tpu.dma_semaphore, #tpu.memory_space<semaphore_mem>>) src(%dma_wait3A_273 : memref<8192x32xi32, #tpu.memory_space<hbm>>) dst(%arg18 : memref<128x32xi32, #tpu.memory_space<vmem>>)
      %dma_wait3A_274 = arith.constant 0 : i32
      %dma_wait3A_275 = tpu.memref_slice %arg11[%dma_wait3A_274] : memref<6272xi32, #tpu.memory_space<vmem>> -> memref<128xi32, #tpu.memory_space<vmem>>
      %dma_wait3A_276 = arith.constant 0 : i32
      %dma_wait3A_277 = arith.constant 0 : i32
      %dma_wait3A_278 = tpu.memref_slice %arg5[%dma_wait3A_276, %dma_wait3A_277] : memref<8192x32xi32, #tpu.memory_space<hbm>> -> memref<8192x32xi32, #tpu.memory_space<hbm>>
      tpu.wait_indirect_dma semaphore(%arg29 : memref<!tpu.dma_semaphore, #tpu.memory_space<semaphore_mem>>) src(%dma_wait3A_278 : memref<8192x32xi32, #tpu.memory_space<hbm>>) dst(%arg19 : memref<128x32xi32, #tpu.memory_space<vmem>>)
      %dma_wait3A_279 = arith.constant 0 : i32
      %dma_wait3A_280 = tpu.memref_slice %arg12[%dma_wait3A_279] : memref<6272xi32, #tpu.memory_space<vmem>> -> memref<128xi32, #tpu.memory_space<vmem>>
      %dma_wait3A_281 = arith.constant 0 : i32
      %dma_wait3A_282 = arith.constant 0 : i32
      %dma_wait3A_283 = tpu.memref_slice %arg6[%dma_wait3A_281, %dma_wait3A_282] : memref<8192x32xi32, #tpu.memory_space<hbm>> -> memref<8192x32xi32, #tpu.memory_space<hbm>>
      tpu.wait_indirect_dma semaphore(%arg29 : memref<!tpu.dma_semaphore, #tpu.memory_space<semaphore_mem>>) src(%dma_wait3A_283 : memref<8192x32xi32, #tpu.memory_space<hbm>>) dst(%arg20 : memref<128x32xi32, #tpu.memory_space<vmem>>)
      %gt3A_284 = arith.constant 0 : i32
      %gt3A_285 = arith.cmpi sgt, %scan3A_159, %gt3A_284 : i32
      %convert_element_type3A_286 = arith.extui %gt3A_285 : i1 to i32
      %cond3A_287 = arith.constant 0 : i32
      %cond3A_288 = arith.cmpi ne, %convert_element_type3A_286, %cond3A_287 : i32
      scf.if %cond3A_288 {
        %dma_wait3A_375 = arith.constant 0 : i32
        %dma_wait3A_376 = arith.constant 0 : i32
        %dma_wait3A_377 = arith.constant 0 : i32
        %dma_wait3A_378 = arith.constant 0 : i32
        %dma_wait3A_379 = arith.constant 0 : i32
        %dma_wait3A_380 = tpu.memref_slice %arg7[%dma_wait3A_375, %dma_wait3A_377, %dma_wait3A_376, %dma_wait3A_378, %dma_wait3A_379] : memref<49x8x32x8x128xf32, #tpu.memory_space<hbm>> -> memref<1x8x1x8x128xf32, #tpu.memory_space<hbm>>
        %dma_wait3A_381 = tpu.memref_squeeze %dma_wait3A_380 : memref<1x8x1x8x128xf32, #tpu.memory_space<hbm>> -> memref<8x8x128xf32, #tpu.memory_space<hbm>>
        %dma_wait3A_382 = arith.constant 0 : i32
        %dma_wait3A_383 = arith.constant 0 : i32
        %dma_wait3A_384 = arith.constant 0 : i32
        %dma_wait3A_385 = tpu.memref_slice %arg7[%dma_wait3A_375, %dma_wait3A_382, %dma_wait3A_376, %dma_wait3A_383, %dma_wait3A_384] : memref<49x8x32x8x128xf32, #tpu.memory_space<hbm>> -> memref<1x8x1x8x128xf32, #tpu.memory_space<hbm>>
        %dma_wait3A_386 = tpu.memref_squeeze %dma_wait3A_385 : memref<1x8x1x8x128xf32, #tpu.memory_space<hbm>> -> memref<8x8x128xf32, #tpu.memory_space<hbm>>
        tpu.wait_dma2 semaphore(%arg32 : memref<!tpu.dma_semaphore, #tpu.memory_space<semaphore_mem>>) src(%arg26 : memref<8x8x128xf32, #tpu.memory_space<vmem>>) dst(%dma_wait3A_386 : memref<8x8x128xf32, #tpu.memory_space<hbm>>)
      } else {
      }
      %parallel_loop3A_289 = arith.constant 0 : i32
      %parallel_loop3A_290 = arith.constant 16 : i32
      %parallel_loop3A_291 = arith.constant 1 : i32
      scf.for %parallel_loop3A_375 = %parallel_loop3A_289 to %parallel_loop3A_290 step %parallel_loop3A_291  : i32 {
        %parallel_loop3A_376 = vector.broadcast %parallel_loop3A_375 : i32 to vector<16xi32>
        %parallel_loop3A_377 = arith.addi %iota3A, %parallel_loop3A_376 : vector<16xi32>
        %parallel_loop3A_378 = arith.constant 15 : i32
        %parallel_loop3A_379 = vector.broadcast %parallel_loop3A_378 : i32 to vector<16xi32>
        %parallel_loop3A_380 = arith.andi %parallel_loop3A_377, %parallel_loop3A_379 : vector<16xi32>
        %parallel_loop3A_381 = arith.constant 0 : i32
        %parallel_loop3A_382 = vector.broadcast %parallel_loop3A_381 : i32 to vector<16xi32>
        %parallel_loop3A_383 = arith.addi %parallel_loop3A_380, %parallel_loop3A_382 : vector<16xi32>
        %parallel_loop3A_384 = arith.constant 2 : i32
        %parallel_loop3A_385 = vector.broadcast %parallel_loop3A_384 : i32 to vector<16xi32>
        %parallel_loop3A_386 = arith.muli %parallel_loop3A_383, %parallel_loop3A_385 : vector<16xi32>
        %parallel_loop3A_387 = arith.constant 1 : i32
        %parallel_loop3A_388 = vector.broadcast %parallel_loop3A_387 : i32 to vector<16xi32>
        %parallel_loop3A_389 = arith.addi %parallel_loop3A_386, %parallel_loop3A_388 : vector<16xi32>
        %parallel_loop3A_390 = arith.constant 3 : i32
        %parallel_loop3A_391 = vector.broadcast %parallel_loop3A_390 : i32 to vector<16xi32>
        %parallel_loop3A_392 = arith.shrsi %parallel_loop3A_386, %parallel_loop3A_391 : vector<16xi32>
        %parallel_loop3A_393 = arith.constant 7 : i32
        %parallel_loop3A_394 = vector.broadcast %parallel_loop3A_393 : i32 to vector<16xi32>
        %parallel_loop3A_395 = arith.andi %parallel_loop3A_386, %parallel_loop3A_394 : vector<16xi32>
        %parallel_loop3A_396 = arith.constant 3 : i32
        %parallel_loop3A_397 = vector.broadcast %parallel_loop3A_396 : i32 to vector<16xi32>
        %parallel_loop3A_398 = arith.shrsi %parallel_loop3A_389, %parallel_loop3A_397 : vector<16xi32>
        %parallel_loop3A_399 = arith.constant 7 : i32
        %parallel_loop3A_400 = vector.broadcast %parallel_loop3A_399 : i32 to vector<16xi32>
        %parallel_loop3A_401 = arith.andi %parallel_loop3A_389, %parallel_loop3A_400 : vector<16xi32>
        %parallel_loop3A_402 = arith.constant 16 : i32
        %parallel_loop3A_403 = vector.broadcast %parallel_loop3A_402 : i32 to vector<16xi32>
        %parallel_loop3A_404 = arith.addi %parallel_loop3A_380, %parallel_loop3A_403 : vector<16xi32>
        %parallel_loop3A_405 = arith.constant 2 : i32
        %parallel_loop3A_406 = vector.broadcast %parallel_loop3A_405 : i32 to vector<16xi32>
        %parallel_loop3A_407 = arith.muli %parallel_loop3A_404, %parallel_loop3A_406 : vector<16xi32>
        %parallel_loop3A_408 = arith.constant 1 : i32
        %parallel_loop3A_409 = vector.broadcast %parallel_loop3A_408 : i32 to vector<16xi32>
        %parallel_loop3A_410 = arith.addi %parallel_loop3A_407, %parallel_loop3A_409 : vector<16xi32>
        %parallel_loop3A_411 = arith.constant 3 : i32
        %parallel_loop3A_412 = vector.broadcast %parallel_loop3A_411 : i32 to vector<16xi32>
        %parallel_loop3A_413 = arith.shrsi %parallel_loop3A_407, %parallel_loop3A_412 : vector<16xi32>
        %parallel_loop3A_414 = arith.constant 7 : i32
        %parallel_loop3A_415 = vector.broadcast %parallel_loop3A_414 : i32 to vector<16xi32>
        %parallel_loop3A_416 = arith.andi %parallel_loop3A_407, %parallel_loop3A_415 : vector<16xi32>
        %parallel_loop3A_417 = arith.constant 3 : i32
        %parallel_loop3A_418 = vector.broadcast %parallel_loop3A_417 : i32 to vector<16xi32>
        %parallel_loop3A_419 = arith.shrsi %parallel_loop3A_410, %parallel_loop3A_418 : vector<16xi32>
        %parallel_loop3A_420 = arith.constant 7 : i32
        %parallel_loop3A_421 = vector.broadcast %parallel_loop3A_420 : i32 to vector<16xi32>
        %parallel_loop3A_422 = arith.andi %parallel_loop3A_410, %parallel_loop3A_421 : vector<16xi32>
        %parallel_loop3A_423 = arith.constant 0 : i32
        %parallel_loop3A_424 = arith.constant 8 : i32
        %parallel_loop3A_425 = arith.constant 1 : i32
        scf.for %parallel_loop3A_426 = %parallel_loop3A_423 to %parallel_loop3A_424 step %parallel_loop3A_425  : i32 {
          %parallel_loop3A_427 = arith.constant 16 : i32
          %parallel_loop3A_428 = arith.muli %parallel_loop3A_426, %parallel_loop3A_427 : i32
          %parallel_loop3A_429 = vector.broadcast %parallel_loop3A_428 : i32 to vector<16xi32>
          %parallel_loop3A_430 = arith.addi %iota3A, %parallel_loop3A_429 : vector<16xi32>
          %parallel_loop3A_431 = arith.constant 0 : i32
          %parallel_loop3A_432 = vector.broadcast %parallel_loop3A_431 : i32 to vector<16xi32>
          %parallel_loop3A_433 = arith.addi %parallel_loop3A_380, %parallel_loop3A_432 : vector<16xi32>
          %parallel_loop3A_434 = tpu.vector_load_idx %arg17[%parallel_loop3A_430, %parallel_loop3A_433] : memref<128x32xi32, #tpu.memory_space<vmem>>[vector<16xi32>, vector<16xi32>], vector<16xi32>,
          %parallel_loop3A_435 = vector.bitcast %parallel_loop3A_434 : vector<16xi32> to vector<32xbf16>
          %parallel_loop3A_436 = tpu.vector_load_idx %arg18[%parallel_loop3A_430, %parallel_loop3A_433] : memref<128x32xi32, #tpu.memory_space<vmem>>[vector<16xi32>, vector<16xi32>], vector<16xi32>,
          %parallel_loop3A_437 = vector.bitcast %parallel_loop3A_436 : vector<16xi32> to vector<32xbf16>
          %parallel_loop3A_438 = arith.addf %parallel_loop3A_435, %parallel_loop3A_437 : vector<32xbf16>
          %parallel_loop3A_439 = tpu.vector_load_idx %arg19[%parallel_loop3A_430, %parallel_loop3A_433] : memref<128x32xi32, #tpu.memory_space<vmem>>[vector<16xi32>, vector<16xi32>], vector<16xi32>,
          %parallel_loop3A_440 = vector.bitcast %parallel_loop3A_439 : vector<16xi32> to vector<32xbf16>
          %parallel_loop3A_441 = tpu.vector_load_idx %arg20[%parallel_loop3A_430, %parallel_loop3A_433] : memref<128x32xi32, #tpu.memory_space<vmem>>[vector<16xi32>, vector<16xi32>], vector<16xi32>,
          %parallel_loop3A_442 = vector.bitcast %parallel_loop3A_441 : vector<16xi32> to vector<32xbf16>
          %parallel_loop3A_443 = arith.addf %parallel_loop3A_440, %parallel_loop3A_442 : vector<32xbf16>
          %parallel_loop3A_444 = arith.addf %parallel_loop3A_438, %parallel_loop3A_443 : vector<32xbf16>
          %parallel_loop3A_445 = arith.mulf %parallel_loop3A_444, %broadcast_in_dim3A_6 : vector<32xbf16>
          %parallel_loop3A_446 = tpu.unpack_subelements %parallel_loop3A_445, 0 {pack_format = #tpu.pack_format<interleaved>} : vector<32xbf16> -> vector<16xf32>
          %parallel_loop3A_447 = tpu.unpack_subelements %parallel_loop3A_445, 1 {pack_format = #tpu.pack_format<interleaved>} : vector<32xbf16> -> vector<16xf32>
          tpu.vector_store_idx %arg26[%parallel_loop3A_392, %parallel_loop3A_395, %parallel_loop3A_430], %parallel_loop3A_446 : memref<8x8x128xf32, #tpu.memory_space<vmem>>[vector<16xi32>, vector<16xi32>, vector<16xi32>], vector<16xf32>,
          tpu.vector_store_idx %arg26[%parallel_loop3A_398, %parallel_loop3A_401, %parallel_loop3A_430], %parallel_loop3A_447 : memref<8x8x128xf32, #tpu.memory_space<vmem>>[vector<16xi32>, vector<16xi32>, vector<16xi32>], vector<16xf32>,
          %parallel_loop3A_448 = arith.constant 16 : i32
          %parallel_loop3A_449 = vector.broadcast %parallel_loop3A_448 : i32 to vector<16xi32>
          %parallel_loop3A_450 = arith.addi %parallel_loop3A_380, %parallel_loop3A_449 : vector<16xi32>
          %parallel_loop3A_451 = tpu.vector_load_idx %arg17[%parallel_loop3A_430, %parallel_loop3A_450] : memref<128x32xi32, #tpu.memory_space<vmem>>[vector<16xi32>, vector<16xi32>], vector<16xi32>,
          %parallel_loop3A_452 = vector.bitcast %parallel_loop3A_451 : vector<16xi32> to vector<32xbf16>
          %parallel_loop3A_453 = tpu.vector_load_idx %arg18[%parallel_loop3A_430, %parallel_loop3A_450] : memref<128x32xi32, #tpu.memory_space<vmem>>[vector<16xi32>, vector<16xi32>], vector<16xi32>,
          %parallel_loop3A_454 = vector.bitcast %parallel_loop3A_453 : vector<16xi32> to vector<32xbf16>
          %parallel_loop3A_455 = arith.addf %parallel_loop3A_452, %parallel_loop3A_454 : vector<32xbf16>
          %parallel_loop3A_456 = tpu.vector_load_idx %arg19[%parallel_loop3A_430, %parallel_loop3A_450] : memref<128x32xi32, #tpu.memory_space<vmem>>[vector<16xi32>, vector<16xi32>], vector<16xi32>,
          %parallel_loop3A_457 = vector.bitcast %parallel_loop3A_456 : vector<16xi32> to vector<32xbf16>
          %parallel_loop3A_458 = tpu.vector_load_idx %arg20[%parallel_loop3A_430, %parallel_loop3A_450] : memref<128x32xi32, #tpu.memory_space<vmem>>[vector<16xi32>, vector<16xi32>], vector<16xi32>,
          %parallel_loop3A_459 = vector.bitcast %parallel_loop3A_458 : vector<16xi32> to vector<32xbf16>
          %parallel_loop3A_460 = arith.addf %parallel_loop3A_457, %parallel_loop3A_459 : vector<32xbf16>
          %parallel_loop3A_461 = arith.addf %parallel_loop3A_455, %parallel_loop3A_460 : vector<32xbf16>
          %parallel_loop3A_462 = arith.mulf %parallel_loop3A_461, %broadcast_in_dim3A_6 : vector<32xbf16>
          %parallel_loop3A_463 = tpu.unpack_subelements %parallel_loop3A_462, 0 {pack_format = #tpu.pack_format<interleaved>} : vector<32xbf16> -> vector<16xf32>
          %parallel_loop3A_464 = tpu.unpack_subelements %parallel_loop3A_462, 1 {pack_format = #tpu.pack_format<interleaved>} : vector<32xbf16> -> vector<16xf32>
          tpu.vector_store_idx %arg26[%parallel_loop3A_413, %parallel_loop3A_416, %parallel_loop3A_430], %parallel_loop3A_463 : memref<8x8x128xf32, #tpu.memory_space<vmem>>[vector<16xi32>, vector<16xi32>, vector<16xi32>], vector<16xf32>,
          tpu.vector_store_idx %arg26[%parallel_loop3A_419, %parallel_loop3A_422, %parallel_loop3A_430], %parallel_loop3A_464 : memref<8x8x128xf32, #tpu.memory_space<vmem>>[vector<16xi32>, vector<16xi32>, vector<16xi32>], vector<16xf32>,
        } {sc.loop_unroll_factor = 1 : i64, sc.parallel_access}
      } {sc.loop_unroll_factor = 1 : i64, sc.parallel_access}
      %dma_start3A_292 = arith.constant 0 : i32
      %dma_start3A_293 = arith.constant 0 : i32
      %dma_start3A_294 = arith.constant 0 : i32
      %dma_start3A_295 = tpu.memref_slice %arg7[%add3A_232, %dma_start3A_292, %add3A, %dma_start3A_293, %dma_start3A_294] : memref<49x8x32x8x128xf32, #tpu.memory_space<hbm>> -> memref<1x8x1x8x128xf32, #tpu.memory_space<hbm>>
      %dma_start3A_296 = tpu.memref_squeeze %dma_start3A_295 : memref<1x8x1x8x128xf32, #tpu.memory_space<hbm>> -> memref<8x8x128xf32, #tpu.memory_space<hbm>>
      %dma_start3A_297 = arith.constant 0 : i32
      %dma_start3A_298 = arith.constant 0 : i32
      %dma_start3A_299 = arith.constant 0 : i32
      %dma_start3A_300 = tpu.memref_slice %arg7[%add3A_232, %dma_start3A_297, %add3A, %dma_start3A_298, %dma_start3A_299] : memref<49x8x32x8x128xf32, #tpu.memory_space<hbm>> -> memref<1x8x1x8x128xf32, #tpu.memory_space<hbm>>
      %dma_start3A_301 = tpu.memref_squeeze %dma_start3A_300 : memref<1x8x1x8x128xf32, #tpu.memory_space<hbm>> -> memref<8x8x128xf32, #tpu.memory_space<hbm>>
      tpu.enqueue_dma source(%arg26 : memref<8x8x128xf32, #tpu.memory_space<vmem>>) target(%dma_start3A_301 : memref<8x8x128xf32, #tpu.memory_space<hbm>>) target_semaphore(%arg32 : memref<!tpu.dma_semaphore, #tpu.memory_space<semaphore_mem>>)
      %mul3A_302 = arith.constant 3 : i32
      %mul3A_303 = arith.muli %mul3A_302, %scan3A_159 : i32
      %add3A_304 = arith.constant 2 : i32
      %add3A_305 = arith.addi %mul3A_303, %add3A_304 : i32
      %add3A_306 = arith.constant 2 : i32
      %add3A_307 = arith.addi %add3A_305, %add3A_306 : i32
      %min3A_308 = arith.constant 48 : i32
      %min3A_309 = arith.minsi %add3A_307, %min3A_308 : i32
      %parallel_loop3A_310 = arith.constant 0 : i32
      %parallel_loop3A_311 = arith.constant 8 : i32
      %parallel_loop3A_312 = arith.constant 1 : i32
      scf.for %parallel_loop3A_375 = %parallel_loop3A_310 to %parallel_loop3A_311 step %parallel_loop3A_312  : i32 {
        %parallel_loop3A_376 = arith.constant 800 : i32
        %parallel_loop3A_377 = arith.muli %parallel_loop3A_375, %parallel_loop3A_376 : i32
        %parallel_loop3A_378 = arith.addi %parallel_loop3A_377, %min3A_309 : i32
        %parallel_loop3A_379 = vector.broadcast %parallel_loop3A_378 : i32 to vector<16xi32>
        %parallel_loop3A_380 = arith.addi %mul3A_5, %parallel_loop3A_379 : vector<16xi32>
        %parallel_loop3A_381 = tpu.vector_load_idx %arg8[%parallel_loop3A_380] : memref<6400xi32, #tpu.memory_space<vmem>>[vector<16xi32>], vector<16xi32>,
        %parallel_loop3A_382 = arith.constant 1 : i32
        %parallel_loop3A_383 = vector.broadcast %parallel_loop3A_382 : i32 to vector<16xi32>
        %parallel_loop3A_384 = arith.addi %parallel_loop3A_380, %parallel_loop3A_383 : vector<16xi32>
        %parallel_loop3A_385 = tpu.vector_load_idx %arg8[%parallel_loop3A_384] : memref<6400xi32, #tpu.memory_space<vmem>>[vector<16xi32>], vector<16xi32>,
        %parallel_loop3A_386 = arith.constant 10 : i32
        %parallel_loop3A_387 = vector.broadcast %parallel_loop3A_386 : i32 to vector<16xi32>
        %parallel_loop3A_388 = arith.shli %parallel_loop3A_381, %parallel_loop3A_387 : vector<16xi32>
        %parallel_loop3A_389 = arith.ori %parallel_loop3A_388, %parallel_loop3A_385 : vector<16xi32>
        %parallel_loop3A_390 = arith.constant 8 : i32
        %parallel_loop3A_391 = arith.muli %min3A_309, %parallel_loop3A_390 : i32
        %parallel_loop3A_392 = arith.addi %parallel_loop3A_391, %parallel_loop3A_375 : i32
        %parallel_loop3A_393 = arith.constant 16 : i32
        %parallel_loop3A_394 = arith.muli %parallel_loop3A_392, %parallel_loop3A_393 : i32
        %parallel_loop3A_395 = arith.constant -1640531527 : i32
        %parallel_loop3A_396 = vector.broadcast %parallel_loop3A_395 : i32 to vector<16xi32>
        %parallel_loop3A_397 = arith.xori %parallel_loop3A_389, %parallel_loop3A_396 : vector<16xi32>
        %parallel_loop3A_398 = arith.constant 16 : i32
        %parallel_loop3A_399 = vector.broadcast %parallel_loop3A_398 : i32 to vector<16xi32>
        %parallel_loop3A_400 = arith.shrui %parallel_loop3A_397, %parallel_loop3A_399 : vector<16xi32>
        %parallel_loop3A_401 = arith.xori %parallel_loop3A_397, %parallel_loop3A_400 : vector<16xi32>
        %parallel_loop3A_402 = arith.constant 2146121005 : i32
        %parallel_loop3A_403 = vector.broadcast %parallel_loop3A_402 : i32 to vector<16xi32>
        %parallel_loop3A_404 = arith.muli %parallel_loop3A_401, %parallel_loop3A_403 : vector<16xi32>
        %parallel_loop3A_405 = arith.constant 15 : i32
        %parallel_loop3A_406 = vector.broadcast %parallel_loop3A_405 : i32 to vector<16xi32>
        %parallel_loop3A_407 = arith.shrui %parallel_loop3A_404, %parallel_loop3A_406 : vector<16xi32>
        %parallel_loop3A_408 = arith.xori %parallel_loop3A_404, %parallel_loop3A_407 : vector<16xi32>
        %parallel_loop3A_409 = arith.constant -2073254261 : i32
        %parallel_loop3A_410 = vector.broadcast %parallel_loop3A_409 : i32 to vector<16xi32>
        %parallel_loop3A_411 = arith.muli %parallel_loop3A_408, %parallel_loop3A_410 : vector<16xi32>
        %parallel_loop3A_412 = arith.constant 16 : i32
        %parallel_loop3A_413 = vector.broadcast %parallel_loop3A_412 : i32 to vector<16xi32>
        %parallel_loop3A_414 = arith.shrui %parallel_loop3A_411, %parallel_loop3A_413 : vector<16xi32>
        %parallel_loop3A_415 = arith.xori %parallel_loop3A_411, %parallel_loop3A_414 : vector<16xi32>
        %parallel_loop3A_416 = arith.constant 8191 : i32
        %parallel_loop3A_417 = vector.broadcast %parallel_loop3A_416 : i32 to vector<16xi32>
        %parallel_loop3A_418 = arith.andi %parallel_loop3A_415, %parallel_loop3A_417 : vector<16xi32>
        %parallel_loop3A_419 = arith.index_cast %parallel_loop3A_394 : i32 to index
        %parallel_loop3A_420 = tpu.vector_load %arg9[%parallel_loop3A_419] {strides = array<i32>} : memref<6272xi32, #tpu.memory_space<vmem>>, vector<16xi32>,
        tpu.vector_store %arg9[%parallel_loop3A_419], %parallel_loop3A_418 {strides = array<i32>} : memref<6272xi32, #tpu.memory_space<vmem>>, vector<16xi32>,
        %parallel_loop3A_421 = arith.constant -1084733587 : i32
        %parallel_loop3A_422 = vector.broadcast %parallel_loop3A_421 : i32 to vector<16xi32>
        %parallel_loop3A_423 = arith.xori %parallel_loop3A_389, %parallel_loop3A_422 : vector<16xi32>
        %parallel_loop3A_424 = arith.constant 16 : i32
        %parallel_loop3A_425 = vector.broadcast %parallel_loop3A_424 : i32 to vector<16xi32>
        %parallel_loop3A_426 = arith.shrui %parallel_loop3A_423, %parallel_loop3A_425 : vector<16xi32>
        %parallel_loop3A_427 = arith.xori %parallel_loop3A_423, %parallel_loop3A_426 : vector<16xi32>
        %parallel_loop3A_428 = arith.constant 2146121005 : i32
        %parallel_loop3A_429 = vector.broadcast %parallel_loop3A_428 : i32 to vector<16xi32>
        %parallel_loop3A_430 = arith.muli %parallel_loop3A_427, %parallel_loop3A_429 : vector<16xi32>
        %parallel_loop3A_431 = arith.constant 15 : i32
        %parallel_loop3A_432 = vector.broadcast %parallel_loop3A_431 : i32 to vector<16xi32>
        %parallel_loop3A_433 = arith.shrui %parallel_loop3A_430, %parallel_loop3A_432 : vector<16xi32>
        %parallel_loop3A_434 = arith.xori %parallel_loop3A_430, %parallel_loop3A_433 : vector<16xi32>
        %parallel_loop3A_435 = arith.constant -2073254261 : i32
        %parallel_loop3A_436 = vector.broadcast %parallel_loop3A_435 : i32 to vector<16xi32>
        %parallel_loop3A_437 = arith.muli %parallel_loop3A_434, %parallel_loop3A_436 : vector<16xi32>
        %parallel_loop3A_438 = arith.constant 16 : i32
        %parallel_loop3A_439 = vector.broadcast %parallel_loop3A_438 : i32 to vector<16xi32>
        %parallel_loop3A_440 = arith.shrui %parallel_loop3A_437, %parallel_loop3A_439 : vector<16xi32>
        %parallel_loop3A_441 = arith.xori %parallel_loop3A_437, %parallel_loop3A_440 : vector<16xi32>
        %parallel_loop3A_442 = arith.constant 8191 : i32
        %parallel_loop3A_443 = vector.broadcast %parallel_loop3A_442 : i32 to vector<16xi32>
        %parallel_loop3A_444 = arith.andi %parallel_loop3A_441, %parallel_loop3A_443 : vector<16xi32>
        %parallel_loop3A_445 = arith.index_cast %parallel_loop3A_394 : i32 to index
        %parallel_loop3A_446 = tpu.vector_load %arg10[%parallel_loop3A_445] {strides = array<i32>} : memref<6272xi32, #tpu.memory_space<vmem>>, vector<16xi32>,
        tpu.vector_store %arg10[%parallel_loop3A_445], %parallel_loop3A_444 {strides = array<i32>} : memref<6272xi32, #tpu.memory_space<vmem>>, vector<16xi32>,
        %parallel_loop3A_447 = arith.constant -1798288965 : i32
        %parallel_loop3A_448 = vector.broadcast %parallel_loop3A_447 : i32 to vector<16xi32>
        %parallel_loop3A_449 = arith.xori %parallel_loop3A_389, %parallel_loop3A_448 : vector<16xi32>
        %parallel_loop3A_450 = arith.constant 16 : i32
        %parallel_loop3A_451 = vector.broadcast %parallel_loop3A_450 : i32 to vector<16xi32>
        %parallel_loop3A_452 = arith.shrui %parallel_loop3A_449, %parallel_loop3A_451 : vector<16xi32>
        %parallel_loop3A_453 = arith.xori %parallel_loop3A_449, %parallel_loop3A_452 : vector<16xi32>
        %parallel_loop3A_454 = arith.constant 2146121005 : i32
        %parallel_loop3A_455 = vector.broadcast %parallel_loop3A_454 : i32 to vector<16xi32>
        %parallel_loop3A_456 = arith.muli %parallel_loop3A_453, %parallel_loop3A_455 : vector<16xi32>
        %parallel_loop3A_457 = arith.constant 15 : i32
        %parallel_loop3A_458 = vector.broadcast %parallel_loop3A_457 : i32 to vector<16xi32>
        %parallel_loop3A_459 = arith.shrui %parallel_loop3A_456, %parallel_loop3A_458 : vector<16xi32>
        %parallel_loop3A_460 = arith.xori %parallel_loop3A_456, %parallel_loop3A_459 : vector<16xi32>
        %parallel_loop3A_461 = arith.constant -2073254261 : i32
        %parallel_loop3A_462 = vector.broadcast %parallel_loop3A_461 : i32 to vector<16xi32>
        %parallel_loop3A_463 = arith.muli %parallel_loop3A_460, %parallel_loop3A_462 : vector<16xi32>
        %parallel_loop3A_464 = arith.constant 16 : i32
        %parallel_loop3A_465 = vector.broadcast %parallel_loop3A_464 : i32 to vector<16xi32>
        %parallel_loop3A_466 = arith.shrui %parallel_loop3A_463, %parallel_loop3A_465 : vector<16xi32>
        %parallel_loop3A_467 = arith.xori %parallel_loop3A_463, %parallel_loop3A_466 : vector<16xi32>
        %parallel_loop3A_468 = arith.constant 8191 : i32
        %parallel_loop3A_469 = vector.broadcast %parallel_loop3A_468 : i32 to vector<16xi32>
        %parallel_loop3A_470 = arith.andi %parallel_loop3A_467, %parallel_loop3A_469 : vector<16xi32>
        %parallel_loop3A_471 = arith.index_cast %parallel_loop3A_394 : i32 to index
        %parallel_loop3A_472 = tpu.vector_load %arg11[%parallel_loop3A_471] {strides = array<i32>} : memref<6272xi32, #tpu.memory_space<vmem>>, vector<16xi32>,
        tpu.vector_store %arg11[%parallel_loop3A_471], %parallel_loop3A_470 {strides = array<i32>} : memref<6272xi32, #tpu.memory_space<vmem>>, vector<16xi32>,
        %parallel_loop3A_473 = arith.constant -1045087206 : i32
        %parallel_loop3A_474 = vector.broadcast %parallel_loop3A_473 : i32 to vector<16xi32>
        %parallel_loop3A_475 = arith.xori %parallel_loop3A_389, %parallel_loop3A_474 : vector<16xi32>
        %parallel_loop3A_476 = arith.constant 16 : i32
        %parallel_loop3A_477 = vector.broadcast %parallel_loop3A_476 : i32 to vector<16xi32>
        %parallel_loop3A_478 = arith.shrui %parallel_loop3A_475, %parallel_loop3A_477 : vector<16xi32>
        %parallel_loop3A_479 = arith.xori %parallel_loop3A_475, %parallel_loop3A_478 : vector<16xi32>
        %parallel_loop3A_480 = arith.constant 2146121005 : i32
        %parallel_loop3A_481 = vector.broadcast %parallel_loop3A_480 : i32 to vector<16xi32>
        %parallel_loop3A_482 = arith.muli %parallel_loop3A_479, %parallel_loop3A_481 : vector<16xi32>
        %parallel_loop3A_483 = arith.constant 15 : i32
        %parallel_loop3A_484 = vector.broadcast %parallel_loop3A_483 : i32 to vector<16xi32>
        %parallel_loop3A_485 = arith.shrui %parallel_loop3A_482, %parallel_loop3A_484 : vector<16xi32>
        %parallel_loop3A_486 = arith.xori %parallel_loop3A_482, %parallel_loop3A_485 : vector<16xi32>
        %parallel_loop3A_487 = arith.constant -2073254261 : i32
        %parallel_loop3A_488 = vector.broadcast %parallel_loop3A_487 : i32 to vector<16xi32>
        %parallel_loop3A_489 = arith.muli %parallel_loop3A_486, %parallel_loop3A_488 : vector<16xi32>
        %parallel_loop3A_490 = arith.constant 16 : i32
        %parallel_loop3A_491 = vector.broadcast %parallel_loop3A_490 : i32 to vector<16xi32>
        %parallel_loop3A_492 = arith.shrui %parallel_loop3A_489, %parallel_loop3A_491 : vector<16xi32>
        %parallel_loop3A_493 = arith.xori %parallel_loop3A_489, %parallel_loop3A_492 : vector<16xi32>
        %parallel_loop3A_494 = arith.constant 8191 : i32
        %parallel_loop3A_495 = vector.broadcast %parallel_loop3A_494 : i32 to vector<16xi32>
        %parallel_loop3A_496 = arith.andi %parallel_loop3A_493, %parallel_loop3A_495 : vector<16xi32>
        %parallel_loop3A_497 = arith.index_cast %parallel_loop3A_394 : i32 to index
        %parallel_loop3A_498 = tpu.vector_load %arg12[%parallel_loop3A_497] {strides = array<i32>} : memref<6272xi32, #tpu.memory_space<vmem>>, vector<16xi32>,
        tpu.vector_store %arg12[%parallel_loop3A_497], %parallel_loop3A_496 {strides = array<i32>} : memref<6272xi32, #tpu.memory_space<vmem>>, vector<16xi32>,
      } {sc.loop_unroll_factor = 2 : i64, sc.parallel_access}
      %mul3A_313 = arith.constant 128 : i32
      %mul3A_314 = arith.muli %min3A_309, %mul3A_313 : i32
      %dma_start3A_315 = tpu.memref_slice %arg9[%mul3A_314] : memref<6272xi32, #tpu.memory_space<vmem>> -> memref<128xi32, #tpu.memory_space<vmem>>
      %dma_start3A_316 = arith.constant 0 : i32
      %dma_start3A_317 = arith.constant 0 : i32
      %dma_start3A_318 = tpu.memref_slice %arg3[%dma_start3A_316, %dma_start3A_317] : memref<8192x32xi32, #tpu.memory_space<hbm>> -> memref<8192x32xi32, #tpu.memory_space<hbm>>
      tpu.enqueue_indirect_dma source(%dma_start3A_318 : memref<8192x32xi32, #tpu.memory_space<hbm>>) target(%arg17 : memref<128x32xi32, #tpu.memory_space<vmem>>) offsets(%dma_start3A_315 : memref<128xi32, #tpu.memory_space<vmem>>) semaphore(%arg29 : memref<!tpu.dma_semaphore, #tpu.memory_space<semaphore_mem>>)
      %mul3A_319 = arith.constant 128 : i32
      %mul3A_320 = arith.muli %min3A_309, %mul3A_319 : i32
      %dma_start3A_321 = tpu.memref_slice %arg10[%mul3A_320] : memref<6272xi32, #tpu.memory_space<vmem>> -> memref<128xi32, #tpu.memory_space<vmem>>
      %dma_start3A_322 = arith.constant 0 : i32
      %dma_start3A_323 = arith.constant 0 : i32
      %dma_start3A_324 = tpu.memref_slice %arg4[%dma_start3A_322, %dma_start3A_323] : memref<8192x32xi32, #tpu.memory_space<hbm>> -> memref<8192x32xi32, #tpu.memory_space<hbm>>
      tpu.enqueue_indirect_dma source(%dma_start3A_324 : memref<8192x32xi32, #tpu.memory_space<hbm>>) target(%arg18 : memref<128x32xi32, #tpu.memory_space<vmem>>) offsets(%dma_start3A_321 : memref<128xi32, #tpu.memory_space<vmem>>) semaphore(%arg29 : memref<!tpu.dma_semaphore, #tpu.memory_space<semaphore_mem>>)
      %mul3A_325 = arith.constant 128 : i32
      %mul3A_326 = arith.muli %min3A_309, %mul3A_325 : i32
      %dma_start3A_327 = tpu.memref_slice %arg11[%mul3A_326] : memref<6272xi32, #tpu.memory_space<vmem>> -> memref<128xi32, #tpu.memory_space<vmem>>
      %dma_start3A_328 = arith.constant 0 : i32
      %dma_start3A_329 = arith.constant 0 : i32
      %dma_start3A_330 = tpu.memref_slice %arg5[%dma_start3A_328, %dma_start3A_329] : memref<8192x32xi32, #tpu.memory_space<hbm>> -> memref<8192x32xi32, #tpu.memory_space<hbm>>
      tpu.enqueue_indirect_dma source(%dma_start3A_330 : memref<8192x32xi32, #tpu.memory_space<hbm>>) target(%arg19 : memref<128x32xi32, #tpu.memory_space<vmem>>) offsets(%dma_start3A_327 : memref<128xi32, #tpu.memory_space<vmem>>) semaphore(%arg29 : memref<!tpu.dma_semaphore, #tpu.memory_space<semaphore_mem>>)
      %mul3A_331 = arith.constant 128 : i32
      %mul3A_332 = arith.muli %min3A_309, %mul3A_331 : i32
      %dma_start3A_333 = tpu.memref_slice %arg12[%mul3A_332] : memref<6272xi32, #tpu.memory_space<vmem>> -> memref<128xi32, #tpu.memory_space<vmem>>
      %dma_start3A_334 = arith.constant 0 : i32
      %dma_start3A_335 = arith.constant 0 : i32
      %dma_start3A_336 = tpu.memref_slice %arg6[%dma_start3A_334, %dma_start3A_335] : memref<8192x32xi32, #tpu.memory_space<hbm>> -> memref<8192x32xi32, #tpu.memory_space<hbm>>
      tpu.enqueue_indirect_dma source(%dma_start3A_336 : memref<8192x32xi32, #tpu.memory_space<hbm>>) target(%arg20 : memref<128x32xi32, #tpu.memory_space<vmem>>) offsets(%dma_start3A_333 : memref<128xi32, #tpu.memory_space<vmem>>) semaphore(%arg29 : memref<!tpu.dma_semaphore, #tpu.memory_space<semaphore_mem>>)
      %dma_wait3A_337 = arith.constant 0 : i32
      %dma_wait3A_338 = tpu.memref_slice %arg9[%dma_wait3A_337] : memref<6272xi32, #tpu.memory_space<vmem>> -> memref<128xi32, #tpu.memory_space<vmem>>
      %dma_wait3A_339 = arith.constant 0 : i32
      %dma_wait3A_340 = arith.constant 0 : i32
      %dma_wait3A_341 = tpu.memref_slice %arg3[%dma_wait3A_339, %dma_wait3A_340] : memref<8192x32xi32, #tpu.memory_space<hbm>> -> memref<8192x32xi32, #tpu.memory_space<hbm>>
      tpu.wait_indirect_dma semaphore(%arg30 : memref<!tpu.dma_semaphore, #tpu.memory_space<semaphore_mem>>) src(%dma_wait3A_341 : memref<8192x32xi32, #tpu.memory_space<hbm>>) dst(%arg21 : memref<128x32xi32, #tpu.memory_space<vmem>>)
      %dma_wait3A_342 = arith.constant 0 : i32
      %dma_wait3A_343 = tpu.memref_slice %arg10[%dma_wait3A_342] : memref<6272xi32, #tpu.memory_space<vmem>> -> memref<128xi32, #tpu.memory_space<vmem>>
      %dma_wait3A_344 = arith.constant 0 : i32
      %dma_wait3A_345 = arith.constant 0 : i32
      %dma_wait3A_346 = tpu.memref_slice %arg4[%dma_wait3A_344, %dma_wait3A_345] : memref<8192x32xi32, #tpu.memory_space<hbm>> -> memref<8192x32xi32, #tpu.memory_space<hbm>>
      tpu.wait_indirect_dma semaphore(%arg30 : memref<!tpu.dma_semaphore, #tpu.memory_space<semaphore_mem>>) src(%dma_wait3A_346 : memref<8192x32xi32, #tpu.memory_space<hbm>>) dst(%arg22 : memref<128x32xi32, #tpu.memory_space<vmem>>)
      %dma_wait3A_347 = arith.constant 0 : i32
      %dma_wait3A_348 = tpu.memref_slice %arg11[%dma_wait3A_347] : memref<6272xi32, #tpu.memory_space<vmem>> -> memref<128xi32, #tpu.memory_space<vmem>>
      %dma_wait3A_349 = arith.constant 0 : i32
      %dma_wait3A_350 = arith.constant 0 : i32
      %dma_wait3A_351 = tpu.memref_slice %arg5[%dma_wait3A_349, %dma_wait3A_350] : memref<8192x32xi32, #tpu.memory_space<hbm>> -> memref<8192x32xi32, #tpu.memory_space<hbm>>
      tpu.wait_indirect_dma semaphore(%arg30 : memref<!tpu.dma_semaphore, #tpu.memory_space<semaphore_mem>>) src(%dma_wait3A_351 : memref<8192x32xi32, #tpu.memory_space<hbm>>) dst(%arg23 : memref<128x32xi32, #tpu.memory_space<vmem>>)
      %dma_wait3A_352 = arith.constant 0 : i32
      %dma_wait3A_353 = tpu.memref_slice %arg12[%dma_wait3A_352] : memref<6272xi32, #tpu.memory_space<vmem>> -> memref<128xi32, #tpu.memory_space<vmem>>
      %dma_wait3A_354 = arith.constant 0 : i32
      %dma_wait3A_355 = arith.constant 0 : i32
      %dma_wait3A_356 = tpu.memref_slice %arg6[%dma_wait3A_354, %dma_wait3A_355] : memref<8192x32xi32, #tpu.memory_space<hbm>> -> memref<8192x32xi32, #tpu.memory_space<hbm>>
      tpu.wait_indirect_dma semaphore(%arg30 : memref<!tpu.dma_semaphore, #tpu.memory_space<semaphore_mem>>) src(%dma_wait3A_356 : memref<8192x32xi32, #tpu.memory_space<hbm>>) dst(%arg24 : memref<128x32xi32, #tpu.memory_space<vmem>>)
      %gt3A_357 = arith.constant 0 : i32
      %gt3A_358 = arith.cmpi sgt, %scan3A_159, %gt3A_357 : i32
      %convert_element_type3A_359 = arith.extui %gt3A_358 : i1 to i32
      %cond3A_360 = arith.constant 0 : i32
      %cond3A_361 = arith.cmpi ne, %convert_element_type3A_359, %cond3A_360 : i32
      scf.if %cond3A_361 {
        %dma_wait3A_375 = arith.constant 0 : i32
        %dma_wait3A_376 = arith.constant 0 : i32
        %dma_wait3A_377 = arith.constant 0 : i32
        %dma_wait3A_378 = arith.constant 0 : i32
        %dma_wait3A_379 = arith.constant 0 : i32
        %dma_wait3A_380 = tpu.memref_slice %arg7[%dma_wait3A_375, %dma_wait3A_377, %dma_wait3A_376, %dma_wait3A_378, %dma_wait3A_379] : memref<49x8x32x8x128xf32, #tpu.memory_space<hbm>> -> memref<1x8x1x8x128xf32, #tpu.memory_space<hbm>>
        %dma_wait3A_381 = tpu.memref_squeeze %dma_wait3A_380 : memref<1x8x1x8x128xf32, #tpu.memory_space<hbm>> -> memref<8x8x128xf32, #tpu.memory_space<hbm>>
        %dma_wait3A_382 = arith.constant 0 : i32
        %dma_wait3A_383 = arith.constant 0 : i32
        %dma_wait3A_384 = arith.constant 0 : i32
        %dma_wait3A_385 = tpu.memref_slice %arg7[%dma_wait3A_375, %dma_wait3A_382, %dma_wait3A_376, %dma_wait3A_383, %dma_wait3A_384] : memref<49x8x32x8x128xf32, #tpu.memory_space<hbm>> -> memref<1x8x1x8x128xf32, #tpu.memory_space<hbm>>
        %dma_wait3A_386 = tpu.memref_squeeze %dma_wait3A_385 : memref<1x8x1x8x128xf32, #tpu.memory_space<hbm>> -> memref<8x8x128xf32, #tpu.memory_space<hbm>>
        tpu.wait_dma2 semaphore(%arg33 : memref<!tpu.dma_semaphore, #tpu.memory_space<semaphore_mem>>) src(%arg27 : memref<8x8x128xf32, #tpu.memory_space<vmem>>) dst(%dma_wait3A_386 : memref<8x8x128xf32, #tpu.memory_space<hbm>>)
      } else {
      }
      %parallel_loop3A_362 = arith.constant 0 : i32
      %parallel_loop3A_363 = arith.constant 16 : i32
      %parallel_loop3A_364 = arith.constant 1 : i32
      scf.for %parallel_loop3A_375 = %parallel_loop3A_362 to %parallel_loop3A_363 step %parallel_loop3A_364  : i32 {
        %parallel_loop3A_376 = vector.broadcast %parallel_loop3A_375 : i32 to vector<16xi32>
        %parallel_loop3A_377 = arith.addi %iota3A, %parallel_loop3A_376 : vector<16xi32>
        %parallel_loop3A_378 = arith.constant 15 : i32
        %parallel_loop3A_379 = vector.broadcast %parallel_loop3A_378 : i32 to vector<16xi32>
        %parallel_loop3A_380 = arith.andi %parallel_loop3A_377, %parallel_loop3A_379 : vector<16xi32>
        %parallel_loop3A_381 = arith.constant 0 : i32
        %parallel_loop3A_382 = vector.broadcast %parallel_loop3A_381 : i32 to vector<16xi32>
        %parallel_loop3A_383 = arith.addi %parallel_loop3A_380, %parallel_loop3A_382 : vector<16xi32>
        %parallel_loop3A_384 = arith.constant 2 : i32
        %parallel_loop3A_385 = vector.broadcast %parallel_loop3A_384 : i32 to vector<16xi32>
        %parallel_loop3A_386 = arith.muli %parallel_loop3A_383, %parallel_loop3A_385 : vector<16xi32>
        %parallel_loop3A_387 = arith.constant 1 : i32
        %parallel_loop3A_388 = vector.broadcast %parallel_loop3A_387 : i32 to vector<16xi32>
        %parallel_loop3A_389 = arith.addi %parallel_loop3A_386, %parallel_loop3A_388 : vector<16xi32>
        %parallel_loop3A_390 = arith.constant 3 : i32
        %parallel_loop3A_391 = vector.broadcast %parallel_loop3A_390 : i32 to vector<16xi32>
        %parallel_loop3A_392 = arith.shrsi %parallel_loop3A_386, %parallel_loop3A_391 : vector<16xi32>
        %parallel_loop3A_393 = arith.constant 7 : i32
        %parallel_loop3A_394 = vector.broadcast %parallel_loop3A_393 : i32 to vector<16xi32>
        %parallel_loop3A_395 = arith.andi %parallel_loop3A_386, %parallel_loop3A_394 : vector<16xi32>
        %parallel_loop3A_396 = arith.constant 3 : i32
        %parallel_loop3A_397 = vector.broadcast %parallel_loop3A_396 : i32 to vector<16xi32>
        %parallel_loop3A_398 = arith.shrsi %parallel_loop3A_389, %parallel_loop3A_397 : vector<16xi32>
        %parallel_loop3A_399 = arith.constant 7 : i32
        %parallel_loop3A_400 = vector.broadcast %parallel_loop3A_399 : i32 to vector<16xi32>
        %parallel_loop3A_401 = arith.andi %parallel_loop3A_389, %parallel_loop3A_400 : vector<16xi32>
        %parallel_loop3A_402 = arith.constant 16 : i32
        %parallel_loop3A_403 = vector.broadcast %parallel_loop3A_402 : i32 to vector<16xi32>
        %parallel_loop3A_404 = arith.addi %parallel_loop3A_380, %parallel_loop3A_403 : vector<16xi32>
        %parallel_loop3A_405 = arith.constant 2 : i32
        %parallel_loop3A_406 = vector.broadcast %parallel_loop3A_405 : i32 to vector<16xi32>
        %parallel_loop3A_407 = arith.muli %parallel_loop3A_404, %parallel_loop3A_406 : vector<16xi32>
        %parallel_loop3A_408 = arith.constant 1 : i32
        %parallel_loop3A_409 = vector.broadcast %parallel_loop3A_408 : i32 to vector<16xi32>
        %parallel_loop3A_410 = arith.addi %parallel_loop3A_407, %parallel_loop3A_409 : vector<16xi32>
        %parallel_loop3A_411 = arith.constant 3 : i32
        %parallel_loop3A_412 = vector.broadcast %parallel_loop3A_411 : i32 to vector<16xi32>
        %parallel_loop3A_413 = arith.shrsi %parallel_loop3A_407, %parallel_loop3A_412 : vector<16xi32>
        %parallel_loop3A_414 = arith.constant 7 : i32
        %parallel_loop3A_415 = vector.broadcast %parallel_loop3A_414 : i32 to vector<16xi32>
        %parallel_loop3A_416 = arith.andi %parallel_loop3A_407, %parallel_loop3A_415 : vector<16xi32>
        %parallel_loop3A_417 = arith.constant 3 : i32
        %parallel_loop3A_418 = vector.broadcast %parallel_loop3A_417 : i32 to vector<16xi32>
        %parallel_loop3A_419 = arith.shrsi %parallel_loop3A_410, %parallel_loop3A_418 : vector<16xi32>
        %parallel_loop3A_420 = arith.constant 7 : i32
        %parallel_loop3A_421 = vector.broadcast %parallel_loop3A_420 : i32 to vector<16xi32>
        %parallel_loop3A_422 = arith.andi %parallel_loop3A_410, %parallel_loop3A_421 : vector<16xi32>
        %parallel_loop3A_423 = arith.constant 0 : i32
        %parallel_loop3A_424 = arith.constant 8 : i32
        %parallel_loop3A_425 = arith.constant 1 : i32
        scf.for %parallel_loop3A_426 = %parallel_loop3A_423 to %parallel_loop3A_424 step %parallel_loop3A_425  : i32 {
          %parallel_loop3A_427 = arith.constant 16 : i32
          %parallel_loop3A_428 = arith.muli %parallel_loop3A_426, %parallel_loop3A_427 : i32
          %parallel_loop3A_429 = vector.broadcast %parallel_loop3A_428 : i32 to vector<16xi32>
          %parallel_loop3A_430 = arith.addi %iota3A, %parallel_loop3A_429 : vector<16xi32>
          %parallel_loop3A_431 = arith.constant 0 : i32
          %parallel_loop3A_432 = vector.broadcast %parallel_loop3A_431 : i32 to vector<16xi32>
          %parallel_loop3A_433 = arith.addi %parallel_loop3A_380, %parallel_loop3A_432 : vector<16xi32>
          %parallel_loop3A_434 = tpu.vector_load_idx %arg21[%parallel_loop3A_430, %parallel_loop3A_433] : memref<128x32xi32, #tpu.memory_space<vmem>>[vector<16xi32>, vector<16xi32>], vector<16xi32>,
          %parallel_loop3A_435 = vector.bitcast %parallel_loop3A_434 : vector<16xi32> to vector<32xbf16>
          %parallel_loop3A_436 = tpu.vector_load_idx %arg22[%parallel_loop3A_430, %parallel_loop3A_433] : memref<128x32xi32, #tpu.memory_space<vmem>>[vector<16xi32>, vector<16xi32>], vector<16xi32>,
          %parallel_loop3A_437 = vector.bitcast %parallel_loop3A_436 : vector<16xi32> to vector<32xbf16>
          %parallel_loop3A_438 = arith.addf %parallel_loop3A_435, %parallel_loop3A_437 : vector<32xbf16>
          %parallel_loop3A_439 = tpu.vector_load_idx %arg23[%parallel_loop3A_430, %parallel_loop3A_433] : memref<128x32xi32, #tpu.memory_space<vmem>>[vector<16xi32>, vector<16xi32>], vector<16xi32>,
          %parallel_loop3A_440 = vector.bitcast %parallel_loop3A_439 : vector<16xi32> to vector<32xbf16>
          %parallel_loop3A_441 = tpu.vector_load_idx %arg24[%parallel_loop3A_430, %parallel_loop3A_433] : memref<128x32xi32, #tpu.memory_space<vmem>>[vector<16xi32>, vector<16xi32>], vector<16xi32>,
          %parallel_loop3A_442 = vector.bitcast %parallel_loop3A_441 : vector<16xi32> to vector<32xbf16>
          %parallel_loop3A_443 = arith.addf %parallel_loop3A_440, %parallel_loop3A_442 : vector<32xbf16>
          %parallel_loop3A_444 = arith.addf %parallel_loop3A_438, %parallel_loop3A_443 : vector<32xbf16>
          %parallel_loop3A_445 = arith.mulf %parallel_loop3A_444, %broadcast_in_dim3A_6 : vector<32xbf16>
          %parallel_loop3A_446 = tpu.unpack_subelements %parallel_loop3A_445, 0 {pack_format = #tpu.pack_format<interleaved>} : vector<32xbf16> -> vector<16xf32>
          %parallel_loop3A_447 = tpu.unpack_subelements %parallel_loop3A_445, 1 {pack_format = #tpu.pack_format<interleaved>} : vector<32xbf16> -> vector<16xf32>
          tpu.vector_store_idx %arg27[%parallel_loop3A_392, %parallel_loop3A_395, %parallel_loop3A_430], %parallel_loop3A_446 : memref<8x8x128xf32, #tpu.memory_space<vmem>>[vector<16xi32>, vector<16xi32>, vector<16xi32>], vector<16xf32>,
          tpu.vector_store_idx %arg27[%parallel_loop3A_398, %parallel_loop3A_401, %parallel_loop3A_430], %parallel_loop3A_447 : memref<8x8x128xf32, #tpu.memory_space<vmem>>[vector<16xi32>, vector<16xi32>, vector<16xi32>], vector<16xf32>,
          %parallel_loop3A_448 = arith.constant 16 : i32
          %parallel_loop3A_449 = vector.broadcast %parallel_loop3A_448 : i32 to vector<16xi32>
          %parallel_loop3A_450 = arith.addi %parallel_loop3A_380, %parallel_loop3A_449 : vector<16xi32>
          %parallel_loop3A_451 = tpu.vector_load_idx %arg21[%parallel_loop3A_430, %parallel_loop3A_450] : memref<128x32xi32, #tpu.memory_space<vmem>>[vector<16xi32>, vector<16xi32>], vector<16xi32>,
          %parallel_loop3A_452 = vector.bitcast %parallel_loop3A_451 : vector<16xi32> to vector<32xbf16>
          %parallel_loop3A_453 = tpu.vector_load_idx %arg22[%parallel_loop3A_430, %parallel_loop3A_450] : memref<128x32xi32, #tpu.memory_space<vmem>>[vector<16xi32>, vector<16xi32>], vector<16xi32>,
          %parallel_loop3A_454 = vector.bitcast %parallel_loop3A_453 : vector<16xi32> to vector<32xbf16>
          %parallel_loop3A_455 = arith.addf %parallel_loop3A_452, %parallel_loop3A_454 : vector<32xbf16>
          %parallel_loop3A_456 = tpu.vector_load_idx %arg23[%parallel_loop3A_430, %parallel_loop3A_450] : memref<128x32xi32, #tpu.memory_space<vmem>>[vector<16xi32>, vector<16xi32>], vector<16xi32>,
          %parallel_loop3A_457 = vector.bitcast %parallel_loop3A_456 : vector<16xi32> to vector<32xbf16>
          %parallel_loop3A_458 = tpu.vector_load_idx %arg24[%parallel_loop3A_430, %parallel_loop3A_450] : memref<128x32xi32, #tpu.memory_space<vmem>>[vector<16xi32>, vector<16xi32>], vector<16xi32>,
          %parallel_loop3A_459 = vector.bitcast %parallel_loop3A_458 : vector<16xi32> to vector<32xbf16>
          %parallel_loop3A_460 = arith.addf %parallel_loop3A_457, %parallel_loop3A_459 : vector<32xbf16>
          %parallel_loop3A_461 = arith.addf %parallel_loop3A_455, %parallel_loop3A_460 : vector<32xbf16>
          %parallel_loop3A_462 = arith.mulf %parallel_loop3A_461, %broadcast_in_dim3A_6 : vector<32xbf16>
          %parallel_loop3A_463 = tpu.unpack_subelements %parallel_loop3A_462, 0 {pack_format = #tpu.pack_format<interleaved>} : vector<32xbf16> -> vector<16xf32>
          %parallel_loop3A_464 = tpu.unpack_subelements %parallel_loop3A_462, 1 {pack_format = #tpu.pack_format<interleaved>} : vector<32xbf16> -> vector<16xf32>
          tpu.vector_store_idx %arg27[%parallel_loop3A_413, %parallel_loop3A_416, %parallel_loop3A_430], %parallel_loop3A_463 : memref<8x8x128xf32, #tpu.memory_space<vmem>>[vector<16xi32>, vector<16xi32>, vector<16xi32>], vector<16xf32>,
          tpu.vector_store_idx %arg27[%parallel_loop3A_419, %parallel_loop3A_422, %parallel_loop3A_430], %parallel_loop3A_464 : memref<8x8x128xf32, #tpu.memory_space<vmem>>[vector<16xi32>, vector<16xi32>, vector<16xi32>], vector<16xf32>,
        } {sc.loop_unroll_factor = 1 : i64, sc.parallel_access}
      } {sc.loop_unroll_factor = 1 : i64, sc.parallel_access}
      %dma_start3A_365 = arith.constant 0 : i32
      %dma_start3A_366 = arith.constant 0 : i32
      %dma_start3A_367 = arith.constant 0 : i32
      %dma_start3A_368 = tpu.memref_slice %arg7[%add3A_305, %dma_start3A_365, %add3A, %dma_start3A_366, %dma_start3A_367] : memref<49x8x32x8x128xf32, #tpu.memory_space<hbm>> -> memref<1x8x1x8x128xf32, #tpu.memory_space<hbm>>
      %dma_start3A_369 = tpu.memref_squeeze %dma_start3A_368 : memref<1x8x1x8x128xf32, #tpu.memory_space<hbm>> -> memref<8x8x128xf32, #tpu.memory_space<hbm>>
      %dma_start3A_370 = arith.constant 0 : i32
      %dma_start3A_371 = arith.constant 0 : i32
      %dma_start3A_372 = arith.constant 0 : i32
      %dma_start3A_373 = tpu.memref_slice %arg7[%add3A_305, %dma_start3A_370, %add3A, %dma_start3A_371, %dma_start3A_372] : memref<49x8x32x8x128xf32, #tpu.memory_space<hbm>> -> memref<1x8x1x8x128xf32, #tpu.memory_space<hbm>>
      %dma_start3A_374 = tpu.memref_squeeze %dma_start3A_373 : memref<1x8x1x8x128xf32, #tpu.memory_space<hbm>> -> memref<8x8x128xf32, #tpu.memory_space<hbm>>
      tpu.enqueue_dma source(%arg27 : memref<8x8x128xf32, #tpu.memory_space<vmem>>) target(%dma_start3A_374 : memref<8x8x128xf32, #tpu.memory_space<hbm>>) target_semaphore(%arg33 : memref<!tpu.dma_semaphore, #tpu.memory_space<semaphore_mem>>)
    }
    %scan3A_57 = arith.constant 16 : i32
    %dma_wait3A = arith.constant 0 : i32
    %dma_wait3A_58 = tpu.memref_slice %arg9[%dma_wait3A] : memref<6272xi32, #tpu.memory_space<vmem>> -> memref<128xi32, #tpu.memory_space<vmem>>
    %dma_wait3A_59 = arith.constant 0 : i32
    %dma_wait3A_60 = arith.constant 0 : i32
    %dma_wait3A_61 = tpu.memref_slice %arg3[%dma_wait3A_59, %dma_wait3A_60] : memref<8192x32xi32, #tpu.memory_space<hbm>> -> memref<8192x32xi32, #tpu.memory_space<hbm>>
    tpu.wait_indirect_dma semaphore(%arg28 : memref<!tpu.dma_semaphore, #tpu.memory_space<semaphore_mem>>) src(%dma_wait3A_61 : memref<8192x32xi32, #tpu.memory_space<hbm>>) dst(%arg13 : memref<128x32xi32, #tpu.memory_space<vmem>>)
    %dma_wait3A_62 = arith.constant 0 : i32
    %dma_wait3A_63 = tpu.memref_slice %arg10[%dma_wait3A_62] : memref<6272xi32, #tpu.memory_space<vmem>> -> memref<128xi32, #tpu.memory_space<vmem>>
    %dma_wait3A_64 = arith.constant 0 : i32
    %dma_wait3A_65 = arith.constant 0 : i32
    %dma_wait3A_66 = tpu.memref_slice %arg4[%dma_wait3A_64, %dma_wait3A_65] : memref<8192x32xi32, #tpu.memory_space<hbm>> -> memref<8192x32xi32, #tpu.memory_space<hbm>>
    tpu.wait_indirect_dma semaphore(%arg28 : memref<!tpu.dma_semaphore, #tpu.memory_space<semaphore_mem>>) src(%dma_wait3A_66 : memref<8192x32xi32, #tpu.memory_space<hbm>>) dst(%arg14 : memref<128x32xi32, #tpu.memory_space<vmem>>)
    %dma_wait3A_67 = arith.constant 0 : i32
    %dma_wait3A_68 = tpu.memref_slice %arg11[%dma_wait3A_67] : memref<6272xi32, #tpu.memory_space<vmem>> -> memref<128xi32, #tpu.memory_space<vmem>>
    %dma_wait3A_69 = arith.constant 0 : i32
    %dma_wait3A_70 = arith.constant 0 : i32
    %dma_wait3A_71 = tpu.memref_slice %arg5[%dma_wait3A_69, %dma_wait3A_70] : memref<8192x32xi32, #tpu.memory_space<hbm>> -> memref<8192x32xi32, #tpu.memory_space<hbm>>
    tpu.wait_indirect_dma semaphore(%arg28 : memref<!tpu.dma_semaphore, #tpu.memory_space<semaphore_mem>>) src(%dma_wait3A_71 : memref<8192x32xi32, #tpu.memory_space<hbm>>) dst(%arg15 : memref<128x32xi32, #tpu.memory_space<vmem>>)
    %dma_wait3A_72 = arith.constant 0 : i32
    %dma_wait3A_73 = tpu.memref_slice %arg12[%dma_wait3A_72] : memref<6272xi32, #tpu.memory_space<vmem>> -> memref<128xi32, #tpu.memory_space<vmem>>
    %dma_wait3A_74 = arith.constant 0 : i32
    %dma_wait3A_75 = arith.constant 0 : i32
    %dma_wait3A_76 = tpu.memref_slice %arg6[%dma_wait3A_74, %dma_wait3A_75] : memref<8192x32xi32, #tpu.memory_space<hbm>> -> memref<8192x32xi32, #tpu.memory_space<hbm>>
    tpu.wait_indirect_dma semaphore(%arg28 : memref<!tpu.dma_semaphore, #tpu.memory_space<semaphore_mem>>) src(%dma_wait3A_76 : memref<8192x32xi32, #tpu.memory_space<hbm>>) dst(%arg16 : memref<128x32xi32, #tpu.memory_space<vmem>>)
    %dma_wait3A_77 = arith.constant 0 : i32
    %dma_wait3A_78 = arith.constant 0 : i32
    %dma_wait3A_79 = arith.constant 0 : i32
    %dma_wait3A_80 = arith.constant 0 : i32
    %dma_wait3A_81 = arith.constant 0 : i32
    %dma_wait3A_82 = tpu.memref_slice %arg7[%dma_wait3A_77, %dma_wait3A_79, %dma_wait3A_78, %dma_wait3A_80, %dma_wait3A_81] : memref<49x8x32x8x128xf32, #tpu.memory_space<hbm>> -> memref<1x8x1x8x128xf32, #tpu.memory_space<hbm>>
    %dma_wait3A_83 = tpu.memref_squeeze %dma_wait3A_82 : memref<1x8x1x8x128xf32, #tpu.memory_space<hbm>> -> memref<8x8x128xf32, #tpu.memory_space<hbm>>
    %dma_wait3A_84 = arith.constant 0 : i32
    %dma_wait3A_85 = arith.constant 0 : i32
    %dma_wait3A_86 = arith.constant 0 : i32
    %dma_wait3A_87 = tpu.memref_slice %arg7[%dma_wait3A_77, %dma_wait3A_84, %dma_wait3A_78, %dma_wait3A_85, %dma_wait3A_86] : memref<49x8x32x8x128xf32, #tpu.memory_space<hbm>> -> memref<1x8x1x8x128xf32, #tpu.memory_space<hbm>>
    %dma_wait3A_88 = tpu.memref_squeeze %dma_wait3A_87 : memref<1x8x1x8x128xf32, #tpu.memory_space<hbm>> -> memref<8x8x128xf32, #tpu.memory_space<hbm>>
    tpu.wait_dma2 semaphore(%arg31 : memref<!tpu.dma_semaphore, #tpu.memory_space<semaphore_mem>>) src(%arg25 : memref<8x8x128xf32, #tpu.memory_space<vmem>>) dst(%dma_wait3A_88 : memref<8x8x128xf32, #tpu.memory_space<hbm>>)
    %parallel_loop3A_89 = arith.constant 0 : i32
    %parallel_loop3A_90 = arith.constant 16 : i32
    %parallel_loop3A_91 = arith.constant 1 : i32
    scf.for %parallel_loop3A_159 = %parallel_loop3A_89 to %parallel_loop3A_90 step %parallel_loop3A_91  : i32 {
      %parallel_loop3A_160 = vector.broadcast %parallel_loop3A_159 : i32 to vector<16xi32>
      %parallel_loop3A_161 = arith.addi %iota3A, %parallel_loop3A_160 : vector<16xi32>
      %parallel_loop3A_162 = arith.constant 15 : i32
      %parallel_loop3A_163 = vector.broadcast %parallel_loop3A_162 : i32 to vector<16xi32>
      %parallel_loop3A_164 = arith.andi %parallel_loop3A_161, %parallel_loop3A_163 : vector<16xi32>
      %parallel_loop3A_165 = arith.constant 0 : i32
      %parallel_loop3A_166 = vector.broadcast %parallel_loop3A_165 : i32 to vector<16xi32>
      %parallel_loop3A_167 = arith.addi %parallel_loop3A_164, %parallel_loop3A_166 : vector<16xi32>
      %parallel_loop3A_168 = arith.constant 2 : i32
      %parallel_loop3A_169 = vector.broadcast %parallel_loop3A_168 : i32 to vector<16xi32>
      %parallel_loop3A_170 = arith.muli %parallel_loop3A_167, %parallel_loop3A_169 : vector<16xi32>
      %parallel_loop3A_171 = arith.constant 1 : i32
      %parallel_loop3A_172 = vector.broadcast %parallel_loop3A_171 : i32 to vector<16xi32>
      %parallel_loop3A_173 = arith.addi %parallel_loop3A_170, %parallel_loop3A_172 : vector<16xi32>
      %parallel_loop3A_174 = arith.constant 3 : i32
      %parallel_loop3A_175 = vector.broadcast %parallel_loop3A_174 : i32 to vector<16xi32>
      %parallel_loop3A_176 = arith.shrsi %parallel_loop3A_170, %parallel_loop3A_175 : vector<16xi32>
      %parallel_loop3A_177 = arith.constant 7 : i32
      %parallel_loop3A_178 = vector.broadcast %parallel_loop3A_177 : i32 to vector<16xi32>
      %parallel_loop3A_179 = arith.andi %parallel_loop3A_170, %parallel_loop3A_178 : vector<16xi32>
      %parallel_loop3A_180 = arith.constant 3 : i32
      %parallel_loop3A_181 = vector.broadcast %parallel_loop3A_180 : i32 to vector<16xi32>
      %parallel_loop3A_182 = arith.shrsi %parallel_loop3A_173, %parallel_loop3A_181 : vector<16xi32>
      %parallel_loop3A_183 = arith.constant 7 : i32
      %parallel_loop3A_184 = vector.broadcast %parallel_loop3A_183 : i32 to vector<16xi32>
      %parallel_loop3A_185 = arith.andi %parallel_loop3A_173, %parallel_loop3A_184 : vector<16xi32>
      %parallel_loop3A_186 = arith.constant 16 : i32
      %parallel_loop3A_187 = vector.broadcast %parallel_loop3A_186 : i32 to vector<16xi32>
      %parallel_loop3A_188 = arith.addi %parallel_loop3A_164, %parallel_loop3A_187 : vector<16xi32>
      %parallel_loop3A_189 = arith.constant 2 : i32
      %parallel_loop3A_190 = vector.broadcast %parallel_loop3A_189 : i32 to vector<16xi32>
      %parallel_loop3A_191 = arith.muli %parallel_loop3A_188, %parallel_loop3A_190 : vector<16xi32>
      %parallel_loop3A_192 = arith.constant 1 : i32
      %parallel_loop3A_193 = vector.broadcast %parallel_loop3A_192 : i32 to vector<16xi32>
      %parallel_loop3A_194 = arith.addi %parallel_loop3A_191, %parallel_loop3A_193 : vector<16xi32>
      %parallel_loop3A_195 = arith.constant 3 : i32
      %parallel_loop3A_196 = vector.broadcast %parallel_loop3A_195 : i32 to vector<16xi32>
      %parallel_loop3A_197 = arith.shrsi %parallel_loop3A_191, %parallel_loop3A_196 : vector<16xi32>
      %parallel_loop3A_198 = arith.constant 7 : i32
      %parallel_loop3A_199 = vector.broadcast %parallel_loop3A_198 : i32 to vector<16xi32>
      %parallel_loop3A_200 = arith.andi %parallel_loop3A_191, %parallel_loop3A_199 : vector<16xi32>
      %parallel_loop3A_201 = arith.constant 3 : i32
      %parallel_loop3A_202 = vector.broadcast %parallel_loop3A_201 : i32 to vector<16xi32>
      %parallel_loop3A_203 = arith.shrsi %parallel_loop3A_194, %parallel_loop3A_202 : vector<16xi32>
      %parallel_loop3A_204 = arith.constant 7 : i32
      %parallel_loop3A_205 = vector.broadcast %parallel_loop3A_204 : i32 to vector<16xi32>
      %parallel_loop3A_206 = arith.andi %parallel_loop3A_194, %parallel_loop3A_205 : vector<16xi32>
      %parallel_loop3A_207 = arith.constant 0 : i32
      %parallel_loop3A_208 = arith.constant 8 : i32
      %parallel_loop3A_209 = arith.constant 1 : i32
      scf.for %parallel_loop3A_210 = %parallel_loop3A_207 to %parallel_loop3A_208 step %parallel_loop3A_209  : i32 {
        %parallel_loop3A_211 = arith.constant 16 : i32
        %parallel_loop3A_212 = arith.muli %parallel_loop3A_210, %parallel_loop3A_211 : i32
        %parallel_loop3A_213 = vector.broadcast %parallel_loop3A_212 : i32 to vector<16xi32>
        %parallel_loop3A_214 = arith.addi %iota3A, %parallel_loop3A_213 : vector<16xi32>
        %parallel_loop3A_215 = arith.constant 0 : i32
        %parallel_loop3A_216 = vector.broadcast %parallel_loop3A_215 : i32 to vector<16xi32>
        %parallel_loop3A_217 = arith.addi %parallel_loop3A_164, %parallel_loop3A_216 : vector<16xi32>
        %parallel_loop3A_218 = tpu.vector_load_idx %arg13[%parallel_loop3A_214, %parallel_loop3A_217] : memref<128x32xi32, #tpu.memory_space<vmem>>[vector<16xi32>, vector<16xi32>], vector<16xi32>,
        %parallel_loop3A_219 = vector.bitcast %parallel_loop3A_218 : vector<16xi32> to vector<32xbf16>
        %parallel_loop3A_220 = tpu.vector_load_idx %arg14[%parallel_loop3A_214, %parallel_loop3A_217] : memref<128x32xi32, #tpu.memory_space<vmem>>[vector<16xi32>, vector<16xi32>], vector<16xi32>,
        %parallel_loop3A_221 = vector.bitcast %parallel_loop3A_220 : vector<16xi32> to vector<32xbf16>
        %parallel_loop3A_222 = arith.addf %parallel_loop3A_219, %parallel_loop3A_221 : vector<32xbf16>
        %parallel_loop3A_223 = tpu.vector_load_idx %arg15[%parallel_loop3A_214, %parallel_loop3A_217] : memref<128x32xi32, #tpu.memory_space<vmem>>[vector<16xi32>, vector<16xi32>], vector<16xi32>,
        %parallel_loop3A_224 = vector.bitcast %parallel_loop3A_223 : vector<16xi32> to vector<32xbf16>
        %parallel_loop3A_225 = tpu.vector_load_idx %arg16[%parallel_loop3A_214, %parallel_loop3A_217] : memref<128x32xi32, #tpu.memory_space<vmem>>[vector<16xi32>, vector<16xi32>], vector<16xi32>,
        %parallel_loop3A_226 = vector.bitcast %parallel_loop3A_225 : vector<16xi32> to vector<32xbf16>
        %parallel_loop3A_227 = arith.addf %parallel_loop3A_224, %parallel_loop3A_226 : vector<32xbf16>
        %parallel_loop3A_228 = arith.addf %parallel_loop3A_222, %parallel_loop3A_227 : vector<32xbf16>
        %parallel_loop3A_229 = arith.mulf %parallel_loop3A_228, %broadcast_in_dim3A_6 : vector<32xbf16>
        %parallel_loop3A_230 = tpu.unpack_subelements %parallel_loop3A_229, 0 {pack_format = #tpu.pack_format<interleaved>} : vector<32xbf16> -> vector<16xf32>
        %parallel_loop3A_231 = tpu.unpack_subelements %parallel_loop3A_229, 1 {pack_format = #tpu.pack_format<interleaved>} : vector<32xbf16> -> vector<16xf32>
        tpu.vector_store_idx %arg25[%parallel_loop3A_176, %parallel_loop3A_179, %parallel_loop3A_214], %parallel_loop3A_230 : memref<8x8x128xf32, #tpu.memory_space<vmem>>[vector<16xi32>, vector<16xi32>, vector<16xi32>], vector<16xf32>,
        tpu.vector_store_idx %arg25[%parallel_loop3A_182, %parallel_loop3A_185, %parallel_loop3A_214], %parallel_loop3A_231 : memref<8x8x128xf32, #tpu.memory_space<vmem>>[vector<16xi32>, vector<16xi32>, vector<16xi32>], vector<16xf32>,
        %parallel_loop3A_232 = arith.constant 16 : i32
        %parallel_loop3A_233 = vector.broadcast %parallel_loop3A_232 : i32 to vector<16xi32>
        %parallel_loop3A_234 = arith.addi %parallel_loop3A_164, %parallel_loop3A_233 : vector<16xi32>
        %parallel_loop3A_235 = tpu.vector_load_idx %arg13[%parallel_loop3A_214, %parallel_loop3A_234] : memref<128x32xi32, #tpu.memory_space<vmem>>[vector<16xi32>, vector<16xi32>], vector<16xi32>,
        %parallel_loop3A_236 = vector.bitcast %parallel_loop3A_235 : vector<16xi32> to vector<32xbf16>
        %parallel_loop3A_237 = tpu.vector_load_idx %arg14[%parallel_loop3A_214, %parallel_loop3A_234] : memref<128x32xi32, #tpu.memory_space<vmem>>[vector<16xi32>, vector<16xi32>], vector<16xi32>,
        %parallel_loop3A_238 = vector.bitcast %parallel_loop3A_237 : vector<16xi32> to vector<32xbf16>
        %parallel_loop3A_239 = arith.addf %parallel_loop3A_236, %parallel_loop3A_238 : vector<32xbf16>
        %parallel_loop3A_240 = tpu.vector_load_idx %arg15[%parallel_loop3A_214, %parallel_loop3A_234] : memref<128x32xi32, #tpu.memory_space<vmem>>[vector<16xi32>, vector<16xi32>], vector<16xi32>,
        %parallel_loop3A_241 = vector.bitcast %parallel_loop3A_240 : vector<16xi32> to vector<32xbf16>
        %parallel_loop3A_242 = tpu.vector_load_idx %arg16[%parallel_loop3A_214, %parallel_loop3A_234] : memref<128x32xi32, #tpu.memory_space<vmem>>[vector<16xi32>, vector<16xi32>], vector<16xi32>,
        %parallel_loop3A_243 = vector.bitcast %parallel_loop3A_242 : vector<16xi32> to vector<32xbf16>
        %parallel_loop3A_244 = arith.addf %parallel_loop3A_241, %parallel_loop3A_243 : vector<32xbf16>
        %parallel_loop3A_245 = arith.addf %parallel_loop3A_239, %parallel_loop3A_244 : vector<32xbf16>
        %parallel_loop3A_246 = arith.mulf %parallel_loop3A_245, %broadcast_in_dim3A_6 : vector<32xbf16>
        %parallel_loop3A_247 = tpu.unpack_subelements %parallel_loop3A_246, 0 {pack_format = #tpu.pack_format<interleaved>} : vector<32xbf16> -> vector<16xf32>
        %parallel_loop3A_248 = tpu.unpack_subelements %parallel_loop3A_246, 1 {pack_format = #tpu.pack_format<interleaved>} : vector<32xbf16> -> vector<16xf32>
        tpu.vector_store_idx %arg25[%parallel_loop3A_197, %parallel_loop3A_200, %parallel_loop3A_214], %parallel_loop3A_247 : memref<8x8x128xf32, #tpu.memory_space<vmem>>[vector<16xi32>, vector<16xi32>, vector<16xi32>], vector<16xf32>,
        tpu.vector_store_idx %arg25[%parallel_loop3A_203, %parallel_loop3A_206, %parallel_loop3A_214], %parallel_loop3A_248 : memref<8x8x128xf32, #tpu.memory_space<vmem>>[vector<16xi32>, vector<16xi32>, vector<16xi32>], vector<16xf32>,
      } {sc.loop_unroll_factor = 1 : i64, sc.parallel_access}
    } {sc.loop_unroll_factor = 1 : i64, sc.parallel_access}
    %dma_start3A_92 = arith.constant 48 : i32
    %dma_start3A_93 = arith.constant 0 : i32
    %dma_start3A_94 = arith.constant 0 : i32
    %dma_start3A_95 = arith.constant 0 : i32
    %dma_start3A_96 = tpu.memref_slice %arg7[%dma_start3A_92, %dma_start3A_93, %add3A, %dma_start3A_94, %dma_start3A_95] : memref<49x8x32x8x128xf32, #tpu.memory_space<hbm>> -> memref<1x8x1x8x128xf32, #tpu.memory_space<hbm>>
    %dma_start3A_97 = tpu.memref_squeeze %dma_start3A_96 : memref<1x8x1x8x128xf32, #tpu.memory_space<hbm>> -> memref<8x8x128xf32, #tpu.memory_space<hbm>>
    %dma_start3A_98 = arith.constant 0 : i32
    %dma_start3A_99 = arith.constant 0 : i32
    %dma_start3A_100 = arith.constant 0 : i32
    %dma_start3A_101 = tpu.memref_slice %arg7[%dma_start3A_92, %dma_start3A_98, %add3A, %dma_start3A_99, %dma_start3A_100] : memref<49x8x32x8x128xf32, #tpu.memory_space<hbm>> -> memref<1x8x1x8x128xf32, #tpu.memory_space<hbm>>
    %dma_start3A_102 = tpu.memref_squeeze %dma_start3A_101 : memref<1x8x1x8x128xf32, #tpu.memory_space<hbm>> -> memref<8x8x128xf32, #tpu.memory_space<hbm>>
    tpu.enqueue_dma source(%arg25 : memref<8x8x128xf32, #tpu.memory_space<vmem>>) target(%dma_start3A_102 : memref<8x8x128xf32, #tpu.memory_space<hbm>>) target_semaphore(%arg31 : memref<!tpu.dma_semaphore, #tpu.memory_space<semaphore_mem>>)
    %dma_wait3A_103 = arith.constant 0 : i32
    %dma_wait3A_104 = tpu.memref_slice %arg9[%dma_wait3A_103] : memref<6272xi32, #tpu.memory_space<vmem>> -> memref<128xi32, #tpu.memory_space<vmem>>
    %dma_wait3A_105 = arith.constant 0 : i32
    %dma_wait3A_106 = arith.constant 0 : i32
    %dma_wait3A_107 = tpu.memref_slice %arg3[%dma_wait3A_105, %dma_wait3A_106] : memref<8192x32xi32, #tpu.memory_space<hbm>> -> memref<8192x32xi32, #tpu.memory_space<hbm>>
    tpu.wait_indirect_dma semaphore(%arg29 : memref<!tpu.dma_semaphore, #tpu.memory_space<semaphore_mem>>) src(%dma_wait3A_107 : memref<8192x32xi32, #tpu.memory_space<hbm>>) dst(%arg17 : memref<128x32xi32, #tpu.memory_space<vmem>>)
    %dma_wait3A_108 = arith.constant 0 : i32
    %dma_wait3A_109 = tpu.memref_slice %arg10[%dma_wait3A_108] : memref<6272xi32, #tpu.memory_space<vmem>> -> memref<128xi32, #tpu.memory_space<vmem>>
    %dma_wait3A_110 = arith.constant 0 : i32
    %dma_wait3A_111 = arith.constant 0 : i32
    %dma_wait3A_112 = tpu.memref_slice %arg4[%dma_wait3A_110, %dma_wait3A_111] : memref<8192x32xi32, #tpu.memory_space<hbm>> -> memref<8192x32xi32, #tpu.memory_space<hbm>>
    tpu.wait_indirect_dma semaphore(%arg29 : memref<!tpu.dma_semaphore, #tpu.memory_space<semaphore_mem>>) src(%dma_wait3A_112 : memref<8192x32xi32, #tpu.memory_space<hbm>>) dst(%arg18 : memref<128x32xi32, #tpu.memory_space<vmem>>)
    %dma_wait3A_113 = arith.constant 0 : i32
    %dma_wait3A_114 = tpu.memref_slice %arg11[%dma_wait3A_113] : memref<6272xi32, #tpu.memory_space<vmem>> -> memref<128xi32, #tpu.memory_space<vmem>>
    %dma_wait3A_115 = arith.constant 0 : i32
    %dma_wait3A_116 = arith.constant 0 : i32
    %dma_wait3A_117 = tpu.memref_slice %arg5[%dma_wait3A_115, %dma_wait3A_116] : memref<8192x32xi32, #tpu.memory_space<hbm>> -> memref<8192x32xi32, #tpu.memory_space<hbm>>
    tpu.wait_indirect_dma semaphore(%arg29 : memref<!tpu.dma_semaphore, #tpu.memory_space<semaphore_mem>>) src(%dma_wait3A_117 : memref<8192x32xi32, #tpu.memory_space<hbm>>) dst(%arg19 : memref<128x32xi32, #tpu.memory_space<vmem>>)
    %dma_wait3A_118 = arith.constant 0 : i32
    %dma_wait3A_119 = tpu.memref_slice %arg12[%dma_wait3A_118] : memref<6272xi32, #tpu.memory_space<vmem>> -> memref<128xi32, #tpu.memory_space<vmem>>
    %dma_wait3A_120 = arith.constant 0 : i32
    %dma_wait3A_121 = arith.constant 0 : i32
    %dma_wait3A_122 = tpu.memref_slice %arg6[%dma_wait3A_120, %dma_wait3A_121] : memref<8192x32xi32, #tpu.memory_space<hbm>> -> memref<8192x32xi32, #tpu.memory_space<hbm>>
    tpu.wait_indirect_dma semaphore(%arg29 : memref<!tpu.dma_semaphore, #tpu.memory_space<semaphore_mem>>) src(%dma_wait3A_122 : memref<8192x32xi32, #tpu.memory_space<hbm>>) dst(%arg20 : memref<128x32xi32, #tpu.memory_space<vmem>>)
    %dma_wait3A_123 = arith.constant 0 : i32
    %dma_wait3A_124 = arith.constant 0 : i32
    %dma_wait3A_125 = arith.constant 0 : i32
    %dma_wait3A_126 = arith.constant 0 : i32
    %dma_wait3A_127 = arith.constant 0 : i32
    %dma_wait3A_128 = tpu.memref_slice %arg7[%dma_wait3A_123, %dma_wait3A_125, %dma_wait3A_124, %dma_wait3A_126, %dma_wait3A_127] : memref<49x8x32x8x128xf32, #tpu.memory_space<hbm>> -> memref<1x8x1x8x128xf32, #tpu.memory_space<hbm>>
    %dma_wait3A_129 = tpu.memref_squeeze %dma_wait3A_128 : memref<1x8x1x8x128xf32, #tpu.memory_space<hbm>> -> memref<8x8x128xf32, #tpu.memory_space<hbm>>
    %dma_wait3A_130 = arith.constant 0 : i32
    %dma_wait3A_131 = arith.constant 0 : i32
    %dma_wait3A_132 = arith.constant 0 : i32
    %dma_wait3A_133 = tpu.memref_slice %arg7[%dma_wait3A_123, %dma_wait3A_130, %dma_wait3A_124, %dma_wait3A_131, %dma_wait3A_132] : memref<49x8x32x8x128xf32, #tpu.memory_space<hbm>> -> memref<1x8x1x8x128xf32, #tpu.memory_space<hbm>>
    %dma_wait3A_134 = tpu.memref_squeeze %dma_wait3A_133 : memref<1x8x1x8x128xf32, #tpu.memory_space<hbm>> -> memref<8x8x128xf32, #tpu.memory_space<hbm>>
    tpu.wait_dma2 semaphore(%arg31 : memref<!tpu.dma_semaphore, #tpu.memory_space<semaphore_mem>>) src(%arg25 : memref<8x8x128xf32, #tpu.memory_space<vmem>>) dst(%dma_wait3A_134 : memref<8x8x128xf32, #tpu.memory_space<hbm>>)
    %dma_wait3A_135 = arith.constant 0 : i32
    %dma_wait3A_136 = arith.constant 0 : i32
    %dma_wait3A_137 = arith.constant 0 : i32
    %dma_wait3A_138 = arith.constant 0 : i32
    %dma_wait3A_139 = arith.constant 0 : i32
    %dma_wait3A_140 = tpu.memref_slice %arg7[%dma_wait3A_135, %dma_wait3A_137, %dma_wait3A_136, %dma_wait3A_138, %dma_wait3A_139] : memref<49x8x32x8x128xf32, #tpu.memory_space<hbm>> -> memref<1x8x1x8x128xf32, #tpu.memory_space<hbm>>
    %dma_wait3A_141 = tpu.memref_squeeze %dma_wait3A_140 : memref<1x8x1x8x128xf32, #tpu.memory_space<hbm>> -> memref<8x8x128xf32, #tpu.memory_space<hbm>>
    %dma_wait3A_142 = arith.constant 0 : i32
    %dma_wait3A_143 = arith.constant 0 : i32
    %dma_wait3A_144 = arith.constant 0 : i32
    %dma_wait3A_145 = tpu.memref_slice %arg7[%dma_wait3A_135, %dma_wait3A_142, %dma_wait3A_136, %dma_wait3A_143, %dma_wait3A_144] : memref<49x8x32x8x128xf32, #tpu.memory_space<hbm>> -> memref<1x8x1x8x128xf32, #tpu.memory_space<hbm>>
    %dma_wait3A_146 = tpu.memref_squeeze %dma_wait3A_145 : memref<1x8x1x8x128xf32, #tpu.memory_space<hbm>> -> memref<8x8x128xf32, #tpu.memory_space<hbm>>
    tpu.wait_dma2 semaphore(%arg32 : memref<!tpu.dma_semaphore, #tpu.memory_space<semaphore_mem>>) src(%arg26 : memref<8x8x128xf32, #tpu.memory_space<vmem>>) dst(%dma_wait3A_146 : memref<8x8x128xf32, #tpu.memory_space<hbm>>)
    %dma_wait3A_147 = arith.constant 0 : i32
    %dma_wait3A_148 = arith.constant 0 : i32
    %dma_wait3A_149 = arith.constant 0 : i32
    %dma_wait3A_150 = arith.constant 0 : i32
    %dma_wait3A_151 = arith.constant 0 : i32
    %dma_wait3A_152 = tpu.memref_slice %arg7[%dma_wait3A_147, %dma_wait3A_149, %dma_wait3A_148, %dma_wait3A_150, %dma_wait3A_151] : memref<49x8x32x8x128xf32, #tpu.memory_space<hbm>> -> memref<1x8x1x8x128xf32, #tpu.memory_space<hbm>>
    %dma_wait3A_153 = tpu.memref_squeeze %dma_wait3A_152 : memref<1x8x1x8x128xf32, #tpu.memory_space<hbm>> -> memref<8x8x128xf32, #tpu.memory_space<hbm>>
    %dma_wait3A_154 = arith.constant 0 : i32
    %dma_wait3A_155 = arith.constant 0 : i32
    %dma_wait3A_156 = arith.constant 0 : i32
    %dma_wait3A_157 = tpu.memref_slice %arg7[%dma_wait3A_147, %dma_wait3A_154, %dma_wait3A_148, %dma_wait3A_155, %dma_wait3A_156] : memref<49x8x32x8x128xf32, #tpu.memory_space<hbm>> -> memref<1x8x1x8x128xf32, #tpu.memory_space<hbm>>
    %dma_wait3A_158 = tpu.memref_squeeze %dma_wait3A_157 : memref<1x8x1x8x128xf32, #tpu.memory_space<hbm>> -> memref<8x8x128xf32, #tpu.memory_space<hbm>>
    tpu.wait_dma2 semaphore(%arg33 : memref<!tpu.dma_semaphore, #tpu.memory_space<semaphore_mem>>) src(%arg27 : memref<8x8x128xf32, #tpu.memory_space<vmem>>) dst(%dma_wait3A_158 : memref<8x8x128xf32, #tpu.memory_space<hbm>>)
    return
  }
}

</mosaic_0001>

<sc_bundles>
// kernel: kernel.3.cloned.1.call-start
scs
__scs_entry_jumppad:
0x0: {  	(pc) =	sbr.rel $0x88, $3  }
0x1: {  	(tag) =	ssettag $0x0;
	lr =	simm.s32 $0x1  }
0x2: {  	[smem:$0x3F9C] =	sst lr;
	_ =	strace $0xD0000000  }
0x3: {  	_ = 	snop  }
0x4: {  	_ = 	snop  }
0x5: {  	_ = 	snop  }
0x6: {  	_ = 	snop  }
0x7: {  	_ = 	snop  }
__scs_overlays_trampoline_lowered:
0x8: {  	[smem:$0x3FAB] =	sst s0  }
0x9: {  	[smem:$0x3FAC] =	sst s1  }
0xa: {  	[smem:$0x3FAD] =	sst s2  }
0xb: {  	[smem:$0x3FAE] =	sst s3  }
0xc: {  	[smem:$0x3FAF] =	sst s4  }
0xd: {  	[smem:$0x3FB0] =	sst s5  }
0xe: {  	[smem:$0x3FB1] =	sst s6  }
0xf: {  	[smem:$0x3FB2] =	sst s7  }
0x10: {  	[smem:$0x3FB3] =	sst s8  }
0x11: {  	[smem:$0x3FB4] =	sst s9;
	s0 =	simm.s32 @!p0 $0x0  }
0x12: {  	s1 =	sld [smem:$0x3F9A];
	s0 =	simm.s32 @p0 $0x1  }
0x13: {  	[smem:$0x3FB5] =	sst s0;
	s0 =	simm.s32 @!p1 $0x0  }
0x14: {  	s2 =	sld [smem:$0x3F99];
	s0 =	simm.s32 @p1 $0x1  }
0x15: {  	[smem:$0x3FB6] =	sst s0;
	s0 =	simm.s32 @!p2 $0x0  }
0x16: {  	s3 =	sld [smem:$0x3FDB];
	s0 =	simm.s32 @p2 $0x1  }
0x17: {  	s4 =	simm.s32 $0x1BF5;
	[smem:$0x3FB8] =	sst s0  }
0x18: {  	s0 =	sld [smem:$0x3F9B];
	_ =	swait.ge [sflag:s4], $0x0  }
0x19: {  	s7 =	sld [smem:$0x3F9C]  }
0x1a: {  	s8 =	sadd.s32 $0xFFFFE003, lr  }
0x1b: {  	s9 =	sadd.s32 $0xFFFFFEF7, lr;
	s5 =	simm.s32 $0xFFFFFFFF;
	p2 =	slt.u32 s8, $0xFFFFF086  }
0x1c: {  	p1 =	slt.u32 s9, $0xF7A;
	s5 =	simm.s32 @!p2 $0x0  }
0x1d: {  	s5 =	simm.s32 @p1 $0x1;
	p0 =	seq.s32 s7, s2  }
0x1e: {  	s7 =	smul.u32 @!p0 $0xF7A, s2;
	p2 =	seq.s32 @!p0 s5, $0x0  }
0x1f: {  	s9 =	smul.u32 $0xF7A, s1;
	s8 =	simm.s32 @!p0 $0x1BF5;
	p2 =	por !p2, p0  }
0x20: {  	[sflag:s8] =	ssyncset.s32 @!p0 $0xFFFFF086;
	s6 =	sadd.s32 @!p0 s3, s7;
	s7 =	simm.s32 @!p0 $0x108  }
0x21: {  	s3 =	sadd.s32 s3, s9;
	s6 =	sadd.s32 @!p0 $0x88, s6;
	s7 =	simm.s32 @p2 $0x1082  }
0x22: {  	[simem:s7], [sflag:s8] =	dma.local @!p0 [hbm:s6], $0xF7A  }
0x23: {  	s9 =	sor.u32 $0xD0000000, s2;
	s6 =	simm.s32 $0x108;
	_ =	swait.ge @!p0 [sflag:s8], $0x0  }
0x24: {  	s3 =	sadd.s32 $0x88, s3;
	s6 =	simm.s32 @!p1 $0x1082;
	[sflag:s4] =	ssyncset.s32 $0xFFFFF086  }
0x25: {  	[simem:s6], [sflag:s4] =	dma.local [hbm:s3], $0xF7A  }
0x26: {  	[smem:$0x3F9C] =	sst s1;
	(tag) =	ssettag s2;
	_ =	strace s9  }
0x27: {  	s1 =	sld [smem:$0x3FAC]  }
0x28: {  	s2 =	sld [smem:$0x3FAD]  }
0x29: {  	s4 =	sld [smem:$0x3FAF]  }
0x2a: {  	p0 =	seq.s32 s5, $0x0;
	s5 =	sld [smem:$0x3FB0]  }
0x2b: {  	s6 =	sld [smem:$0x3FB1]  }
0x2c: {  	s7 =	sld [smem:$0x3FB2]  }
0x2d: {  	s3 =	simm.s32 $0x108;
	s8 =	sld [smem:$0x3FB3]  }
0x2e: {  	s3 =	simm.s32 @!p0 $0x1082;
	s9 =	sld [smem:$0x3FB4]  }
0x2f: {  	lr =	sadd.s32 s0, s3;
	s0 =	sld [smem:$0x3FAB]  }
0x30: {  	s3 =	sld [smem:$0x3FAE]  }
0x31: {  	[smem:$0x3FB7] =	sst s10  }
0x32: {  	s10 =	sld [smem:$0x3FB5];
	_ =	sdelay $0x3  }
0x33: {  	p0 =	seq.s32 s10, $0x1;
	s10 =	sld [smem:$0x3FB7];
	_ =	sdelay $0x3  }
0x34: {  	[smem:$0x3FB7] =	sst s10  }
0x35: {  	s10 =	sld [smem:$0x3FB6];
	_ =	sdelay $0x3  }
0x36: {  	p1 =	seq.s32 s10, $0x1;
	s10 =	sld [smem:$0x3FB7];
	_ =	sdelay $0x3  }
0x37: {  	[smem:$0x3FB7] =	sst s10  }
0x38: {  	s10 =	sld [smem:$0x3FB8]  }
0x39: {  	_ = 	snop;
	(pc) =	sbr.ind lr, $3  }
0x3a: {  	_ = 	snop  }
0x3b: {  	_ = 	snop  }
0x3c: {  	p2 =	seq.s32 s10, $0x1;
	s10 =	sld [smem:$0x3FB7]  }
0x3d: {  	_ =	shalt  }
0x3e: {  	_ =	shalt  }
0x3f: {  	_ =	shalt  }
0x40: {  	_ =	shalt  }
0x41: {  	_ =	shalt  }
0x42: {  	_ =	shalt  }
0x43: {  	_ =	shalt  }
0x44: {  	_ =	shalt  }
0x45: {  	_ =	shalt  }
0x46: {  	_ =	shalt  }
0x47: {  	_ =	shalt  }
0x48: {  	_ =	shalt  }
0x49: {  	_ =	shalt  }
0x4a: {  	_ =	shalt  }
0x4b: {  	_ =	shalt  }
0x4c: {  	_ =	shalt  }
0x4d: {  	_ =	shalt  }
0x4e: {  	_ =	shalt  }
0x4f: {  	_ =	shalt  }
0x50: {  	_ =	shalt  }
0x51: {  	_ =	shalt  }
0x52: {  	_ =	shalt  }
0x53: {  	_ =	shalt  }
0x54: {  	_ =	shalt  }
0x55: {  	_ =	shalt  }
0x56: {  	_ =	shalt  }
0x57: {  	_ =	shalt  }
0x58: {  	_ =	shalt  }
0x59: {  	_ =	shalt  }
0x5a: {  	_ =	shalt  }
0x5b: {  	_ =	shalt  }
0x5c: {  	_ =	shalt  }
0x5d: {  	_ =	shalt  }
0x5e: {  	_ =	shalt  }
0x5f: {  	_ =	shalt  }
0x60: {  	_ =	shalt  }
0x61: {  	_ =	shalt  }
0x62: {  	_ =	shalt  }
0x63: {  	_ =	shalt  }
0x64: {  	_ =	shalt  }
0x65: {  	_ =	shalt  }
0x66: {  	_ =	shalt  }
0x67: {  	_ =	shalt  }
0x68: {  	_ =	shalt  }
0x69: {  	_ =	shalt  }
0x6a: {  	_ =	shalt  }
0x6b: {  	_ =	shalt  }
0x6c: {  	_ =	shalt  }
0x6d: {  	_ =	shalt  }
0x6e: {  	_ =	shalt  }
0x6f: {  	_ =	shalt  }
0x70: {  	_ =	shalt  }
0x71: {  	_ =	shalt  }
0x72: {  	_ =	shalt  }
0x73: {  	_ =	shalt  }
0x74: {  	_ =	shalt  }
0x75: {  	_ =	shalt  }
0x76: {  	_ =	shalt  }
0x77: {  	_ =	shalt  }
0x78: {  	_ =	shalt  }
0x79: {  	_ =	shalt  }
0x7a: {  	_ =	shalt  }
0x7b: {  	_ =	shalt  }
0x7c: {  	_ =	shalt  }
0x7d: {  	_ =	shalt  }
0x7e: {  	_ =	shalt  }
0x7f: {  	_ =	shalt  }
0x80: {  	_ =	shalt  }
0x81: {  	_ =	shalt  }
0x82: {  	_ =	shalt  }
0x83: {  	_ =	shalt  }
0x84: {  	_ =	shalt  }
0x85: {  	_ =	shalt  }
0x86: {  	_ =	shalt  }
0x87: {  	_ =	shalt  }
.Lfunc_end0:
.L_simem_size_0:
called_computation_lowered:
.L_overlay_start_0:
0x88: {  	s2 =	sld [smem:$0x3FD9]  }
0x89: {  	s3 =	sld [smem:$0x3FFE];
	_ =	sdelay $0x1  }
0x8a: {  	s1 =	srdreg.scid  }
0x8b: {  	s0 =	sand.u32 $0x1, s1  }
0x8c: {  	s17 =	sshll.u32 s0, $0xA;
	s2 =	sadd.s32 s3, s2  }
0x8d: {  	s2 =	sadd.s32 s2, s17  }
0x8e: {  	[smem:$0x3FC3] =	sst s2  }
0x8f: {  	_ = 	snop  }
0x90: {  	s2 =	sld [smem:$0x3FD0];
	(tm) =	ssettm $0x1  }
0x91: {  	s18 =	sld [smem:$0x3FFB];
	_ =	sdelay $0x3  }
0x92: {  	_ =	strace s18  }
0x93: {  	s3 =	sld [smem:$0x3FFC];
	_ =	sdelay $0x3  }
0x94: {  	_ =	strace s3  }
0x95: {  	s3 =	sld [smem:$0x3FFD];
	_ =	sdelay $0x3  }
0x96: {  	_ =	strace s3  }
0x97: {  	_ =	strace $0x8FFFFFFF  }
0x98: {  	s19 =	sld [smem:$0x3FDB];
	_ =	sdelay $0x1  }
0x99: {  	s4 =	simm.s32 $_scs_section_size  }
0x9a: {  	s5 =	simm.s32 $_size__tile_overlayer_lowered;
	s6 =	simm.s32 $_tile_overlayer_lowered  }
0x9b: {  	s22 =	simm.s32 $0x1BFF;
	s21 =	sshll.u32 s6, $0x1;
	s3 =	sadd.s32 s4, s19  }
0x9c: {  	s7 =	simm.s32 $0x0;
	s20 =	sshll.u32 s5, $0x1;
	s5 =	sadd.s32 s21, s3  }
0x9d: {  	[timem:s7], [sflag:s22] =	dma.local [hbm:s5], s20  }
0x9e: {  	_ =	swait.ge [sflag:s22], s20  }
0x9f: {  	s4 =	ssub.s32 $0x0, s20;
	[sflag:s22] =	ssyncset.done $0x0  }
0xa0: {  	[sflag:s22] =	ssyncadd.s32 s4;
	_ =	sdelay $0x1  }
0xa1: {  	s23 =	simm.s32 $0x1B8B  }
0xa2: {  	_ =	swait.ge [sflag:s23], $0x1  }
0xa3: {  	[sflag:s23] =	ssyncset.done $0x0  }
0xa4: {  	s25 =	simm.s32 $0x1B8E;
	s24 =	sld [smem:$0x3FFE];
	[sflag:s23] =	ssyncadd.s32 $0xFFFFFFFF  }
0xa5: {  	s26 =	simm.s32 $execute0_lowered;
	[smem:$0x3FD2] =	sst s25  }
0xa6: {  	s5 =	sshll.u32 s26, $0x1;
	_ =	strace $0x80000046;
	[dreg:$0x1] =	wrdreg $0xFFFFFFFF  }
0xa7: {  	s28 =	simm.s32 $_size_execute0_lowered;
	s3 =	sadd.s32 s3, s5;
	[dreg:$0x0] =	wrdreg $0x0  }
0xa8: {  	s5 =	sshll.u32 s28, $0x1;
	[dreg:$0x2] =	wrdreg s3  }
0xa9: {  	[dreg:$0x3] =	wrdreg s5  }
0xaa: {  	[dreg:$0x4] =	wrdreg $0xC0  }
0xab: {  	_ =	task [dreg:s7], $0x5FFFF  }
0xac: {  	[dreg:$0x1] =	wrdreg $0xFFFFFFFF  }
0xad: {  	[dreg:$0x0] =	wrdreg $0x60  }
0xae: {  	[dreg:$0x2] =	wrdreg s24  }
0xaf: {  	[dreg:$0x3] =	wrdreg s2  }
0xb0: {  	[dreg:$0x4] =	wrdreg $0x9  }
0xb1: {  	_ =	task.clear_ibuf [dreg:s7], $0x5FFFF;
	_ =	strace $0x90000046  }
0xb2: {  	s29 =	simm.s32 $0x9;
	_ =	strace $0x80000048  }
0xb3: {  	_ =	swait.ge [sflag:s29], $0x1  }
0xb4: {  	[sflag:s29] =	ssyncadd.s32 $0xFFFFFFFF  }
0xb5: {  	_ =	strace $0x90000048  }
0xb6: {  	_ =	sfence  }
0xb7: {  	s30 =	sld [smem:$0x0];
	_ =	sdelay $0x2  }
0xb8: {  	s31 =	sshll.u32 s1, $0xD;
	s1 =	sshrl.u32 s1, $0x2  }
0xb9: {  	s3 =	sand.u32 $0x4000, s31;
	s1 =	sadd.s32 s1, s30  }
0xba: {  	s0 =	sor.u32 s3, s0;
	s1 =	sshll.u32 s1, $0x11  }
0xbb: {  	s0 =	sor.u32 s1, s0  }
0xbc: {  	s0 =	sadd.s32 $0x8F2B, s0  }
0xbd: {  	[sflag:s0] =	ssyncadd.remote.s32 $0x1  }
0xbe: {  	_ =	sfence.sel $0xFFFF  }
0xbf: {  	[dreg:$0x0] =	wrdreg $0xFFFFFFFF;
	(pc) =	sbr.abs _section_cstart, $3  }
0xc0: {  	[dreg:$0x1] =	wrdreg $0xFFFFFFFF  }
0xc1: {  	_ =	task.clear_ibuf [dreg:s7], $0x2FFFF;
	_ =	strace $0x9FFFFFFF  }
0xc2: {  	(tm) =	ssettm $0x7FFFFFFF  }
0xc3: {  	_ =	shalt  }
tec
execute0_lowered:
.L_overlay_start_1:
0x0: {  	(tag) =	ssettag $0x1  }
0x1: {  	s0 =	rddreg [dreg:$0x0]  }
0x2: {  	s6 =	rddreg [dreg:$0x1]  }
0x3: {  	s2 =	simm.s32 $0x0;
	s19 =	srdreg.scid;
	s3 =	stileid.u32  }
0x4: {  	s16 =	simm.s32 $0x7B00;
	s18 =	simm.s32 $0x8B00;
	s29 =	simm.s32 $0xDB00  }
0x5: {  	s31 =	simm.s32 $0xEB00;
	s15 =	simm.s32 $0x11B00;
	s17 =	simm.s32 $0x12B00  }
0x6: {  	s30 =	simm.s32 $0x15B00;
	[smem:$0x7FF] =	sst s2;
	s1 =	sadd.s32 $0x1E400, s0  }
0x7: {  	s4 =	sadd.s32 $0x16400, s0;
	_ =	strace $0x80000047;
	[dreg:$0x3] =	wrdreg s1  }
0x8: {  	s11 =	simm.s32 $0x17B00;
	s20 =	sadd.s32 $0xE400, s0;
	[dreg:$0x4] =	wrdreg s4  }
0x9: {  	s3 =	sshll.u32 s3, $0x1;
	s22 =	sadd.s32 $0x6400, s0;
	[dreg:$0x5] =	wrdreg s20  }
0xa: {  	s1 =	sand.u32 $0x1, s19;
	[dreg:$0x6] =	wrdreg s22;
	s20 =	simm.s32 $0x9B00  }
0xb: {  	s22 =	simm.s32 $0xAB00;
	s21 =	ssub.s32 $0x2, s1;
	s1 =	sor.u32 s1, s3  }
0xc: {  	s23 =	sshrl.u32 s21, $0x1;
	s5 =	smul.u32 $0x320, s1;
	s24 =	sshll.u32 s1, $0xA  }
0xd: {  	s1 =	sshll.u32 s1, $0x7;
	s3 =	ssub.s32 s21, s23;
	[dreg:$0x7] =	wrdreg s24  }
0xe: {  	v0 =	vlaneseq.u32;
	s25 =	sor.u32 $0x40000, s24;
	s26 =	sadd.s32 s1, s6;
	s24 =	simm.s32 $0xBB00  }
0xf: {  	v2 =	vand.u32 $0x3, v0;
	s21 =	simm.s32 $0x13B00;
	s0 =	sadd.s32 s0, s5;
	[dreg:$0x9] =	wrdreg s25  }
0x10: {  	v1 =	vmul.u32 $0x32, v0;
	v2 =	vmul.u32 $0x2, v2;
	s28 =	smax.u32 s3, $0x1;
	s3 =	simm.s32 $0x10B00;
	[dreg:$0x8] =	wrdreg s0  }
0x11: {  	s5 =	simm.s32 $0x0;
	s0 =	sadd.s32 $0x180000, s26;
	[dreg:$0xb] =	wrdreg s28  }
0x12: {  	v5 =	vimm.bf16 $2.5000e-01;
	v3 =	vor.u32 $0x1, v1;
	v4 =	vor.u32 $0x1, v2;
	s26 =	simm.s32 $0xCB00;
	[dreg:$0xa] =	wrdreg s0;
	s0 =	simm.s32 $0xFB00  }
.LBB2_1:
0x13: {  	s1 =	simm.s32 $0x320  }
0x14: {  	v6 =	vadd.s32 s1, v1  }
0x15: {  	[dreg:$0xc] =	wrdreg s5;
	v7 =	vadd.s32 s1, v3;
	v6 =	vand.u32 $0x3FF8, v6  }
0x16: {  	v8 =	vadd.s32 s2, v1;
	s19 =	rddreg [dreg:$0x8];
	s23 =	simm.s32 $0x7;
	v7 =	vand.u32 $0x3FF8, v7;
	v6 =	vor.u32 v2, v6  }
0x17: {  	[tilespmem:s2], [sflag:$0x7] =	stream.linear.gather [hbm4b:s19+s2], $0x1900, $0x38;
	v8 =	vand.u32 $0x3FF8, v8;
	v7 =	vor.u32 v4, v7;
	[tilespmem:$0x19B00] =	vst v63  }
0x18: {  	_ =	swait.ge [sflag:s23], $0x1900;
	v8 =	vor.u32 v2, v8  }
0x19: {  	[sflag:s23] =	ssyncset.done $0x0  }
0x1a: {  	[sflag:s23] =	ssyncadd.s32 $0xFFFFE700  }
0x1b: {  	v6 =	vld.idx.msk [tilespmem:v6+s2+$0x0], $0xffff  }
0x1c: {  	v9 =	vadd.s32 s2, v3;
	s25 =	simm.s32 $0x640;
	v7 =	vld.idx.msk [tilespmem:v7+s2+$0x0], $0xffff  }
0x1d: {  	s4 =	simm.s32 $0x960;
	v9 =	vand.u32 $0x3FF8, v9;
	v16 =	vadd.s32 s25, v1;
	v8 =	vld.idx.msk [tilespmem:v8+s2+$0x0], $0xffff  }
0x1e: {  	v17 =	vadd.s32 s4, v1;
	v18 =	vadd.s32 s4, v3;
	v19 =	vadd.s32 s25, v3  }
0x1f: {  	v9 =	vor.u32 v4, v9;
	v16 =	vand.u32 $0x3FF8, v16;
	v17 =	vand.u32 $0x3FF8, v17  }
0x20: {  	v18 =	vand.u32 $0x3FF8, v18;
	v19 =	vand.u32 $0x3FF8, v19;
	v6 =	vshll.u32 v6, $0xA  }
0x21: {  	v16 =	vor.u32 v2, v16;
	v17 =	vor.u32 v2, v17;
	v6 =	vor.u32 v7, v6  }
0x22: {  	v18 =	vor.u32 v4, v18;
	v7 =	vshll.u32 v8, $0xA;
	v8 =	vxor.u32 $0x9E3779B9, v6  }
0x23: {  	v11 =	vxor.u32 $0xBF58476D, v6;
	v12 =	vxor.u32 $0x94D049BB, v6;
	v10 =	vshrl.u32 v8, $0x10  }
0x24: {  	v6 =	vxor.u32 $0xC1B53C1A, v6;
	v8 =	vxor.u32 v8, v10;
	v10 =	vshrl.u32 v11, $0x10  }
0x25: {  	v9 =	vld.idx.msk [tilespmem:v9+s2+$0x0], $0xffff;
	v8 =	vmul.u32 $0x7FEB352D, v8;
	v10 =	vxor.u32 v11, v10;
	v11 =	vshrl.u32 v12, $0x10  }
0x26: {  	v10 =	vmul.u32 $0x7FEB352D, v10;
	v11 =	vxor.u32 v12, v11;
	v12 =	vshrl.u32 v6, $0x10  }
0x27: {  	v13 =	vshrl.u32 v8, $0xF;
	v11 =	vmul.u32 $0x7FEB352D, v11;
	v6 =	vxor.u32 v6, v12  }
0x28: {  	v8 =	vxor.u32 v8, v13;
	v12 =	vshrl.u32 v10, $0xF;
	v6 =	vmul.u32 $0x7FEB352D, v6  }
0x29: {  	v8 =	vmul.u32 $0x846CA68B, v8;
	v10 =	vxor.u32 v10, v12;
	v12 =	vshrl.u32 v11, $0xF  }
0x2a: {  	v7 =	vor.u32 v9, v7;
	v9 =	vmul.u32 $0x846CA68B, v10;
	v10 =	vxor.u32 v11, v12  }
0x2b: {  	v11 =	vshrl.u32 v6, $0xF;
	v12 =	vshrl.u32 v8, $0x10;
	v10 =	vmul.u32 $0x846CA68B, v10  }
0x2c: {  	v6 =	vxor.u32 v6, v11;
	v8 =	vxor.u32 v8, v12;
	v11 =	vshrl.u32 v9, $0x10  }
0x2d: {  	v6 =	vmul.u32 $0x846CA68B, v6;
	v9 =	vxor.u32 v9, v11;
	v11 =	vshrl.u32 v10, $0x10  }
0x2e: {  	v19 =	vor.u32 v4, v19;
	v12 =	vand.u32 $0x1FFF, v8;
	v8 =	vxor.u32 v10, v11  }
0x2f: {  	v10 =	vshrl.u32 v6, $0x10;
	v11 =	vxor.u32 $0x9E3779B9, v7;
	v13 =	vand.u32 $0x1FFF, v8  }
0x30: {  	v6 =	vxor.u32 v6, v10;
	v8 =	vxor.u32 $0xBF58476D, v7;
	v10 =	vxor.u32 $0x94D049BB, v7  }
0x31: {  	v14 =	vshrl.u32 v11, $0x10;
	v7 =	vxor.u32 $0xC1B53C1A, v7;
	v15 =	vshrl.u32 v8, $0x10  }
0x32: {  	v11 =	vxor.u32 v11, v14;
	v14 =	vshrl.u32 v10, $0x10;
	v8 =	vxor.u32 v8, v15  }
0x33: {  	v15 =	vshrl.u32 v7, $0x10;
	v10 =	vxor.u32 v10, v14;
	v11 =	vmul.u32 $0x7FEB352D, v11  }
0x34: {  	v7 =	vxor.u32 v7, v15;
	v8 =	vmul.u32 $0x7FEB352D, v8;
	v10 =	vmul.u32 $0x7FEB352D, v10  }
0x35: {  	v14 =	vld.idx.msk [tilespmem:v16+s2+$0x0], $0xffff;
	v15 =	vand.u32 $0x1FFF, v6;
	v6 =	vmul.u32 $0x7FEB352D, v7;
	v16 =	vshrl.u32 v11, $0xF  }
0x36: {  	v7 =	vld.idx.msk [tilespmem:v17+s2+$0x0], $0xffff;
	v17 =	vshrl.u32 v8, $0xF;
	v11 =	vxor.u32 v11, v16;
	v16 =	vshrl.u32 v10, $0xF  }
0x37: {  	v18 =	vld.idx.msk [tilespmem:v18+s2+$0x0], $0xffff;
	v8 =	vxor.u32 v8, v17;
	v17 =	vshrl.u32 v6, $0xF;
	v11 =	vmul.u32 $0x846CA68B, v11  }
0x38: {  	v19 =	vld.idx.msk [tilespmem:v19+s2+$0x0], $0xffff;
	v10 =	vxor.u32 v10, v16;
	v16 =	vxor.u32 v6, v17;
	v6 =	vmul.u32 $0x846CA68B, v8  }
0x39: {  	v10 =	vmul.u32 $0x846CA68B, v10  }
0x3a: {  	v14 =	vshll.u32 v14, $0xA;
	v8 =	vshrl.u32 v11, $0x10;
	v17 =	vshrl.u32 v6, $0x10  }
0x3b: {  	v20 =	vshll.u32 v7, $0xA;
	v7 =	vxor.u32 v11, v8;
	v11 =	vshrl.u32 v10, $0x10  }
0x3c: {  	v18 =	vor.u32 v18, v20;
	v8 =	vxor.u32 v6, v17;
	v6 =	vxor.u32 v10, v11  }
0x3d: {  	v17 =	vor.u32 v19, v14;
	v10 =	vxor.u32 $0x9E3779B9, v18;
	v14 =	vxor.u32 $0xBF58476D, v18  }
0x3e: {  	v57 =	vxor.u32 $0x94D049BB, v18;
	v18 =	vxor.u32 $0xC1B53C1A, v18;
	v11 =	vshrl.u32 v10, $0x10  }
0x3f: {  	v58 =	vshrl.u32 v18, $0x10;
	v10 =	vxor.u32 v10, v11;
	v11 =	vshrl.u32 v14, $0x10  }
0x40: {  	v9 =	vand.u32 $0x1FFF, v9;
	v18 =	vxor.u32 v18, v58;
	v11 =	vxor.u32 v14, v11  }
0x41: {  	s7 =	simm.s32 $0x1910;
	v10 =	vmul.u32 $0x7FEB352D, v10;
	v14 =	vshrl.u32 v57, $0x10;
	v11 =	vmul.u32 $0x7FEB352D, v11  }
0x42: {  	[tilespmem:s7+$0x0] =	vst v12;
	v12 =	vmul.u32 $0x846CA68B, v16;
	v18 =	vmul.u32 $0x7FEB352D, v18;
	v14 =	vxor.u32 v57, v14  }
0x43: {  	v59 =	vshrl.u32 v10, $0xF;
	v14 =	vmul.u32 $0x7FEB352D, v14;
	v60 =	vshrl.u32 v11, $0xF  }
0x44: {  	s8 =	simm.s32 $0x3190;
	v62 =	vshrl.u32 v18, $0xF;
	v10 =	vxor.u32 v10, v59;
	v11 =	vxor.u32 v11, v60  }
0x45: {  	s9 =	simm.s32 $0x4A10;
	[tilespmem:s8+$0x0] =	vst v9;
	v10 =	vmul.u32 $0x846CA68B, v10;
	v61 =	vshrl.u32 v14, $0xF;
	v11 =	vmul.u32 $0x846CA68B, v11  }
0x46: {  	[tilespmem:s9+$0x0] =	vst v13;
	v13 =	vshrl.u32 v12, $0x10;
	v16 =	vxor.u32 v18, v62;
	v14 =	vxor.u32 v14, v61  }
0x47: {  	v63 =	vshrl.u32 v10, $0x10;
	v9 =	vmul.u32 $0x846CA68B, v14;
	v14 =	vshrl.u32 v11, $0x10  }
0x48: {  	s10 =	simm.s32 $0x6290;
	v10 =	vxor.u32 v10, v63;
	v11 =	vxor.u32 v11, v14;
	v14 =	vmul.u32 $0x846CA68B, v16  }
0x49: {  	s12 =	simm.s32 $0x1930;
	[tilespmem:s10+$0x0] =	vst v15;
	v10 =	vand.u32 $0x1FFF, v10;
	v15 =	vshrl.u32 v9, $0x10;
	v11 =	vand.u32 $0x1FFF, v11  }
0x4a: {  	s14 =	simm.s32 $0x31B0;
	[tilespmem:s12+$0x0] =	vst v10;
	v9 =	vxor.u32 v9, v15;
	v10 =	vxor.u32 $0x9E3779B9, v17;
	v15 =	vshrl.u32 v14, $0x10  }
0x4b: {  	s6 =	simm.s32 $0x1990;
	s13 =	simm.s32 $0x321;
	s19 =	simm.s32 $0x4A30;
	[tilespmem:s14+$0x0] =	vst v11;
	v16 =	vand.u32 $0x1FFF, v9;
	v11 =	vxor.u32 $0xBF58476D, v17;
	v14 =	vxor.u32 v14, v15  }
0x4c: {  	s28 =	simm.s32 $0xC80;
	s23 =	simm.s32 $0x62B0;
	v9 =	vxor.u32 v12, v13;
	v12 =	vxor.u32 $0x94D049BB, v17;
	[tilespmem:s19+$0x0] =	vst v16;
	v16 =	vand.u32 $0x1FFF, v14  }
0x4d: {  	s1 =	simm.s32 $0x4A90;
	s4 =	simm.s32 $0x6310;
	s25 =	simm.s32 $0x2;
	v13 =	vxor.u32 $0xC1B53C1A, v17;
	v15 =	vshrl.u32 v10, $0x10;
	v14 =	vshrl.u32 v11, $0x10;
	[tilespmem:s23+$0x0] =	vst v16  }
.LBB2_2:
0x4e: {  	v16 =	vadd.s32 s28, v1;
	v17 =	vadd.s32 s28, v3;
	s5 =	sadd.s32 $0x320, s28;
	v18 =	vshrl.u32 v12, $0x10  }
0x4f: {  	v16 =	vand.u32 $0x3FF8, v16;
	v17 =	vand.u32 $0x3FF8, v17;
	v19 =	vadd.s32 s5, v1  }
0x50: {  	v20 =	vadd.s32 s5, v3;
	v16 =	vor.u32 v2, v16;
	v19 =	vand.u32 $0x3FF8, v19  }
0x51: {  	s25 =	sadd.s32 $0x2, s25;
	v17 =	vor.u32 v4, v17;
	v20 =	vand.u32 $0x3FF8, v20;
	v19 =	vor.u32 v2, v19  }
0x52: {  	v10 =	vxor.u32 v10, v15;
	v15 =	vshrl.u32 v13, $0x10;
	p0 =	slt.u32 s25, $0x6;
	v20 =	vor.u32 v4, v20  }
0x53: {  	v11 =	vxor.u32 v11, v14;
	v12 =	vxor.u32 v12, v18;
	v13 =	vxor.u32 v13, v15  }
0x54: {  	v10 =	vmul.u32 $0x7FEB352D, v10;
	v11 =	vmul.u32 $0x7FEB352D, v11;
	v12 =	vmul.u32 $0x7FEB352D, v12  }
0x55: {  	v7 =	vand.u32 $0x1FFF, v7;
	v8 =	vand.u32 $0x1FFF, v8;
	v13 =	vmul.u32 $0x7FEB352D, v13;
	v14 =	vld.idx.msk [tilespmem:v16+s2+$0x0], $0xffff  }
0x56: {  	v18 =	vshrl.u32 v11, $0xF;
	v16 =	vshrl.u32 v10, $0xF;
	v15 =	vld.idx.msk [tilespmem:v19+s2+$0x0], $0xffff;
	v19 =	vshrl.u32 v12, $0xF;
	[tilespmem:s7+$0xFFFFFFF0] =	vst v7;
	s7 =	smov.u32 s12  }
0x57: {  	v7 =	vxor.u32 v10, v16;
	v10 =	vxor.u32 v11, v18;
	v11 =	vshrl.u32 v13, $0xF;
	v20 =	vld.idx.msk [tilespmem:v20+s2+$0x0], $0xffff;
	[tilespmem:s8+$0xFFFFFFF0] =	vst v8;
	s8 =	smov.u32 s14  }
0x58: {  	v7 =	vmul.u32 $0x846CA68B, v7;
	v8 =	vxor.u32 v12, v19;
	v11 =	vxor.u32 v13, v11;
	v16 =	vld.idx.msk [tilespmem:v17+s2+$0x0], $0xffff  }
0x59: {  	v10 =	vmul.u32 $0x846CA68B, v10;
	v12 =	vmul.u32 $0x846CA68B, v8;
	v11 =	vmul.u32 $0x846CA68B, v11  }
0x5a: {  	v6 =	vand.u32 $0x1FFF, v6;
	v9 =	vand.u32 $0x1FFF, v9;
	v8 =	vshrl.u32 v7, $0x10  }
0x5b: {  	v13 =	vshll.u32 v14, $0xA;
	v14 =	vshrl.u32 v10, $0x10;
	v17 =	vshrl.u32 v12, $0x10;
	[tilespmem:s9+$0xFFFFFFF0] =	vst v6;
	s9 =	smov.u32 s19  }
0x5c: {  	v7 =	vxor.u32 v7, v8;
	v6 =	vshll.u32 v15, $0xA;
	v15 =	vshrl.u32 v11, $0x10;
	[tilespmem:s10+$0xFFFFFFF0] =	vst v9;
	s10 =	smov.u32 s23  }
0x5d: {  	v8 =	vxor.u32 v10, v14;
	v18 =	vor.u32 v20, v6;
	v6 =	vxor.u32 v12, v17  }
0x5e: {  	v9 =	vxor.u32 v11, v15;
	v13 =	vor.u32 v16, v13;
	v10 =	vxor.u32 $0x9E3779B9, v18  }
0x5f: {  	v12 =	vxor.u32 $0xBF58476D, v18;
	v14 =	vxor.u32 $0x94D049BB, v18;
	v11 =	vshrl.u32 v10, $0x10  }
0x60: {  	v15 =	vxor.u32 $0xC1B53C1A, v18;
	v10 =	vxor.u32 v10, v11;
	v11 =	vshrl.u32 v12, $0x10  }
0x61: {  	v10 =	vmul.u32 $0x7FEB352D, v10;
	v11 =	vxor.u32 v12, v11;
	v12 =	vshrl.u32 v14, $0x10  }
0x62: {  	v11 =	vmul.u32 $0x7FEB352D, v11;
	v12 =	vxor.u32 v14, v12;
	v14 =	vshrl.u32 v15, $0x10  }
0x63: {  	v16 =	vshrl.u32 v10, $0xF;
	v12 =	vmul.u32 $0x7FEB352D, v12;
	v14 =	vxor.u32 v15, v14  }
0x64: {  	v10 =	vxor.u32 v10, v16;
	v15 =	vshrl.u32 v11, $0xF;
	v14 =	vmul.u32 $0x7FEB352D, v14  }
0x65: {  	v10 =	vmul.u32 $0x846CA68B, v10;
	v11 =	vxor.u32 v11, v15;
	v15 =	vshrl.u32 v12, $0xF  }
0x66: {  	v11 =	vmul.u32 $0x846CA68B, v11;
	v12 =	vxor.u32 v12, v15;
	v15 =	vshrl.u32 v14, $0xF  }
0x67: {  	v16 =	vshrl.u32 v10, $0x10;
	v12 =	vmul.u32 $0x846CA68B, v12;
	v14 =	vxor.u32 v14, v15  }
0x68: {  	v10 =	vxor.u32 v10, v16;
	v15 =	vshrl.u32 v11, $0x10;
	v14 =	vmul.u32 $0x846CA68B, v14  }
.Ltmp0:
0x69: {  	s12 =	sadd.s32 $0x20, s12;
	v10 =	vand.u32 $0x1FFF, v10;
	v11 =	vxor.u32 v11, v15;
	v15 =	vshrl.u32 v12, $0x10;
	(pc) =	sbr.rel @p0 .LBB2_2-.Ltmp0, $4  }
0x6a: {  	s14 =	sadd.s32 $0x20, s14;
	v11 =	vand.u32 $0x1FFF, v11;
	v12 =	vxor.u32 v12, v15;
	v15 =	vshrl.u32 v14, $0x10;
	[tilespmem:s12+$0x0] =	vst v10  }
0x6b: {  	s19 =	sadd.s32 $0x20, s19;
	v10 =	vxor.u32 $0x9E3779B9, v13;
	v16 =	vand.u32 $0x1FFF, v12;
	v14 =	vxor.u32 v14, v15;
	[tilespmem:s14+$0x0] =	vst v11  }
0x6c: {  	s23 =	sadd.s32 $0x20, s23;
	v12 =	vxor.u32 $0x94D049BB, v13;
	v11 =	vxor.u32 $0xBF58476D, v13;
	[tilespmem:s19+$0x0] =	vst v16;
	v16 =	vand.u32 $0x1FFF, v14  }
0x6d: {  	s28 =	sadd.s32 $0x640, s28;
	v15 =	vshrl.u32 v10, $0x10;
	v13 =	vxor.u32 $0xC1B53C1A, v13;
	v14 =	vshrl.u32 v11, $0x10;
	[tilespmem:s23+$0x0] =	vst v16  }
0x6e: {  	v16 =	vshrl.u32 v12, $0x10  }
0x6f: {  	v10 =	vxor.u32 v10, v15;
	v15 =	vshrl.u32 v13, $0x10;
	v11 =	vxor.u32 v11, v14  }
0x70: {  	v7 =	vand.u32 $0x1FFF, v7;
	v12 =	vxor.u32 v12, v16;
	v10 =	vmul.u32 $0x7FEB352D, v10  }
0x71: {  	v13 =	vxor.u32 v13, v15;
	v11 =	vmul.u32 $0x7FEB352D, v11;
	v12 =	vmul.u32 $0x7FEB352D, v12  }
0x72: {  	v8 =	vand.u32 $0x1FFF, v8;
	v13 =	vmul.u32 $0x7FEB352D, v13;
	v14 =	vshrl.u32 v10, $0xF  }
0x73: {  	v15 =	vshrl.u32 v11, $0xF;
	v42 =	vshrl.u32 v12, $0xF;
	v10 =	vxor.u32 v10, v14  }
0x74: {  	v11 =	vxor.u32 v11, v15;
	v14 =	vshrl.u32 v13, $0xF;
	v10 =	vmul.u32 $0x846CA68B, v10  }
0x75: {  	v12 =	vxor.u32 v12, v42;
	v13 =	vxor.u32 v13, v14;
	v11 =	vmul.u32 $0x846CA68B, v11  }
0x76: {  	v6 =	vand.u32 $0x1FFF, v6;
	[tilespmem:s7+$0xFFFFFFF0] =	vst v7;
	v7 =	vmul.u32 $0x846CA68B, v12;
	v12 =	vmul.u32 $0x846CA68B, v13  }
0x77: {  	[tilespmem:s8+$0xFFFFFFF0] =	vst v8;
	v8 =	vand.u32 $0x1FFF, v9;
	v13 =	vshrl.u32 v10, $0x10;
	v9 =	vshrl.u32 v11, $0x10  }
0x78: {  	s5 =	simm.s32 $0x1;
	[tilespmem:s9+$0xFFFFFFF0] =	vst v6;
	v14 =	vshrl.u32 v7, $0x10;
	v6 =	vxor.u32 v10, v13;
	v10 =	vshrl.u32 v12, $0x10  }
0x79: {  	[tilespmem:s10+$0xFFFFFFF0] =	vst v8;
	v8 =	vxor.u32 v11, v9;
	v9 =	vadd.s32 s5, v1;
	v6 =	vand.u32 $0x1FFF, v6  }
0x7a: {  	v7 =	vxor.u32 v7, v14;
	v8 =	vand.u32 $0x1FFF, v8;
	[tilespmem:s12+$0xFFFFFFF0] =	vst v6;
	v6 =	vadd.s32 s5, v3  }
0x7b: {  	v10 =	vxor.u32 v12, v10;
	v7 =	vand.u32 $0x1FFF, v7;
	[tilespmem:s14+$0xFFFFFFF0] =	vst v8;
	v8 =	vadd.s32 s13, v1  }
0x7c: {  	v10 =	vand.u32 $0x1FFF, v10;
	[tilespmem:s19+$0xFFFFFFF0] =	vst v7  }
0x7d: {  	[tilespmem:s23+$0xFFFFFFF0] =	vst v10  }
0x7e: {  	v7 =	vld.idx.msk [tilespmem:v9+s2+$0x0], $0xffff  }
0x7f: {  	v9 =	vadd.s32 s13, v3;
	v6 =	vld.idx.msk [tilespmem:v6+s2+$0x0], $0xffff  }
0x80: {  	v8 =	vld.idx.msk [tilespmem:v8+s2+$0x0], $0xffff;
	_ =	sdelay $0x2  }
0x81: {  	s25 =	simm.s32 $0x641;
	v7 =	vshll.u32 v7, $0xA  }
0x82: {  	v19 =	vadd.s32 s25, v1;
	v20 =	vadd.s32 s25, v3;
	s23 =	simm.s32 $0x961;
	v9 =	vld.idx.msk [tilespmem:v9+s2+$0x0], $0xffff;
	v6 =	vor.u32 v6, v7  }
0x83: {  	v17 =	vadd.s32 s23, v1;
	v7 =	vshll.u32 v8, $0xA;
	v8 =	vxor.u32 $0x9E3779B9, v6  }
0x84: {  	v48 =	vadd.s32 s23, v3;
	v11 =	vxor.u32 $0xBF58476D, v6;
	v10 =	vshrl.u32 v8, $0x10  }
0x85: {  	v12 =	vxor.u32 $0x94D049BB, v6;
	v8 =	vxor.u32 v8, v10;
	v10 =	vshrl.u32 v11, $0x10  }
0x86: {  	v6 =	vxor.u32 $0xC1B53C1A, v6;
	v8 =	vmul.u32 $0x7FEB352D, v8;
	v10 =	vxor.u32 v11, v10  }
0x87: {  	v11 =	vshrl.u32 v12, $0x10;
	v7 =	vor.u32 v9, v7;
	v10 =	vmul.u32 $0x7FEB352D, v10  }
0x88: {  	v11 =	vxor.u32 v12, v11;
	v12 =	vshrl.u32 v6, $0x10;
	v14 =	vxor.u32 $0x94D049BB, v7  }
0x89: {  	v13 =	vshrl.u32 v8, $0xF;
	v11 =	vmul.u32 $0x7FEB352D, v11;
	v6 =	vxor.u32 v6, v12  }
0x8a: {  	v18 =	vshrl.u32 v14, $0x10;
	v8 =	vxor.u32 v8, v13;
	v12 =	vshrl.u32 v10, $0xF  }
0x8b: {  	v6 =	vmul.u32 $0x7FEB352D, v6;
	v13 =	vxor.u32 $0xBF58476D, v7;
	v14 =	vxor.u32 v14, v18  }
0x8c: {  	v8 =	vmul.u32 $0x846CA68B, v8;
	v10 =	vxor.u32 v10, v12;
	v12 =	vshrl.u32 v11, $0xF  }
0x8d: {  	v43 =	vshrl.u32 v13, $0x10;
	v14 =	vmul.u32 $0x7FEB352D, v14;
	v9 =	vmul.u32 $0x846CA68B, v10  }
0x8e: {  	v10 =	vxor.u32 v11, v12;
	v11 =	vshrl.u32 v6, $0xF;
	v13 =	vxor.u32 v13, v43  }
0x8f: {  	v12 =	vshrl.u32 v8, $0x10;
	v10 =	vmul.u32 $0x846CA68B, v10;
	v6 =	vxor.u32 v6, v11  }
0x90: {  	v13 =	vmul.u32 $0x7FEB352D, v13;
	v8 =	vxor.u32 v8, v12;
	v11 =	vshrl.u32 v9, $0x10  }
0x91: {  	v6 =	vmul.u32 $0x846CA68B, v6;
	v12 =	vxor.u32 $0x9E3779B9, v7;
	v7 =	vxor.u32 $0xC1B53C1A, v7  }
0x92: {  	v9 =	vxor.u32 v9, v11;
	v11 =	vshrl.u32 v10, $0x10;
	v8 =	vand.u32 $0x1FFF, v8  }
0x93: {  	v15 =	vshrl.u32 v12, $0x10;
	v44 =	vshrl.u32 v13, $0xF;
	v9 =	vand.u32 $0x1FFF, v9  }
0x94: {  	v10 =	vxor.u32 v10, v11;
	v11 =	vshrl.u32 v6, $0x10;
	v12 =	vxor.u32 v12, v15  }
0x95: {  	v15 =	vshrl.u32 v7, $0x10;
	v13 =	vxor.u32 v13, v44;
	v12 =	vmul.u32 $0x7FEB352D, v12  }
0x96: {  	s28 =	simm.s32 $0x3210;
	[tilespmem:s6+$0xFFFFFFF0] =	vst v8;
	v7 =	vxor.u32 v7, v15;
	v6 =	vxor.u32 v6, v11;
	v11 =	vld.idx.msk [tilespmem:v17+s2+$0x0], $0xffff;
	v13 =	vmul.u32 $0x846CA68B, v13  }
0x97: {  	v10 =	vand.u32 $0x1FFF, v10;
	[tilespmem:s28+$0xFFFFFFF0] =	vst v9;
	v9 =	vld.idx.msk [tilespmem:v48+s2+$0x0], $0xffff;
	v7 =	vmul.u32 $0x7FEB352D, v7;
	v15 =	vshrl.u32 v12, $0xF  }
0x98: {  	v45 =	vld.idx.msk [tilespmem:v19+s2+$0x0], $0xffff;
	v49 =	vshrl.u32 v13, $0x10;
	v12 =	vxor.u32 v12, v15;
	v15 =	vshrl.u32 v14, $0xF  }
0x99: {  	v47 =	vld.idx.msk [tilespmem:v20+s2+$0x0], $0xffff;
	v46 =	vshrl.u32 v7, $0xF;
	v13 =	vxor.u32 v13, v49;
	v14 =	vxor.u32 v14, v15  }
0x9a: {  	v7 =	vxor.u32 v7, v46;
	v12 =	vmul.u32 $0x846CA68B, v12;
	v15 =	vand.u32 $0x1FFF, v6  }
0x9b: {  	v13 =	vand.u32 $0x1FFF, v13;
	v14 =	vmul.u32 $0x846CA68B, v14;
	v11 =	vshll.u32 v11, $0xA  }
0x9c: {  	v7 =	vmul.u32 $0x846CA68B, v7;
	v6 =	vshrl.u32 v12, $0x10;
	v11 =	vor.u32 v9, v11  }
0x9d: {  	v50 =	vshrl.u32 v14, $0x10;
	v12 =	vxor.u32 v12, v6;
	v6 =	vshll.u32 v45, $0xA  }
0x9e: {  	v51 =	vshrl.u32 v7, $0x10;
	v52 =	vor.u32 v47, v6;
	v6 =	vxor.u32 v14, v50  }
0x9f: {  	v12 =	vand.u32 $0x1FFF, v12;
	v7 =	vxor.u32 v7, v51;
	v14 =	vxor.u32 $0x9E3779B9, v52  }
0xa0: {  	v54 =	vxor.u32 $0xBF58476D, v52;
	v21 =	vxor.u32 $0x94D049BB, v52;
	v53 =	vshrl.u32 v14, $0x10  }
0xa1: {  	v18 =	vxor.u32 $0xC1B53C1A, v52;
	v55 =	vshrl.u32 v54, $0x10;
	v14 =	vxor.u32 v14, v53  }
0xa2: {  	v56 =	vshrl.u32 v21, $0x10;
	v19 =	vxor.u32 v54, v55;
	v14 =	vmul.u32 $0x7FEB352D, v14  }
0xa3: {  	v57 =	vshrl.u32 v18, $0x10;
	v20 =	vxor.u32 v21, v56;
	v19 =	vmul.u32 $0x7FEB352D, v19  }
0xa4: {  	v18 =	vxor.u32 v18, v57;
	v20 =	vmul.u32 $0x7FEB352D, v20;
	v58 =	vshrl.u32 v14, $0xF  }
0xa5: {  	v18 =	vmul.u32 $0x7FEB352D, v18;
	v59 =	vshrl.u32 v19, $0xF;
	v14 =	vxor.u32 v14, v58  }
0xa6: {  	v60 =	vshrl.u32 v20, $0xF;
	v8 =	vmul.u32 $0x846CA68B, v14;
	v14 =	vxor.u32 v19, v59  }
0xa7: {  	[tilespmem:s1+$0xFFFFFFF0] =	vst v10;
	v62 =	vshrl.u32 v18, $0xF;
	v61 =	vxor.u32 v20, v60;
	v14 =	vmul.u32 $0x846CA68B, v14  }
0xa8: {  	[tilespmem:s4+$0xFFFFFFF0] =	vst v15;
	v10 =	vxor.u32 v18, v62;
	v16 =	vmul.u32 $0x846CA68B, v61;
	v63 =	vshrl.u32 v8, $0x10  }
0xa9: {  	[tilespmem:s6+$0x0] =	vst v12;
	v10 =	vmul.u32 $0x846CA68B, v10;
	v8 =	vxor.u32 v8, v63;
	v15 =	vshrl.u32 v14, $0x10  }
0xaa: {  	s6 =	simm.s32 $0x19B0;
	[tilespmem:s28+$0x0] =	vst v13;
	v8 =	vand.u32 $0x1FFF, v8;
	v12 =	vxor.u32 v14, v15;
	v14 =	vshrl.u32 v16, $0x10  }
0xab: {  	s7 =	simm.s32 $0x3230;
	v9 =	vshrl.u32 v10, $0x10;
	[tilespmem:s6+$0xFFFFFFF0] =	vst v8;
	v8 =	vand.u32 $0x1FFF, v12;
	v12 =	vxor.u32 v16, v14  }
0xac: {  	s8 =	simm.s32 $0x4AB0;
	s5 =	simm.s32 $0x6330;
	v9 =	vxor.u32 v10, v9;
	v10 =	vxor.u32 $0xBF58476D, v11;
	[tilespmem:s7+$0xFFFFFFF0] =	vst v8;
	v12 =	vand.u32 $0x1FFF, v12  }
0xad: {  	v8 =	vxor.u32 $0x9E3779B9, v11;
	[tilespmem:s8+$0xFFFFFFF0] =	vst v12;
	v12 =	vand.u32 $0x1FFF, v9;
	v9 =	vxor.u32 $0x94D049BB, v11  }
0xae: {  	s9 =	simm.s32 $0x2;
	s10 =	simm.s32 $0xFA1;
	v13 =	vshrl.u32 v8, $0x10;
	v11 =	vxor.u32 $0xC1B53C1A, v11;
	[tilespmem:s5+$0xFFFFFFF0] =	vst v12;
	v12 =	vshrl.u32 v10, $0x10  }
.LBB2_4:
0xaf: {  	s12 =	sadd.s32 $0xFFFFFCE0, s10;
	v14 =	vadd.s32 s10, v1;
	v15 =	vadd.s32 s10, v3;
	v16 =	vshrl.u32 v9, $0x10  }
0xb0: {  	v8 =	vxor.u32 v8, v13;
	v13 =	vshrl.u32 v11, $0x10;
	v17 =	vadd.s32 s12, v1  }
0xb1: {  	v10 =	vxor.u32 v10, v12;
	v18 =	vadd.s32 s12, v3;
	v9 =	vxor.u32 v9, v16  }
0xb2: {  	s9 =	sadd.s32 $0x2, s9;
	v8 =	vmul.u32 $0x7FEB352D, v8;
	v10 =	vmul.u32 $0x7FEB352D, v10;
	v11 =	vxor.u32 v11, v13  }
0xb3: {  	v6 =	vand.u32 $0x1FFF, v6;
	p0 =	slt.u32 s9, $0x6;
	v9 =	vmul.u32 $0x7FEB352D, v9;
	v11 =	vmul.u32 $0x7FEB352D, v11  }
0xb4: {  	v13 =	vshrl.u32 v8, $0xF;
	v12 =	vld.idx.msk [tilespmem:v14+s2+$0x0], $0xffff;
	v14 =	vshrl.u32 v10, $0xF;
	[tilespmem:s1+$0x0] =	vst v6;
	v6 =	vand.u32 $0x1FFF, v7;
	s1 =	smov.u32 s8  }
0xb5: {  	v8 =	vxor.u32 v8, v13;
	v13 =	vshrl.u32 v9, $0xF;
	v16 =	vshrl.u32 v11, $0xF;
	v7 =	vld.idx.msk [tilespmem:v17+s2+$0x0], $0xffff;
	[tilespmem:s4+$0x0] =	vst v6;
	s4 =	smov.u32 s5  }
0xb6: {  	v9 =	vxor.u32 v9, v13;
	v6 =	vxor.u32 v10, v14;
	v10 =	vxor.u32 v11, v16;
	v17 =	vld.idx.msk [tilespmem:v18+s2+$0x0], $0xffff  }
0xb7: {  	v8 =	vmul.u32 $0x846CA68B, v8;
	v9 =	vmul.u32 $0x846CA68B, v9;
	v6 =	vmul.u32 $0x846CA68B, v6;
	v11 =	vld.idx.msk [tilespmem:v15+s2+$0x0], $0xffff  }
0xb8: {  	v10 =	vmul.u32 $0x846CA68B, v10  }
0xb9: {  	v13 =	vshrl.u32 v8, $0x10;
	v15 =	vshrl.u32 v9, $0x10;
	v14 =	vshrl.u32 v6, $0x10  }
0xba: {  	v8 =	vxor.u32 v8, v13;
	v13 =	vshrl.u32 v10, $0x10;
	v12 =	vshll.u32 v12, $0xA  }
0xbb: {  	v14 =	vxor.u32 v6, v14;
	v6 =	vxor.u32 v9, v15;
	v7 =	vshll.u32 v7, $0xA  }
0xbc: {  	v8 =	vand.u32 $0x1FFF, v8;
	v9 =	vor.u32 v17, v7;
	v7 =	vxor.u32 v10, v13  }
0xbd: {  	v10 =	vxor.u32 $0x9E3779B9, v9;
	v11 =	vor.u32 v11, v12;
	[tilespmem:s6+$0x0] =	vst v8;
	v8 =	vand.u32 $0x1FFF, v14  }
0xbe: {  	v13 =	vxor.u32 $0xBF58476D, v9;
	v12 =	vshrl.u32 v10, $0x10;
	v14 =	vxor.u32 $0x94D049BB, v9;
	[tilespmem:s7+$0x0] =	vst v8  }
0xbf: {  	v9 =	vxor.u32 $0xC1B53C1A, v9;
	v8 =	vxor.u32 v10, v12;
	v10 =	vshrl.u32 v13, $0x10  }
0xc0: {  	v12 =	vshrl.u32 v14, $0x10;
	v8 =	vmul.u32 $0x7FEB352D, v8;
	v10 =	vxor.u32 v13, v10  }
0xc1: {  	v12 =	vxor.u32 v14, v12;
	v13 =	vshrl.u32 v9, $0x10;
	v10 =	vmul.u32 $0x7FEB352D, v10  }
0xc2: {  	v12 =	vmul.u32 $0x7FEB352D, v12;
	v9 =	vxor.u32 v9, v13;
	v14 =	vshrl.u32 v8, $0xF  }
0xc3: {  	v9 =	vmul.u32 $0x7FEB352D, v9;
	v8 =	vxor.u32 v8, v14;
	v13 =	vshrl.u32 v10, $0xF  }
0xc4: {  	v8 =	vmul.u32 $0x846CA68B, v8;
	v10 =	vxor.u32 v10, v13;
	v13 =	vshrl.u32 v12, $0xF  }
0xc5: {  	v10 =	vmul.u32 $0x846CA68B, v10;
	v12 =	vxor.u32 v12, v13;
	v13 =	vshrl.u32 v9, $0xF  }
0xc6: {  	v14 =	vshrl.u32 v8, $0x10;
	v12 =	vmul.u32 $0x846CA68B, v12;
	v9 =	vxor.u32 v9, v13  }
0xc7: {  	v8 =	vxor.u32 v8, v14;
	v13 =	vshrl.u32 v10, $0x10;
	v9 =	vmul.u32 $0x846CA68B, v9  }
.Ltmp1:
0xc8: {  	s6 =	sadd.s32 $0x20, s6;
	v8 =	vand.u32 $0x1FFF, v8;
	v10 =	vxor.u32 v10, v13;
	v13 =	vshrl.u32 v12, $0x10;
	(pc) =	sbr.rel @p0 .LBB2_4-.Ltmp1, $4  }
0xc9: {  	s7 =	sadd.s32 $0x20, s7;
	[tilespmem:s6+$0xFFFFFFF0] =	vst v8;
	v8 =	vand.u32 $0x1FFF, v10;
	v10 =	vxor.u32 v12, v13;
	v12 =	vshrl.u32 v9, $0x10  }
0xca: {  	s8 =	sadd.s32 $0x20, s8;
	[tilespmem:s7+$0xFFFFFFF0] =	vst v8;
	v10 =	vand.u32 $0x1FFF, v10;
	v9 =	vxor.u32 v9, v12;
	v8 =	vxor.u32 $0x9E3779B9, v11  }
0xcb: {  	s5 =	sadd.s32 $0x20, s5;
	[tilespmem:s8+$0xFFFFFFF0] =	vst v10;
	v12 =	vand.u32 $0x1FFF, v9;
	v10 =	vxor.u32 $0xBF58476D, v11;
	v9 =	vxor.u32 $0x94D049BB, v11  }
0xcc: {  	s10 =	sadd.s32 $0x640, s10;
	v13 =	vshrl.u32 v8, $0x10;
	v11 =	vxor.u32 $0xC1B53C1A, v11;
	[tilespmem:s5+$0xFFFFFFF0] =	vst v12;
	v12 =	vshrl.u32 v10, $0x10  }
0xcd: {  	v14 =	vshrl.u32 v9, $0x10;
	v8 =	vxor.u32 v8, v13;
	v55 =	vshrl.u32 v11, $0x10  }
0xce: {  	v10 =	vxor.u32 v10, v12;
	v6 =	vand.u32 $0x1FFF, v6;
	v8 =	vmul.u32 $0x7FEB352D, v8  }
0xcf: {  	v7 =	vand.u32 $0x1FFF, v7;
	v9 =	vxor.u32 v9, v14;
	v10 =	vmul.u32 $0x7FEB352D, v10  }
0xd0: {  	v11 =	vxor.u32 v11, v55;
	v9 =	vmul.u32 $0x7FEB352D, v9;
	v56 =	vshrl.u32 v8, $0xF  }
0xd1: {  	v11 =	vmul.u32 $0x7FEB352D, v11;
	v57 =	vshrl.u32 v10, $0xF;
	v8 =	vxor.u32 v8, v56  }
0xd2: {  	v58 =	vshrl.u32 v9, $0xF;
	v10 =	vxor.u32 v10, v57;
	v8 =	vmul.u32 $0x846CA68B, v8  }
0xd3: {  	v59 =	vshrl.u32 v11, $0xF;
	v9 =	vxor.u32 v9, v58;
	v10 =	vmul.u32 $0x846CA68B, v10  }
0xd4: {  	v11 =	vxor.u32 v11, v59;
	v9 =	vmul.u32 $0x846CA68B, v9;
	v60 =	vshrl.u32 v8, $0x10  }
0xd5: {  	[tilespmem:s1+$0x0] =	vst v6;
	v6 =	vmul.u32 $0x846CA68B, v11;
	v61 =	vshrl.u32 v10, $0x10;
	v8 =	vxor.u32 v8, v60  }
0xd6: {  	[tilespmem:s4+$0x0] =	vst v7;
	v7 =	vshrl.u32 v9, $0x10;
	v10 =	vxor.u32 v10, v61;
	v8 =	vand.u32 $0x1FFF, v8  }
0xd7: {  	v62 =	vshrl.u32 v6, $0x10;
	v7 =	vxor.u32 v9, v7;
	v63 =	vand.u32 $0x1FFF, v10;
	[tilespmem:s6+$0x0] =	vst v8  }
0xd8: {  	v6 =	vxor.u32 v6, v62;
	v7 =	vand.u32 $0x1FFF, v7;
	[tilespmem:s7+$0x0] =	vst v63  }
0xd9: {  	v6 =	vand.u32 $0x1FFF, v6;
	[tilespmem:s8+$0x0] =	vst v7  }
0xda: {  	[tilespmem:s5+$0x0] =	vst v6  }
0xdb: {  	s13 =	simm.s32 $0x1900;
	s7 =	simm.s32 $0x80;
	s1 =	rddreg [dreg:$0x3]  }
0xdc: {  	[tilespmem:s16], [sflag:$0x1] =	stream.indirect.gather [hbm4b:s1+s7], $0x20, s13, s7, $0xb8;
	[tilespmem:$0x19B00] =	vst v63  }
0xdd: {  	s19 =	simm.s32 $0x3180;
	s14 =	rddreg [dreg:$0x4]  }
0xde: {  	[tilespmem:s18], [sflag:$0x1] =	stream.indirect.gather [hbm4b:s14+s7], $0x20, s19, s7, $0xb8;
	[tilespmem:$0x19B00] =	vst v63  }
0xdf: {  	s25 =	simm.s32 $0x4A00;
	s23 =	rddreg [dreg:$0x5]  }
0xe0: {  	[tilespmem:s20], [sflag:$0x1] =	stream.indirect.gather [hbm4b:s23+s7], $0x20, s25, s7, $0xb8;
	[tilespmem:$0x19B00] =	vst v63  }
0xe1: {  	s9 =	simm.s32 $0x6280;
	s28 =	rddreg [dreg:$0x6]  }
0xe2: {  	[tilespmem:s22], [sflag:$0x1] =	stream.indirect.gather [hbm4b:s28+s7], $0x20, s9, s7, $0xb8;
	[tilespmem:$0x19B00] =	vst v63  }
0xe3: {  	s10 =	simm.s32 $0x1980;
	s12 =	simm.s32 $0x3200;
	s4 =	simm.s32 $0x322  }
0xe4: {  	[tilespmem:s24], [sflag:$0x2] =	stream.indirect.gather [hbm4b:s1+s7], $0x20, s10, s7, $0xb8;
	[tilespmem:$0x19B00] =	vst v63  }
0xe5: {  	s6 =	simm.s32 $0x323;
	s8 =	simm.s32 $0x6390;
	s19 =	simm.s32 $0x1A90  }
0xe6: {  	[tilespmem:s26], [sflag:$0x2] =	stream.indirect.gather [hbm4b:s14+s7], $0x20, s12, s7, $0xb8;
	[tilespmem:$0x19B00] =	vst v63  }
0xe7: {  	s13 =	simm.s32 $0x4A80;
	[dreg:$0x12] =	wrdreg s19;
	s25 =	simm.s32 $0x4B90  }
0xe8: {  	[tilespmem:s29], [sflag:$0x2] =	stream.indirect.gather [hbm4b:s23+s7], $0x20, s13, s7, $0xb8;
	[tilespmem:$0x19B00] =	vst v63  }
0xe9: {  	s5 =	simm.s32 $0x0;
	[dreg:$0x14] =	wrdreg s25;
	s23 =	simm.s32 $0x3310  }
0xea: {  	s9 =	simm.s32 $0x0;
	s14 =	simm.s32 $0x6300;
	[dreg:$0x13] =	wrdreg s23  }
0xeb: {  	[tilespmem:s31], [sflag:$0x2] =	stream.indirect.gather [hbm4b:s28+s7], $0x20, s14, s7, $0xb8;
	[tilespmem:$0x19B00] =	vst v63  }
0xec: {  	s10 =	simm.s32 $0x4B10;
	s23 =	rddreg [dreg:$0x1];
	s28 =	simm.s32 $0x6410  }
0xed: {  	s13 =	simm.s32 $0x3290;
	s7 =	simm.s32 $0x1A10;
	[dreg:$0x15] =	wrdreg s28  }
.LBB2_6:
0xee: {  	s1 =	sadd.s32 $0xFFFFFCE0, s4  }
0xef: {  	v6 =	vadd.s32 s1, v1  }
0xf0: {  	v7 =	vadd.s32 s1, v3;
	_ =	sdelay $0x2  }
0xf1: {  	v8 =	vadd.s32 s4, v1  }
0xf2: {  	v6 =	vld.idx.msk [tilespmem:v6+s2+$0x0], $0xffff  }
0xf3: {  	v7 =	vld.idx.msk [tilespmem:v7+s2+$0x0], $0xffff;
	_ =	sdelay $0x2  }
0xf4: {  	v8 =	vld.idx.msk [tilespmem:v8+s2+$0x0], $0xffff  }
0xf5: {  	v6 =	vshll.u32 v6, $0xA  }
0xf6: {  	s1 =	sadd.s32 $0x640, s4;
	v6 =	vor.u32 v7, v6  }
0xf7: {  	v16 =	vadd.s32 s1, v1;
	v7 =	vadd.s32 s4, v3;
	v9 =	vxor.u32 $0x9E3779B9, v6  }
0xf8: {  	v17 =	vadd.s32 s1, v3;
	v11 =	vxor.u32 $0xBF58476D, v6;
	v10 =	vshrl.u32 v9, $0x10  }
0xf9: {  	v8 =	vshll.u32 v8, $0xA;
	v9 =	vxor.u32 v9, v10;
	v10 =	vshrl.u32 v11, $0x10  }
0xfa: {  	v12 =	vxor.u32 $0x94D049BB, v6;
	v9 =	vmul.u32 $0x7FEB352D, v9;
	v10 =	vxor.u32 v11, v10  }
0xfb: {  	v6 =	vxor.u32 $0xC1B53C1A, v6;
	v11 =	vshrl.u32 v12, $0x10;
	v10 =	vmul.u32 $0x7FEB352D, v10  }
0xfc: {  	v11 =	vxor.u32 v12, v11;
	v12 =	vshrl.u32 v6, $0x10;
	v7 =	vld.idx.msk [tilespmem:v7+s2+$0x0], $0xffff;
	[dreg:$0x11] =	wrdreg s4;
	s4 =	sadd.s32 $0xFFFFFCE0, s1;
	v13 =	vshrl.u32 v9, $0xF  }
0xfd: {  	v11 =	vmul.u32 $0x7FEB352D, v11;
	v6 =	vxor.u32 v6, v12;
	v19 =	vadd.s32 s4, v1  }
0xfe: {  	v9 =	vxor.u32 v9, v13;
	v12 =	vshrl.u32 v10, $0xF;
	v6 =	vmul.u32 $0x7FEB352D, v6  }
0xff: {  	v9 =	vmul.u32 $0x846CA68B, v9;
	v10 =	vxor.u32 v10, v12;
	v12 =	vshrl.u32 v11, $0xF  }
0x100: {  	v10 =	vmul.u32 $0x846CA68B, v10;
	v11 =	vxor.u32 v11, v12;
	v12 =	vshrl.u32 v6, $0xF  }
0x101: {  	v13 =	vshrl.u32 v9, $0x10;
	v11 =	vmul.u32 $0x846CA68B, v11;
	v6 =	vxor.u32 v6, v12  }
0x102: {  	v7 =	vor.u32 v7, v8;
	v8 =	vxor.u32 v9, v13;
	v6 =	vmul.u32 $0x846CA68B, v6  }
0x103: {  	v9 =	vshrl.u32 v10, $0x10;
	v13 =	vxor.u32 $0x94D049BB, v7;
	v12 =	vshrl.u32 v11, $0x10  }
0x104: {  	v9 =	vxor.u32 v10, v9;
	v10 =	vxor.u32 v11, v12;
	v11 =	vshrl.u32 v6, $0x10  }
0x105: {  	v18 =	vshrl.u32 v13, $0x10;
	v6 =	vxor.u32 v6, v11;
	v11 =	vxor.u32 $0x9E3779B9, v7  }
0x106: {  	v13 =	vxor.u32 v13, v18;
	v12 =	vand.u32 $0x1FFF, v6;
	v14 =	vshrl.u32 v11, $0x10  }
0x107: {  	v6 =	vxor.u32 $0xBF58476D, v7;
	v11 =	vxor.u32 v11, v14;
	v14 =	vadd.s32 s4, v3  }
0x108: {  	v16 =	vld.idx.msk [tilespmem:v16+s2+$0x0], $0xffff;
	v7 =	vxor.u32 $0xC1B53C1A, v7;
	v15 =	vshrl.u32 v6, $0x10;
	v11 =	vmul.u32 $0x7FEB352D, v11  }
0x109: {  	v13 =	vmul.u32 $0x7FEB352D, v13;
	v6 =	vxor.u32 v6, v15;
	v15 =	vshrl.u32 v7, $0x10  }
0x10a: {  	v6 =	vmul.u32 $0x7FEB352D, v6;
	v7 =	vxor.u32 v7, v15;
	v15 =	vshrl.u32 v11, $0xF  }
0x10b: {  	v51 =	vshrl.u32 v13, $0xF;
	v11 =	vxor.u32 v11, v15;
	v15 =	vld.idx.msk [tilespmem:v19+s2+$0x0], $0xffff  }
0x10c: {  	v13 =	vxor.u32 v13, v51;
	v7 =	vmul.u32 $0x7FEB352D, v7;
	v50 =	vshrl.u32 v6, $0xF;
	v14 =	vld.idx.msk [tilespmem:v14+s2+$0x0], $0xffff  }
0x10d: {  	v16 =	vshll.u32 v16, $0xA;
	v13 =	vmul.u32 $0x846CA68B, v13;
	v6 =	vxor.u32 v6, v50  }
0x10e: {  	v8 =	vand.u32 $0x1FFF, v8;
	v52 =	vshrl.u32 v7, $0xF;
	v6 =	vmul.u32 $0x846CA68B, v6  }
0x10f: {  	v17 =	vld.idx.msk [tilespmem:v17+s2+$0x0], $0xffff;
	v55 =	vshrl.u32 v13, $0x10;
	v11 =	vmul.u32 $0x846CA68B, v11;
	v7 =	vxor.u32 v7, v52  }
0x110: {  	v54 =	vmul.u32 $0x846CA68B, v7;
	v7 =	vshrl.u32 v6, $0x10;
	v15 =	vshll.u32 v15, $0xA  }
0x111: {  	v20 =	vxor.u32 v6, v7;
	v7 =	vxor.u32 v13, v55;
	v13 =	vor.u32 v14, v15  }
0x112: {  	v9 =	vand.u32 $0x1FFF, v9;
	v53 =	vshrl.u32 v11, $0x10;
	v14 =	vxor.u32 $0x9E3779B9, v13  }
0x113: {  	[tilespmem:s7+$0xFFFFFFF0] =	vst v8;
	v10 =	vand.u32 $0x1FFF, v10;
	v11 =	vxor.u32 v11, v53;
	v57 =	vshrl.u32 v14, $0x10  }
0x114: {  	p0 =	slt.s32 s5, $0x2C;
	[tilespmem:s13+$0xFFFFFFF0] =	vst v9;
	v11 =	vand.u32 $0x1FFF, v11;
	v15 =	vor.u32 v17, v16;
	v14 =	vxor.u32 v14, v57  }
0x115: {  	s4 =	smov.u32 s5;
	v58 =	vxor.u32 $0xBF58476D, v13;
	v59 =	vxor.u32 $0x94D049BB, v13;
	v14 =	vmul.u32 $0x7FEB352D, v14  }
0x116: {  	s4 =	simm.s32 @!p0 $0x2C;
	[dreg:$0x16] =	wrdreg s5;
	v13 =	vxor.u32 $0xC1B53C1A, v13;
	v60 =	vshrl.u32 v58, $0x10;
	v61 =	vshrl.u32 v59, $0x10  }
0x117: {  	s19 =	sshll.u32 s4, $0x7;
	[tilespmem:s10+$0xFFFFFFF0] =	vst v10;
	v62 =	vshrl.u32 v13, $0x10;
	v17 =	vxor.u32 v58, v60;
	v63 =	vshrl.u32 v14, $0xF  }
0x118: {  	s5 =	sand.u32 $0x3FFFFF80, s19;
	[tilespmem:s8+$0xFFFFFFF0] =	vst v12;
	v18 =	vxor.u32 v59, v61;
	v17 =	vmul.u32 $0x7FEB352D, v17;
	v8 =	vxor.u32 v14, v63  }
0x119: {  	s12 =	sadd.s32 $0x1B10, s5;
	[tilespmem:s7+$0x0] =	vst v11;
	v13 =	vxor.u32 v13, v62;
	v18 =	vmul.u32 $0x7FEB352D, v18;
	v8 =	vmul.u32 $0x846CA68B, v8  }
0x11a: {  	s25 =	sadd.s32 $0x3390, s5;
	v56 =	vand.u32 $0x1FFF, v20;
	[dreg:$0x1a] =	wrdreg s12;
	v13 =	vmul.u32 $0x7FEB352D, v13;
	v14 =	vshrl.u32 v17, $0xF  }
0x11b: {  	[dreg:$0x19] =	wrdreg s25;
	v9 =	vxor.u32 v17, v14;
	v14 =	vshrl.u32 v18, $0xF;
	v12 =	vshrl.u32 v8, $0x10  }
0x11c: {  	[tilespmem:s13+$0x0] =	vst v56;
	v9 =	vmul.u32 $0x846CA68B, v9;
	v10 =	vxor.u32 v18, v14;
	v8 =	vxor.u32 v8, v12  }
0x11d: {  	[dreg:$0xd] =	wrdreg s7;
	s7 =	sadd.s32 $0x20, s7;
	v14 =	vshrl.u32 v13, $0xF;
	v10 =	vmul.u32 $0x846CA68B, v10;
	v8 =	vand.u32 $0x1FFF, v8  }
0x11e: {  	v13 =	vxor.u32 v13, v14;
	v11 =	vshrl.u32 v9, $0x10;
	[tilespmem:s7+$0xFFFFFFF0] =	vst v8  }
0x11f: {  	s4 =	sadd.s32 $0x324, s4;
	v12 =	vmul.u32 $0x846CA68B, v13;
	v9 =	vxor.u32 v9, v11;
	v11 =	vshrl.u32 v10, $0x10;
	[dreg:$0xe] =	wrdreg s13  }
0x120: {  	s28 =	smul.u32 $0x3, s9;
	s12 =	sadd.s32 $0x20, s13;
	v8 =	vand.u32 $0x1FFF, v9;
	v9 =	vxor.u32 v10, v11;
	[dreg:$0x1b] =	wrdreg s4  }
0x121: {  	v10 =	vshrl.u32 v12, $0x10;
	v9 =	vand.u32 $0x1FFF, v9;
	s13 =	sadd.s32 $0x20, s10;
	[tilespmem:s12+$0xFFFFFFF0] =	vst v8  }
0x122: {  	s19 =	sadd.s32 $0x4C10, s5;
	s14 =	sadd.s32 $0x6490, s5;
	s5 =	sadd.s32 $0x2, s28;
	v10 =	vxor.u32 v12, v10;
	[tilespmem:s13+$0xFFFFFFF0] =	vst v9  }
0x123: {  	v6 =	vshrl.u32 v54, $0x10;
	s25 =	sadd.s32 $0x20, s8;
	v11 =	vand.u32 $0x1FFF, v10;
	[dreg:$0x18] =	wrdreg s5  }
0x124: {  	s1 =	sadd.s32 $0x640, s1;
	v6 =	vxor.u32 v54, v6;
	[tilespmem:s25+$0xFFFFFFF0] =	vst v11  }
0x125: {  	v8 =	vxor.u32 $0x9E3779B9, v15;
	v10 =	vxor.u32 $0xBF58476D, v15;
	v9 =	vxor.u32 $0x94D049BB, v15;
	[dreg:$0xf] =	wrdreg s10  }
0x126: {  	s4 =	simm.s32 $0x2;
	v13 =	vshrl.u32 v8, $0x10;
	v12 =	vshrl.u32 v10, $0x10;
	s5 =	smov.u32 s10;
	v11 =	vxor.u32 $0xC1B53C1A, v15;
	[dreg:$0x10] =	wrdreg s8  }
.LBB2_7:
0x127: {  	s10 =	sadd.s32 $0xFFFFFCE0, s1;
	v14 =	vadd.s32 s1, v1;
	v15 =	vadd.s32 s1, v3;
	v16 =	vshrl.u32 v9, $0x10  }
0x128: {  	v8 =	vxor.u32 v8, v13;
	v13 =	vshrl.u32 v11, $0x10;
	v17 =	vadd.s32 s10, v1  }
0x129: {  	v10 =	vxor.u32 v10, v12;
	v18 =	vadd.s32 s10, v3;
	v9 =	vxor.u32 v9, v16  }
0x12a: {  	s4 =	sadd.s32 $0x2, s4;
	v8 =	vmul.u32 $0x7FEB352D, v8;
	v10 =	vmul.u32 $0x7FEB352D, v10;
	v11 =	vxor.u32 v11, v13  }
0x12b: {  	v7 =	vand.u32 $0x1FFF, v7;
	p0 =	slt.u32 s4, $0x6;
	v9 =	vmul.u32 $0x7FEB352D, v9;
	v11 =	vmul.u32 $0x7FEB352D, v11  }
0x12c: {  	v6 =	vand.u32 $0x1FFF, v6;
	v13 =	vshrl.u32 v8, $0xF;
	v12 =	vld.idx.msk [tilespmem:v14+s2+$0x0], $0xffff;
	v14 =	vshrl.u32 v10, $0xF;
	[tilespmem:s5+$0x0] =	vst v7;
	s5 =	smov.u32 s13  }
0x12d: {  	v8 =	vxor.u32 v8, v13;
	v13 =	vshrl.u32 v9, $0xF;
	v16 =	vshrl.u32 v11, $0xF;
	v7 =	vld.idx.msk [tilespmem:v17+s2+$0x0], $0xffff;
	[tilespmem:s8+$0x0] =	vst v6;
	s8 =	smov.u32 s25  }
0x12e: {  	v9 =	vxor.u32 v9, v13;
	v11 =	vxor.u32 v11, v16;
	v10 =	vxor.u32 v10, v14;
	v6 =	vld.idx.msk [tilespmem:v18+s2+$0x0], $0xffff  }
0x12f: {  	v8 =	vmul.u32 $0x846CA68B, v8;
	v9 =	vmul.u32 $0x846CA68B, v9;
	v10 =	vmul.u32 $0x846CA68B, v10;
	v13 =	vld.idx.msk [tilespmem:v15+s2+$0x0], $0xffff  }
0x130: {  	v11 =	vmul.u32 $0x846CA68B, v11  }
0x131: {  	v14 =	vshrl.u32 v8, $0x10;
	v16 =	vshrl.u32 v9, $0x10;
	v15 =	vshrl.u32 v10, $0x10  }
0x132: {  	v8 =	vxor.u32 v8, v14;
	v14 =	vshrl.u32 v11, $0x10;
	v12 =	vshll.u32 v12, $0xA  }
0x133: {  	v10 =	vxor.u32 v10, v15;
	v17 =	vshll.u32 v7, $0xA;
	v7 =	vxor.u32 v9, v16  }
0x134: {  	v8 =	vand.u32 $0x1FFF, v8;
	v9 =	vor.u32 v6, v17;
	v6 =	vxor.u32 v11, v14  }
0x135: {  	v11 =	vxor.u32 $0x9E3779B9, v9;
	v14 =	vor.u32 v13, v12;
	[tilespmem:s7+$0x0] =	vst v8;
	v8 =	vand.u32 $0x1FFF, v10  }
0x136: {  	v12 =	vxor.u32 $0xBF58476D, v9;
	v13 =	vxor.u32 $0x94D049BB, v9;
	v10 =	vshrl.u32 v11, $0x10;
	[tilespmem:s12+$0x0] =	vst v8  }
0x137: {  	v9 =	vxor.u32 $0xC1B53C1A, v9;
	v8 =	vxor.u32 v11, v10;
	v10 =	vshrl.u32 v12, $0x10  }
0x138: {  	v11 =	vshrl.u32 v13, $0x10;
	v8 =	vmul.u32 $0x7FEB352D, v8;
	v10 =	vxor.u32 v12, v10  }
0x139: {  	v11 =	vxor.u32 v13, v11;
	v12 =	vshrl.u32 v9, $0x10;
	v10 =	vmul.u32 $0x7FEB352D, v10  }
0x13a: {  	v11 =	vmul.u32 $0x7FEB352D, v11;
	v9 =	vxor.u32 v9, v12;
	v13 =	vshrl.u32 v8, $0xF  }
0x13b: {  	v9 =	vmul.u32 $0x7FEB352D, v9;
	v8 =	vxor.u32 v8, v13;
	v12 =	vshrl.u32 v10, $0xF  }
0x13c: {  	v8 =	vmul.u32 $0x846CA68B, v8;
	v10 =	vxor.u32 v10, v12;
	v12 =	vshrl.u32 v11, $0xF  }
0x13d: {  	v10 =	vmul.u32 $0x846CA68B, v10;
	v11 =	vxor.u32 v11, v12;
	v12 =	vshrl.u32 v9, $0xF  }
0x13e: {  	v13 =	vshrl.u32 v8, $0x10;
	v11 =	vmul.u32 $0x846CA68B, v11;
	v9 =	vxor.u32 v9, v12  }
0x13f: {  	v8 =	vxor.u32 v8, v13;
	v12 =	vshrl.u32 v10, $0x10;
	v9 =	vmul.u32 $0x846CA68B, v9  }
.Ltmp2:
0x140: {  	s7 =	sadd.s32 $0x20, s7;
	v8 =	vand.u32 $0x1FFF, v8;
	v10 =	vxor.u32 v10, v12;
	v12 =	vshrl.u32 v11, $0x10;
	(pc) =	sbr.rel @p0 .LBB2_7-.Ltmp2, $4  }
0x141: {  	s12 =	sadd.s32 $0x20, s12;
	[tilespmem:s7+$0xFFFFFFF0] =	vst v8;
	v8 =	vand.u32 $0x1FFF, v10;
	v10 =	vxor.u32 v11, v12;
	v11 =	vshrl.u32 v9, $0x10  }
0x142: {  	s13 =	sadd.s32 $0x20, s13;
	[tilespmem:s12+$0xFFFFFFF0] =	vst v8;
	v10 =	vand.u32 $0x1FFF, v10;
	v9 =	vxor.u32 v9, v11;
	v8 =	vxor.u32 $0x9E3779B9, v14  }
0x143: {  	s25 =	sadd.s32 $0x20, s25;
	[tilespmem:s13+$0xFFFFFFF0] =	vst v10;
	v11 =	vand.u32 $0x1FFF, v9;
	v10 =	vxor.u32 $0xBF58476D, v14;
	v9 =	vxor.u32 $0x94D049BB, v14  }
0x144: {  	s1 =	sadd.s32 $0x640, s1;
	v13 =	vshrl.u32 v8, $0x10;
	[tilespmem:s25+$0xFFFFFFF0] =	vst v11;
	v12 =	vshrl.u32 v10, $0x10;
	v11 =	vxor.u32 $0xC1B53C1A, v14  }
0x145: {  	v14 =	vshrl.u32 v9, $0x10;
	v8 =	vxor.u32 v8, v13;
	v55 =	vshrl.u32 v11, $0x10  }
0x146: {  	v10 =	vxor.u32 v10, v12;
	v7 =	vand.u32 $0x1FFF, v7;
	v8 =	vmul.u32 $0x7FEB352D, v8  }
0x147: {  	v6 =	vand.u32 $0x1FFF, v6;
	v9 =	vxor.u32 v9, v14;
	v10 =	vmul.u32 $0x7FEB352D, v10  }
0x148: {  	v11 =	vxor.u32 v11, v55;
	v9 =	vmul.u32 $0x7FEB352D, v9;
	v56 =	vshrl.u32 v8, $0xF  }
0x149: {  	v11 =	vmul.u32 $0x7FEB352D, v11;
	v57 =	vshrl.u32 v10, $0xF;
	v8 =	vxor.u32 v8, v56  }
0x14a: {  	v58 =	vshrl.u32 v9, $0xF;
	v10 =	vxor.u32 v10, v57;
	v8 =	vmul.u32 $0x846CA68B, v8  }
0x14b: {  	v59 =	vshrl.u32 v11, $0xF;
	v9 =	vxor.u32 v9, v58;
	v10 =	vmul.u32 $0x846CA68B, v10  }
0x14c: {  	v11 =	vxor.u32 v11, v59;
	v9 =	vmul.u32 $0x846CA68B, v9;
	v60 =	vshrl.u32 v8, $0x10  }
0x14d: {  	[tilespmem:s5+$0x0] =	vst v7;
	v7 =	vmul.u32 $0x846CA68B, v11;
	v61 =	vshrl.u32 v10, $0x10;
	v8 =	vxor.u32 v8, v60  }
0x14e: {  	[tilespmem:s8+$0x0] =	vst v6;
	v6 =	vshrl.u32 v9, $0x10;
	v10 =	vxor.u32 v10, v61;
	v8 =	vand.u32 $0x1FFF, v8  }
0x14f: {  	v6 =	vxor.u32 v9, v6;
	v63 =	vand.u32 $0x1FFF, v10;
	[tilespmem:s7+$0x0] =	vst v8  }
0x150: {  	v62 =	vshrl.u32 v7, $0x10;
	v6 =	vand.u32 $0x1FFF, v6;
	[tilespmem:s12+$0x0] =	vst v63  }
0x151: {  	v7 =	vxor.u32 v7, v62;
	[tilespmem:s13+$0x0] =	vst v6  }
0x152: {  	v6 =	vand.u32 $0x1FFF, v7;
	s1 =	rddreg [dreg:$0x18]  }
0x153: {  	[tilespmem:s25+$0x0] =	vst v6;
	s1 =	sshll.u32 s1, $0x7  }
0x154: {  	s25 =	simm.s32 $0x80;
	s5 =	rddreg [dreg:$0x3];
	s4 =	sadd.s32 $0x1900, s1  }
0x155: {  	[tilespmem:s0], [sflag:$0x3] =	stream.indirect.gather [hbm4b:s5+s25], $0x20, s4, s25, $0xb8;
	[tilespmem:$0x19B00] =	vst v63  }
0x156: {  	s8 =	rddreg [dreg:$0x4];
	s5 =	sadd.s32 $0x3180, s1  }
0x157: {  	[tilespmem:s3], [sflag:$0x3] =	stream.indirect.gather [hbm4b:s8+s25], $0x20, s5, s25, $0xb8;
	[tilespmem:$0x19B00] =	vst v63  }
0x158: {  	s12 =	rddreg [dreg:$0x5];
	s10 =	sadd.s32 $0x4A00, s1  }
0x159: {  	[tilespmem:s15], [sflag:$0x3] =	stream.indirect.gather [hbm4b:s12+s25], $0x20, s10, s25, $0xb8;
	[tilespmem:$0x19B00] =	vst v63  }
0x15a: {  	s13 =	rddreg [dreg:$0x6];
	s1 =	sadd.s32 $0x6280, s1  }
0x15b: {  	[tilespmem:s17], [sflag:$0x3] =	stream.indirect.gather [hbm4b:s13+s25], $0x20, s1, s25, $0xb8;
	[tilespmem:$0x19B00] =	vst v63  }
0x15c: {  	s25 =	simm.s32 $0x1  }
0x15d: {  	_ =	swait.ge [sflag:s25], $0x1000  }
0x15e: {  	[sflag:s25] =	ssyncset.done $0x0  }
0x15f: {  	[sflag:s25] =	ssyncadd.s32 $0xFFFFF000  }
0x160: {  	_ =	swait.ge [sflag:s25], $0x1000  }
0x161: {  	[sflag:s25] =	ssyncset.done $0x0  }
0x162: {  	[sflag:s25] =	ssyncadd.s32 $0xFFFFF000  }
0x163: {  	_ =	swait.ge [sflag:s25], $0x1000  }
0x164: {  	[sflag:s25] =	ssyncset.done $0x0  }
0x165: {  	[sflag:s25] =	ssyncadd.s32 $0xFFFFF000  }
0x166: {  	_ =	swait.ge [sflag:s25], $0x1000  }
0x167: {  	p0 =	seq.s32 s9, $0x0;
	[sflag:s25] =	ssyncset.done $0x0  }
0x168: {  	s1 =	simm.s32 @!p0 $0x4;
	[sflag:s25] =	ssyncadd.s32 $0xFFFFF000  }
0x169: {  	_ =	swait.ge @!p0 [sflag:s1], $0x2000  }
0x16a: {  	[sflag:s1] =	ssyncset.done @!p0 $0x0  }
0x16b: {  	s7 =	simm.s32 $0x0;
	s12 =	simm.s32 $0x0;
	[sflag:s1] =	ssyncadd.s32 @!p0 $0xFFFFE000  }
.LBB2_9:
0x16c: {  	v8 =	vadd.s32 s12, v0;
	v9 =	vor.u32 s7, v0  }
0x16d: {  	v14 =	vand.u32 $0xF, v8;
	v11 =	vshll.u32 v9, $0x5  }
0x16e: {  	v6 =	vor.u32 v14, v11;
	_ =	sdelay $0x4  }
0x16f: {  	s1 =	simm.s32 $0x10;
	v10 =	vld.idx.msk [tilespmem:v6+s22+$0x0], $0xffff  }
0x170: {  	v13 =	vor.u32 s1, v0;
	v12 =	vld.idx.msk [tilespmem:v6+s16+$0x0], $0xffff  }
0x171: {  	v16 =	vshll.u32 v13, $0x5;
	v15 =	vld.idx.msk [tilespmem:v6+s20+$0x0], $0xffff  }
0x172: {  	v18 =	vor.u32 v14, v16;
	v17 =	vld.idx.msk [tilespmem:v6+s18+$0x0], $0xffff  }
0x173: {  	s10 =	simm.s32 $0x20  }
0x174: {  	v19 =	vshll.u32 v8, $0x8;
	v21 =	vor.u32 s10, v0  }
0x175: {  	v20 =	vand.u32 $0x300, v19;
	v26 =	vshll.u32 v21, $0x5;
	v6 =	vand.u32 $0x7, v0  }
0x176: {  	v23 =	vand.u32 $0xF00, v19;
	v25 =	vor.u32 v14, v26;
	v7 =	vor.u32 $0x80, v6  }
0x177: {  	v24 =	vld.idx.msk [tilespmem:v18+s22+$0x0], $0xffff;
	v22 =	vor.u32 v7, v20;
	v15 =	vadd.bf16 v10, v15;
	v17 =	vadd.bf16 v17, v12  }
0x178: {  	v27 =	vld.idx.msk [tilespmem:v18+s20+$0x0], $0xffff;
	v10 =	vand.u32 $0xC00, v19;
	v12 =	vor.u32 v6, v23;
	v19 =	vand.u32 $0x78, v9  }
0x179: {  	v23 =	vld.idx.msk [tilespmem:v18+s16+$0x0], $0xffff;
	v10 =	vor.u32 v22, v10;
	v15 =	vadd.bf16 v15, v17;
	v17 =	vor.u32 v12, v19  }
0x17a: {  	v9 =	vor.u32 $0x10, v8;
	v8 =	vld.idx.msk [tilespmem:v18+s18+$0x0], $0xffff;
	v28 =	vor.u32 v19, v10  }
0x17b: {  	v11 =	vor.u32 v9, v11;
	v15 =	vmul.bf16 v5, v15  }
0x17c: {  	v29 =	vld.idx.msk [tilespmem:v25+s22+$0x0], $0xffff  }
0x17d: {  	s13 =	simm.s32 $0x30;
	v30 =	vld.idx.msk [tilespmem:v25+s16+$0x0], $0xffff;
	v18 =	vunpack.i.l.bf16.f32 v15  }
0x17e: {  	v31 =	vld.idx.msk [tilespmem:v25+s20+$0x0], $0xffff;
	v24 =	vadd.bf16 v24, v27;
	v27 =	vor.u32 s13, v0;
	v15 =	vunpack.i.u.bf16.f32 v15;
	[tilespmem:v17+s21+$0x0] =	vst.idx.msk $0xffff, v18  }
0x17f: {  	v8 =	vadd.bf16 v8, v23;
	v23 =	vld.idx.msk [tilespmem:v25+s18+$0x0], $0xffff;
	v18 =	vshll.u32 v27, $0x5;
	[tilespmem:v28+s21+$0x0] =	vst.idx.msk $0xffff, v15  }
0x180: {  	v17 =	vand.u32 $0x78, v13;
	v13 =	vor.u32 v14, v18;
	v25 =	vld.idx.msk [tilespmem:v11+s22+$0x0], $0xffff  }
0x181: {  	v8 =	vadd.bf16 v24, v8;
	v15 =	vor.u32 v12, v17;
	v24 =	vld.idx.msk [tilespmem:v11+s18+$0x0], $0xffff  }
0x182: {  	v32 =	vor.u32 v17, v10;
	v28 =	vld.idx.msk [tilespmem:v11+s20+$0x0], $0xffff  }
0x183: {  	v33 =	vshll.u32 v9, $0x8;
	v8 =	vmul.bf16 v5, v8;
	v11 =	vld.idx.msk [tilespmem:v11+s16+$0x0], $0xffff  }
0x184: {  	v34 =	vor.u32 v9, v16;
	v33 =	vand.u32 $0x1C00, v33  }
0x185: {  	s25 =	simm.s32 $0x40;
	v16 =	vor.u32 v33, v20;
	v20 =	vunpack.i.l.bf16.f32 v8;
	v35 =	vld.idx.msk [tilespmem:v13+s22+$0x0], $0xffff  }
0x186: {  	v36 =	vor.u32 s25, v0;
	v29 =	vadd.bf16 v29, v31;
	v8 =	vunpack.i.u.bf16.f32 v8;
	v31 =	vld.idx.msk [tilespmem:v13+s16+$0x0], $0xffff;
	[tilespmem:v15+s21+$0x0] =	vst.idx.msk $0xffff, v20  }
0x187: {  	v15 =	vand.u32 $0x78, v21;
	v21 =	vadd.bf16 v23, v30;
	v30 =	vld.idx.msk [tilespmem:v13+s20+$0x0], $0xffff;
	v20 =	vshll.u32 v36, $0x5;
	[tilespmem:v32+s21+$0x0] =	vst.idx.msk $0xffff, v8  }
0x188: {  	v37 =	vld.idx.msk [tilespmem:v13+s18+$0x0], $0xffff;
	v13 =	vadd.bf16 v25, v28;
	v28 =	vor.u32 v14, v20;
	v25 =	vadd.bf16 v24, v11  }
0x189: {  	v8 =	vor.u32 v6, v16;
	v23 =	vld.idx.msk [tilespmem:v34+s22+$0x0], $0xffff;
	v21 =	vadd.bf16 v29, v21;
	v29 =	vor.u32 v12, v15  }
0x18a: {  	v11 =	vor.u32 v33, v22;
	v24 =	vld.idx.msk [tilespmem:v34+s18+$0x0], $0xffff;
	v22 =	vor.u32 v19, v8;
	v62 =	vadd.bf16 v13, v25  }
0x18b: {  	v26 =	vor.u32 v9, v26;
	v32 =	vor.u32 v15, v10;
	v25 =	vld.idx.msk [tilespmem:v34+s20+$0x0], $0xffff;
	v63 =	vmul.bf16 v5, v21  }
0x18c: {  	v16 =	vand.u32 $0x78, v27;
	v27 =	vld.idx.msk [tilespmem:v34+s16+$0x0], $0xffff;
	v19 =	vor.u32 v19, v11;
	v21 =	vmul.bf16 v5, v62  }
0x18d: {  	v13 =	vand.u32 $0x78, v36;
	v33 =	vadd.bf16 v35, v30;
	v30 =	vld.idx.msk [tilespmem:v28+s22+$0x0], $0xffff;
	v38 =	vunpack.i.l.bf16.f32 v63  }
0x18e: {  	s4 =	simm.s32 $0x50;
	s1 =	simm.s32 $0x60;
	v34 =	vadd.bf16 v37, v31;
	v35 =	vunpack.i.u.bf16.f32 v63;
	v31 =	vld.idx.msk [tilespmem:v28+s16+$0x0], $0xffff;
	[tilespmem:v29+s21+$0x0] =	vst.idx.msk $0xffff, v38;
	v29 =	vunpack.i.l.bf16.f32 v21  }
.LBB2_10:
0x18f: {  	p1 =	sne.s32 s1, $0x70;
	v36 =	vor.u32 s4, v0;
	v37 =	vld.idx.msk [tilespmem:v28+s20+$0x0], $0xffff;
	[tilespmem:v22+s21+$0x0] =	vst.idx.msk $0xffff, v29;
	s4 =	smov.u32 s1;
	s1 =	sadd.s32 $0x10, s1  }
0x190: {  	v22 =	vadd.bf16 v23, v25;
	v21 =	vunpack.i.u.bf16.f32 v21;
	v29 =	vshll.u32 v36, $0x5;
	v38 =	vld.idx.msk [tilespmem:v28+s18+$0x0], $0xffff;
	[tilespmem:v32+s21+$0x0] =	vst.idx.msk $0xffff, v35  }
0x191: {  	v27 =	vadd.bf16 v24, v27;
	v28 =	vor.u32 v14, v29;
	v23 =	vld.idx.msk [tilespmem:v26+s22+$0x0], $0xffff;
	[tilespmem:v19+s21+$0x0] =	vst.idx.msk $0xffff, v21  }
0x192: {  	v39 =	vor.u32 v12, v16;
	v36 =	vand.u32 $0x78, v36;
	v19 =	vadd.bf16 v33, v34;
	v24 =	vld.idx.msk [tilespmem:v26+s18+$0x0], $0xffff  }
.Ltmp3:
0x193: {  	v21 =	vadd.bf16 v22, v27;
	v22 =	vor.u32 v17, v8;
	v25 =	vld.idx.msk [tilespmem:v26+s20+$0x0], $0xffff;
	(pc) =	sbr.rel @p1 .LBB2_10-.Ltmp3, $4  }
0x194: {  	v32 =	vor.u32 v16, v10;
	v40 =	vmul.bf16 v5, v19;
	v19 =	vor.u32 v17, v11;
	v27 =	vld.idx.msk [tilespmem:v26+s16+$0x0], $0xffff  }
0x195: {  	v33 =	vadd.bf16 v30, v37;
	v26 =	vor.u32 v9, v18;
	v21 =	vmul.bf16 v5, v21;
	v18 =	vmovc v20  }
0x196: {  	v17 =	vmovc v15;
	v20 =	vmovc v29;
	v34 =	vadd.bf16 v38, v31;
	v35 =	vunpack.i.u.bf16.f32 v40;
	v37 =	vunpack.i.l.bf16.f32 v40;
	v30 =	vld.idx.msk [tilespmem:v28+s22+$0x0], $0xffff  }
0x197: {  	v15 =	vmovc v16;
	v16 =	vmov v13;
	v13 =	vmov v36;
	v29 =	vunpack.i.l.bf16.f32 v21;
	v31 =	vld.idx.msk [tilespmem:v28+s16+$0x0], $0xffff;
	[tilespmem:v39+s21+$0x0] =	vst.idx.msk $0xffff, v37  }
0x198: {  	v36 =	vor.u32 s4, v0  }
0x199: {  	v37 =	vshll.u32 v36, $0x5  }
0x19a: {  	v14 =	vor.u32 v14, v37;
	_ =	sdelay $0x2  }
0x19b: {  	v38 =	vld.idx.msk [tilespmem:v28+s20+$0x0], $0xffff  }
0x19c: {  	v63 =	vld.idx.msk [tilespmem:v28+s18+$0x0], $0xffff  }
0x19d: {  	v39 =	vld.idx.msk [tilespmem:v14+s22+$0x0], $0xffff  }
0x19e: {  	v33 =	vadd.bf16 v33, v34;
	v45 =	vor.u32 v12, v16;
	v40 =	vld.idx.msk [tilespmem:v14+s16+$0x0], $0xffff  }
0x19f: {  	v41 =	vor.u32 v16, v10;
	v42 =	vld.idx.msk [tilespmem:v14+s20+$0x0], $0xffff  }
0x1a0: {  	[tilespmem:v32+s21+$0x0] =	vst.idx.msk $0xffff, v35;
	v33 =	vmul.bf16 v5, v33;
	v14 =	vld.idx.msk [tilespmem:v14+s18+$0x0], $0xffff  }
0x1a1: {  	v18 =	vor.u32 v9, v18;
	v30 =	vadd.bf16 v30, v38;
	v28 =	vadd.bf16 v63, v31  }
0x1a2: {  	v48 =	vor.u32 v12, v13;
	v47 =	vld.idx.msk [tilespmem:v26+s22+$0x0], $0xffff;
	v46 =	vunpack.i.l.bf16.f32 v33  }
0x1a3: {  	v32 =	vld.idx.msk [tilespmem:v26+s18+$0x0], $0xffff;
	v33 =	vunpack.i.u.bf16.f32 v33;
	[tilespmem:v45+s21+$0x0] =	vst.idx.msk $0xffff, v46;
	v28 =	vadd.bf16 v30, v28  }
0x1a4: {  	v51 =	vor.u32 v13, v10;
	v20 =	vor.u32 v9, v20;
	v49 =	vld.idx.msk [tilespmem:v26+s20+$0x0], $0xffff;
	[tilespmem:v41+s21+$0x0] =	vst.idx.msk $0xffff, v33  }
0x1a5: {  	v52 =	vld.idx.msk [tilespmem:v26+s16+$0x0], $0xffff;
	v28 =	vmul.bf16 v5, v28;
	v50 =	vadd.bf16 v39, v42;
	v14 =	vadd.bf16 v14, v40  }
0x1a6: {  	v23 =	vadd.bf16 v23, v25;
	v25 =	vand.u32 $0x78, v36;
	v53 =	vld.idx.msk [tilespmem:v18+s22+$0x0], $0xffff  }
0x1a7: {  	v56 =	vor.u32 v12, v25;
	v54 =	vld.idx.msk [tilespmem:v18+s18+$0x0], $0xffff;
	v55 =	vunpack.i.l.bf16.f32 v28;
	v14 =	vadd.bf16 v50, v14  }
0x1a8: {  	v58 =	vor.u32 v25, v10;
	v57 =	vld.idx.msk [tilespmem:v18+s20+$0x0], $0xffff;
	v28 =	vunpack.i.u.bf16.f32 v28;
	[tilespmem:v48+s21+$0x0] =	vst.idx.msk $0xffff, v55  }
0x1a9: {  	v59 =	vor.u32 v9, v37;
	v18 =	vld.idx.msk [tilespmem:v18+s16+$0x0], $0xffff;
	[tilespmem:v51+s21+$0x0] =	vst.idx.msk $0xffff, v28;
	v14 =	vmul.bf16 v5, v14  }
0x1aa: {  	v28 =	vld.idx.msk [tilespmem:v20+s22+$0x0], $0xffff  }
0x1ab: {  	v60 =	vld.idx.msk [tilespmem:v20+s18+$0x0], $0xffff;
	v61 =	vunpack.i.l.bf16.f32 v14  }
0x1ac: {  	v24 =	vadd.bf16 v24, v27;
	v63 =	vld.idx.msk [tilespmem:v20+s20+$0x0], $0xffff;
	v14 =	vunpack.i.u.bf16.f32 v14;
	[tilespmem:v56+s21+$0x0] =	vst.idx.msk $0xffff, v61  }
0x1ad: {  	v20 =	vld.idx.msk [tilespmem:v20+s16+$0x0], $0xffff;
	[tilespmem:v58+s21+$0x0] =	vst.idx.msk $0xffff, v14  }
0x1ae: {  	v62 =	vor.u32 v17, v8;
	v23 =	vadd.bf16 v23, v24;
	v14 =	vld.idx.msk [tilespmem:v59+s22+$0x0], $0xffff  }
0x1af: {  	v43 =	vor.u32 v15, v8;
	v26 =	vadd.bf16 v32, v52;
	v40 =	vadd.bf16 v47, v49;
	v44 =	vld.idx.msk [tilespmem:v59+s18+$0x0], $0xffff  }
0x1b0: {  	v41 =	vor.u32 v17, v11;
	v45 =	vadd.bf16 v53, v57;
	v18 =	vadd.bf16 v54, v18;
	v46 =	vld.idx.msk [tilespmem:v59+s20+$0x0], $0xffff  }
0x1b1: {  	v42 =	vmul.bf16 v5, v23;
	v48 =	vor.u32 v15, v11;
	v53 =	vor.u32 v16, v8;
	v9 =	vld.idx.msk [tilespmem:v59+s16+$0x0], $0xffff  }
0x1b2: {  	v54 =	vor.u32 v16, v11;
	v12 =	vadd.bf16 v40, v26;
	v18 =	vadd.bf16 v45, v18  }
0x1b3: {  	[tilespmem:v22+s21+$0x0] =	vst.idx.msk $0xffff, v29;
	v47 =	vunpack.i.l.bf16.f32 v42;
	v50 =	vadd.bf16 v28, v63;
	v51 =	vadd.bf16 v60, v20  }
0x1b4: {  	v55 =	vor.u32 v13, v8;
	v17 =	vunpack.i.u.bf16.f32 v42;
	[tilespmem:v62+s21+$0x0] =	vst.idx.msk $0xffff, v47;
	v12 =	vmul.bf16 v5, v12  }
0x1b5: {  	v21 =	vunpack.i.u.bf16.f32 v21;
	[tilespmem:v41+s21+$0x0] =	vst.idx.msk $0xffff, v17;
	v18 =	vmul.bf16 v5, v18;
	v17 =	vadd.bf16 v50, v51  }
0x1b6: {  	[tilespmem:v19+s21+$0x0] =	vst.idx.msk $0xffff, v21;
	v49 =	vunpack.i.l.bf16.f32 v12;
	v14 =	vadd.bf16 v14, v46;
	v9 =	vadd.bf16 v44, v9  }
0x1b7: {  	v57 =	vor.u32 v13, v11;
	v8 =	vor.u32 v25, v8;
	v52 =	vunpack.i.u.bf16.f32 v12;
	[tilespmem:v43+s21+$0x0] =	vst.idx.msk $0xffff, v49  }
0x1b8: {  	s12 =	sadd.s32 $0x1, s12;
	v56 =	vunpack.i.l.bf16.f32 v18;
	[tilespmem:v48+s21+$0x0] =	vst.idx.msk $0xffff, v52;
	v58 =	vmul.bf16 v5, v17;
	v9 =	vadd.bf16 v14, v9  }
0x1b9: {  	p1 =	sne.s32 s12, $0x10;
	v60 =	vor.u32 v25, v11;
	[tilespmem:v53+s21+$0x0] =	vst.idx.msk $0xffff, v56;
	v59 =	vunpack.i.u.bf16.f32 v18  }
.Ltmp4:
0x1ba: {  	[tilespmem:v54+s21+$0x0] =	vst.idx.msk $0xffff, v59;
	v61 =	vunpack.i.l.bf16.f32 v58;
	v9 =	vmul.bf16 v5, v9;
	(pc) =	sbr.rel @p1 .LBB2_9-.Ltmp4, $4  }
0x1bb: {  	v62 =	vunpack.i.u.bf16.f32 v58;
	[tilespmem:v55+s21+$0x0] =	vst.idx.msk $0xffff, v61  }
0x1bc: {  	[tilespmem:v57+s21+$0x0] =	vst.idx.msk $0xffff, v62;
	v63 =	vunpack.i.l.bf16.f32 v9  }
0x1bd: {  	[tilespmem:v8+s21+$0x0] =	vst.idx.msk $0xffff, v63;
	v8 =	vunpack.i.u.bf16.f32 v9  }
0x1be: {  	[tilespmem:v60+s21+$0x0] =	vst.idx.msk $0xffff, v8  }
0x1bf: {  	s5 =	smul.u32 $0xC0000, s9;
	s1 =	sadd.s32 $0xFFFFFCE0, s6  }
0x1c0: {  	s4 =	rddreg [dreg:$0x7];
	v8 =	vadd.s32 s1, v1  }
0x1c1: {  	v9 =	vadd.s32 s1, v3;
	s4 =	sor.u32 s4, s5  }
0x1c2: {  	[dreg:$0x17] =	wrdreg s9;
	v10 =	vadd.s32 s6, v1;
	s8 =	simm.s32 $0x400;
	s7 =	sshrl.u32 s4, $0x3  }
0x1c3: {  	s9 =	simm.s32 $0x8000;
	[dreg:$0x1c] =	wrdreg s5;
	s1 =	sadd.s32 s23, s7  }
0x1c4: {  	[hbm4b:s1+s8] =	stream.strided.scatter [tilespmem:s21], [sflag:$0x4], $0x2000, s9, s8, $0x38;
	[tilespmem:$0x19B00] =	vst v63  }
0x1c5: {  	v8 =	vld.idx.msk [tilespmem:v8+s2+$0x0], $0xffff  }
0x1c6: {  	v9 =	vld.idx.msk [tilespmem:v9+s2+$0x0], $0xffff  }
0x1c7: {  	v10 =	vld.idx.msk [tilespmem:v10+s2+$0x0], $0xffff;
	_ =	sdelay $0x1  }
0x1c8: {  	s10 =	sadd.s32 $0x640, s6  }
0x1c9: {  	s12 =	sadd.s32 $0xFFFFFCE0, s10;
	v18 =	vadd.s32 s10, v1;
	v8 =	vshll.u32 v8, $0xA  }
0x1ca: {  	v19 =	vadd.s32 s10, v3;
	v21 =	vadd.s32 s12, v1;
	v8 =	vor.u32 v9, v8  }
0x1cb: {  	v10 =	vshll.u32 v10, $0xA;
	v9 =	vadd.s32 s6, v3;
	v11 =	vxor.u32 $0x9E3779B9, v8  }
0x1cc: {  	v13 =	vxor.u32 $0xBF58476D, v8;
	v14 =	vxor.u32 $0x94D049BB, v8;
	v12 =	vshrl.u32 v11, $0x10  }
0x1cd: {  	v8 =	vxor.u32 $0xC1B53C1A, v8;
	v11 =	vxor.u32 v11, v12;
	v12 =	vshrl.u32 v13, $0x10  }
0x1ce: {  	v18 =	vld.idx.msk [tilespmem:v18+s2+$0x0], $0xffff;
	v11 =	vmul.u32 $0x7FEB352D, v11;
	v12 =	vxor.u32 v13, v12;
	v13 =	vshrl.u32 v14, $0x10  }
0x1cf: {  	v12 =	vmul.u32 $0x7FEB352D, v12;
	v13 =	vxor.u32 v14, v13;
	v14 =	vshrl.u32 v8, $0x10  }
0x1d0: {  	v9 =	vld.idx.msk [tilespmem:v9+s2+$0x0], $0xffff;
	v15 =	vshrl.u32 v11, $0xF;
	v13 =	vmul.u32 $0x7FEB352D, v13;
	v8 =	vxor.u32 v8, v14  }
0x1d1: {  	v11 =	vxor.u32 v11, v15;
	v14 =	vshrl.u32 v12, $0xF;
	v8 =	vmul.u32 $0x7FEB352D, v8  }
0x1d2: {  	v11 =	vmul.u32 $0x846CA68B, v11;
	v12 =	vxor.u32 v12, v14;
	v14 =	vshrl.u32 v13, $0xF  }
0x1d3: {  	v18 =	vshll.u32 v18, $0xA;
	v12 =	vmul.u32 $0x846CA68B, v12;
	v13 =	vxor.u32 v13, v14  }
0x1d4: {  	v14 =	vshrl.u32 v8, $0xF;
	v15 =	vshrl.u32 v11, $0x10;
	v13 =	vmul.u32 $0x846CA68B, v13  }
0x1d5: {  	v8 =	vxor.u32 v8, v14;
	v9 =	vor.u32 v9, v10;
	v10 =	vxor.u32 v11, v15  }
0x1d6: {  	v8 =	vmul.u32 $0x846CA68B, v8;
	v11 =	vshrl.u32 v12, $0x10;
	v15 =	vxor.u32 $0x94D049BB, v9  }
0x1d7: {  	v10 =	vand.u32 $0x1FFF, v10;
	v14 =	vshrl.u32 v13, $0x10;
	v11 =	vxor.u32 v12, v11  }
0x1d8: {  	v20 =	vshrl.u32 v15, $0x10;
	v12 =	vxor.u32 v13, v14;
	v13 =	vshrl.u32 v8, $0x10  }
0x1d9: {  	v15 =	vxor.u32 v15, v20;
	v8 =	vxor.u32 v8, v13;
	v13 =	vxor.u32 $0x9E3779B9, v9  }
0x1da: {  	v15 =	vmul.u32 $0x7FEB352D, v15;
	v14 =	vand.u32 $0x1FFF, v8;
	v8 =	vxor.u32 $0xBF58476D, v9  }
0x1db: {  	v16 =	vshrl.u32 v13, $0x10;
	v9 =	vxor.u32 $0xC1B53C1A, v9;
	v17 =	vshrl.u32 v8, $0x10  }
0x1dc: {  	v13 =	vxor.u32 v13, v16;
	v16 =	vadd.s32 s12, v3;
	v8 =	vxor.u32 v8, v17  }
0x1dd: {  	v13 =	vmul.u32 $0x7FEB352D, v13;
	v17 =	vshrl.u32 v9, $0x10;
	v8 =	vmul.u32 $0x7FEB352D, v8  }
0x1de: {  	v11 =	vand.u32 $0x1FFF, v11;
	v51 =	vshrl.u32 v15, $0xF;
	v9 =	vxor.u32 v9, v17  }
0x1df: {  	v17 =	vshrl.u32 v13, $0xF;
	v9 =	vmul.u32 $0x7FEB352D, v9;
	v50 =	vshrl.u32 v8, $0xF  }
0x1e0: {  	v15 =	vxor.u32 v15, v51;
	v13 =	vxor.u32 v13, v17;
	v17 =	vld.idx.msk [tilespmem:v21+s2+$0x0], $0xffff;
	v8 =	vxor.u32 v8, v50  }
0x1e1: {  	v13 =	vmul.u32 $0x846CA68B, v13;
	v52 =	vshrl.u32 v9, $0xF;
	v16 =	vld.idx.msk [tilespmem:v16+s2+$0x0], $0xffff;
	v8 =	vmul.u32 $0x846CA68B, v8  }
0x1e2: {  	v19 =	vld.idx.msk [tilespmem:v19+s2+$0x0], $0xffff;
	v12 =	vand.u32 $0x1FFF, v12;
	v15 =	vmul.u32 $0x846CA68B, v15;
	v9 =	vxor.u32 v9, v52  }
0x1e3: {  	v53 =	vshrl.u32 v13, $0x10;
	v54 =	vmul.u32 $0x846CA68B, v9;
	v9 =	vshrl.u32 v8, $0x10  }
0x1e4: {  	v55 =	vshrl.u32 v15, $0x10;
	v13 =	vxor.u32 v13, v53;
	v22 =	vxor.u32 v8, v9  }
0x1e5: {  	v8 =	vshrl.u32 v54, $0x10;
	v17 =	vshll.u32 v17, $0xA;
	v9 =	vxor.u32 v15, v55  }
0x1e6: {  	v13 =	vand.u32 $0x1FFF, v13;
	v15 =	vor.u32 v16, v17;
	v8 =	vxor.u32 v54, v8  }
0x1e7: {  	v17 =	vor.u32 v19, v18;
	v56 =	vand.u32 $0x1FFF, v22;
	v16 =	vxor.u32 $0x9E3779B9, v15  }
0x1e8: {  	v58 =	vxor.u32 $0xBF58476D, v15;
	v59 =	vxor.u32 $0x94D049BB, v15;
	v57 =	vshrl.u32 v16, $0x10  }
0x1e9: {  	s13 =	rddreg [dreg:$0x12];
	v15 =	vxor.u32 $0xC1B53C1A, v15;
	v60 =	vshrl.u32 v58, $0x10;
	v16 =	vxor.u32 v16, v57  }
0x1ea: {  	[tilespmem:s13+$0xFFFFFFF0] =	vst v10;
	v61 =	vshrl.u32 v59, $0x10;
	v19 =	vxor.u32 v58, v60;
	v16 =	vmul.u32 $0x7FEB352D, v16  }
0x1eb: {  	s25 =	rddreg [dreg:$0x13];
	v62 =	vshrl.u32 v15, $0x10;
	v20 =	vxor.u32 v59, v61;
	v19 =	vmul.u32 $0x7FEB352D, v19  }
0x1ec: {  	[tilespmem:s25+$0xFFFFFFF0] =	vst v11;
	v15 =	vxor.u32 v15, v62;
	v20 =	vmul.u32 $0x7FEB352D, v20;
	v63 =	vshrl.u32 v16, $0xF  }
0x1ed: {  	s23 =	rddreg [dreg:$0x14];
	v15 =	vmul.u32 $0x7FEB352D, v15;
	v10 =	vxor.u32 v16, v63;
	v16 =	vshrl.u32 v19, $0xF  }
0x1ee: {  	[tilespmem:s23+$0xFFFFFFF0] =	vst v12;
	v10 =	vmul.u32 $0x846CA68B, v10;
	v11 =	vxor.u32 v19, v16;
	v16 =	vshrl.u32 v20, $0xF  }
0x1ef: {  	s9 =	smov.u32 s6;
	s6 =	rddreg [dreg:$0x15];
	v11 =	vmul.u32 $0x846CA68B, v11;
	v12 =	vxor.u32 v20, v16;
	v16 =	vshrl.u32 v15, $0xF  }
0x1f0: {  	[tilespmem:s6+$0xFFFFFFF0] =	vst v14;
	v14 =	vshrl.u32 v10, $0x10;
	v12 =	vmul.u32 $0x846CA68B, v12;
	v15 =	vxor.u32 v15, v16  }
0x1f1: {  	[tilespmem:s13+$0x0] =	vst v13;
	v10 =	vxor.u32 v10, v14;
	v13 =	vshrl.u32 v11, $0x10;
	v14 =	vmul.u32 $0x846CA68B, v15  }
0x1f2: {  	s7 =	sadd.s32 $0x20, s13;
	[tilespmem:s25+$0x0] =	vst v56;
	v10 =	vand.u32 $0x1FFF, v10;
	v11 =	vxor.u32 v11, v13;
	v13 =	vshrl.u32 v12, $0x10  }
0x1f3: {  	s12 =	sadd.s32 $0x20, s25;
	[tilespmem:s7+$0xFFFFFFF0] =	vst v10;
	v10 =	vand.u32 $0x1FFF, v11;
	v11 =	vxor.u32 v12, v13;
	v12 =	vshrl.u32 v14, $0x10  }
0x1f4: {  	s10 =	sadd.s32 $0x640, s10;
	s13 =	sadd.s32 $0x20, s23;
	[tilespmem:s12+$0xFFFFFFF0] =	vst v10;
	v11 =	vand.u32 $0x1FFF, v11;
	v12 =	vxor.u32 v14, v12;
	v10 =	vxor.u32 $0x9E3779B9, v17  }
0x1f5: {  	s25 =	sadd.s32 $0x20, s6;
	[tilespmem:s13+$0xFFFFFFF0] =	vst v11;
	v13 =	vand.u32 $0x1FFF, v12;
	v12 =	vxor.u32 $0xBF58476D, v17;
	v11 =	vxor.u32 $0x94D049BB, v17  }
0x1f6: {  	s8 =	sadd.s32 $0x3, s28;
	s1 =	simm.s32 $0x2;
	s4 =	smov.u32 s23;
	v15 =	vshrl.u32 v10, $0x10;
	[tilespmem:s25+$0xFFFFFFF0] =	vst v13;
	v14 =	vshrl.u32 v12, $0x10;
	v13 =	vxor.u32 $0xC1B53C1A, v17  }
.LBB2_13:
0x1f7: {  	s23 =	sadd.s32 $0xFFFFFCE0, s10;
	v16 =	vadd.s32 s10, v1;
	v17 =	vadd.s32 s10, v3;
	v18 =	vshrl.u32 v11, $0x10  }
0x1f8: {  	v10 =	vxor.u32 v10, v15;
	v15 =	vshrl.u32 v13, $0x10;
	v19 =	vadd.s32 s23, v1  }
0x1f9: {  	v12 =	vxor.u32 v12, v14;
	v20 =	vadd.s32 s23, v3;
	v11 =	vxor.u32 v11, v18  }
0x1fa: {  	s1 =	sadd.s32 $0x2, s1;
	v10 =	vmul.u32 $0x7FEB352D, v10;
	v12 =	vmul.u32 $0x7FEB352D, v12;
	v13 =	vxor.u32 v13, v15  }
0x1fb: {  	v9 =	vand.u32 $0x1FFF, v9;
	p1 =	slt.u32 s1, $0x6;
	v11 =	vmul.u32 $0x7FEB352D, v11;
	v13 =	vmul.u32 $0x7FEB352D, v13  }
0x1fc: {  	v8 =	vand.u32 $0x1FFF, v8;
	v15 =	vshrl.u32 v10, $0xF;
	v14 =	vld.idx.msk [tilespmem:v16+s2+$0x0], $0xffff;
	v16 =	vshrl.u32 v12, $0xF;
	[tilespmem:s4+$0x0] =	vst v9;
	s4 =	smov.u32 s13  }
0x1fd: {  	v10 =	vxor.u32 v10, v15;
	v15 =	vshrl.u32 v11, $0xF;
	v18 =	vshrl.u32 v13, $0xF;
	v9 =	vld.idx.msk [tilespmem:v19+s2+$0x0], $0xffff;
	[tilespmem:s6+$0x0] =	vst v8;
	s6 =	smov.u32 s25  }
0x1fe: {  	v11 =	vxor.u32 v11, v15;
	v13 =	vxor.u32 v13, v18;
	v12 =	vxor.u32 v12, v16;
	v8 =	vld.idx.msk [tilespmem:v20+s2+$0x0], $0xffff  }
0x1ff: {  	v10 =	vmul.u32 $0x846CA68B, v10;
	v11 =	vmul.u32 $0x846CA68B, v11;
	v12 =	vmul.u32 $0x846CA68B, v12;
	v15 =	vld.idx.msk [tilespmem:v17+s2+$0x0], $0xffff  }
0x200: {  	v13 =	vmul.u32 $0x846CA68B, v13  }
0x201: {  	v16 =	vshrl.u32 v10, $0x10;
	v18 =	vshrl.u32 v11, $0x10;
	v17 =	vshrl.u32 v12, $0x10  }
0x202: {  	v10 =	vxor.u32 v10, v16;
	v16 =	vshrl.u32 v13, $0x10;
	v14 =	vshll.u32 v14, $0xA  }
0x203: {  	v12 =	vxor.u32 v12, v17;
	v19 =	vshll.u32 v9, $0xA;
	v9 =	vxor.u32 v11, v18  }
0x204: {  	v10 =	vand.u32 $0x1FFF, v10;
	v11 =	vor.u32 v8, v19;
	v8 =	vxor.u32 v13, v16  }
0x205: {  	v13 =	vxor.u32 $0x9E3779B9, v11;
	v16 =	vor.u32 v15, v14;
	[tilespmem:s7+$0x0] =	vst v10;
	v10 =	vand.u32 $0x1FFF, v12  }
0x206: {  	v14 =	vxor.u32 $0xBF58476D, v11;
	v15 =	vxor.u32 $0x94D049BB, v11;
	v12 =	vshrl.u32 v13, $0x10;
	[tilespmem:s12+$0x0] =	vst v10  }
0x207: {  	v11 =	vxor.u32 $0xC1B53C1A, v11;
	v10 =	vxor.u32 v13, v12;
	v12 =	vshrl.u32 v14, $0x10  }
0x208: {  	v13 =	vshrl.u32 v15, $0x10;
	v10 =	vmul.u32 $0x7FEB352D, v10;
	v12 =	vxor.u32 v14, v12  }
0x209: {  	v13 =	vxor.u32 v15, v13;
	v14 =	vshrl.u32 v11, $0x10;
	v12 =	vmul.u32 $0x7FEB352D, v12  }
0x20a: {  	v13 =	vmul.u32 $0x7FEB352D, v13;
	v11 =	vxor.u32 v11, v14;
	v15 =	vshrl.u32 v10, $0xF  }
0x20b: {  	v11 =	vmul.u32 $0x7FEB352D, v11;
	v10 =	vxor.u32 v10, v15;
	v14 =	vshrl.u32 v12, $0xF  }
0x20c: {  	v10 =	vmul.u32 $0x846CA68B, v10;
	v12 =	vxor.u32 v12, v14;
	v14 =	vshrl.u32 v13, $0xF  }
0x20d: {  	v12 =	vmul.u32 $0x846CA68B, v12;
	v13 =	vxor.u32 v13, v14;
	v14 =	vshrl.u32 v11, $0xF  }
0x20e: {  	v15 =	vshrl.u32 v10, $0x10;
	v13 =	vmul.u32 $0x846CA68B, v13;
	v11 =	vxor.u32 v11, v14  }
0x20f: {  	v10 =	vxor.u32 v10, v15;
	v14 =	vshrl.u32 v12, $0x10;
	v11 =	vmul.u32 $0x846CA68B, v11  }
.Ltmp5:
0x210: {  	s7 =	sadd.s32 $0x20, s7;
	v10 =	vand.u32 $0x1FFF, v10;
	v12 =	vxor.u32 v12, v14;
	v14 =	vshrl.u32 v13, $0x10;
	(pc) =	sbr.rel @p1 .LBB2_13-.Ltmp5, $4  }
0x211: {  	s12 =	sadd.s32 $0x20, s12;
	[tilespmem:s7+$0xFFFFFFF0] =	vst v10;
	v10 =	vand.u32 $0x1FFF, v12;
	v12 =	vxor.u32 v13, v14;
	v13 =	vshrl.u32 v11, $0x10  }
0x212: {  	s13 =	sadd.s32 $0x20, s13;
	[tilespmem:s12+$0xFFFFFFF0] =	vst v10;
	v12 =	vand.u32 $0x1FFF, v12;
	v11 =	vxor.u32 v11, v13;
	v10 =	vxor.u32 $0x9E3779B9, v16  }
0x213: {  	s25 =	sadd.s32 $0x20, s25;
	[tilespmem:s13+$0xFFFFFFF0] =	vst v12;
	v13 =	vand.u32 $0x1FFF, v11;
	v12 =	vxor.u32 $0xBF58476D, v16;
	v11 =	vxor.u32 $0x94D049BB, v16  }
0x214: {  	s10 =	sadd.s32 $0x640, s10;
	v15 =	vshrl.u32 v10, $0x10;
	[tilespmem:s25+$0xFFFFFFF0] =	vst v13;
	v14 =	vshrl.u32 v12, $0x10;
	v13 =	vxor.u32 $0xC1B53C1A, v16  }
0x215: {  	v16 =	vshrl.u32 v11, $0x10;
	v10 =	vxor.u32 v10, v15;
	v54 =	vshrl.u32 v13, $0x10  }
0x216: {  	v12 =	vxor.u32 v12, v14;
	v9 =	vand.u32 $0x1FFF, v9;
	v10 =	vmul.u32 $0x7FEB352D, v10  }
0x217: {  	v8 =	vand.u32 $0x1FFF, v8;
	v11 =	vxor.u32 v11, v16;
	v12 =	vmul.u32 $0x7FEB352D, v12  }
0x218: {  	v13 =	vxor.u32 v13, v54;
	v11 =	vmul.u32 $0x7FEB352D, v11;
	v55 =	vshrl.u32 v10, $0xF  }
0x219: {  	v13 =	vmul.u32 $0x7FEB352D, v13;
	v56 =	vshrl.u32 v12, $0xF;
	v10 =	vxor.u32 v10, v55  }
0x21a: {  	v57 =	vshrl.u32 v11, $0xF;
	v12 =	vxor.u32 v12, v56;
	v10 =	vmul.u32 $0x846CA68B, v10  }
0x21b: {  	v58 =	vshrl.u32 v13, $0xF;
	v11 =	vxor.u32 v11, v57;
	v12 =	vmul.u32 $0x846CA68B, v12  }
0x21c: {  	v13 =	vxor.u32 v13, v58;
	v11 =	vmul.u32 $0x846CA68B, v11;
	v59 =	vshrl.u32 v10, $0x10  }
0x21d: {  	[tilespmem:s4+$0x0] =	vst v9;
	v60 =	vmul.u32 $0x846CA68B, v13;
	v61 =	vshrl.u32 v12, $0x10;
	v10 =	vxor.u32 v10, v59  }
0x21e: {  	[tilespmem:s6+$0x0] =	vst v8;
	v8 =	vshrl.u32 v11, $0x10;
	v12 =	vxor.u32 v12, v61;
	v10 =	vand.u32 $0x1FFF, v10  }
0x21f: {  	v62 =	vshrl.u32 v60, $0x10;
	v8 =	vxor.u32 v11, v8;
	v63 =	vand.u32 $0x1FFF, v12;
	[tilespmem:s7+$0x0] =	vst v10  }
0x220: {  	v9 =	vxor.u32 v60, v62;
	v8 =	vand.u32 $0x1FFF, v8;
	[tilespmem:s12+$0x0] =	vst v63  }
0x221: {  	[tilespmem:s13+$0x0] =	vst v8;
	v8 =	vand.u32 $0x1FFF, v9  }
0x222: {  	s1 =	sshll.u32 s8, $0x7;
	[tilespmem:s25+$0x0] =	vst v8  }
0x223: {  	s6 =	simm.s32 $0x80;
	s25 =	sadd.s32 $0x1900, s1;
	s5 =	rddreg [dreg:$0x3]  }
0x224: {  	[tilespmem:s16], [sflag:$0x1] =	stream.indirect.gather [hbm4b:s5+s6], $0x20, s25, s6, $0xb8;
	[tilespmem:$0x19B00] =	vst v63  }
0x225: {  	s8 =	sadd.s32 $0x3180, s1;
	s10 =	rddreg [dreg:$0x4]  }
0x226: {  	[tilespmem:s18], [sflag:$0x1] =	stream.indirect.gather [hbm4b:s10+s6], $0x20, s8, s6, $0xb8;
	[tilespmem:$0x19B00] =	vst v63  }
0x227: {  	s12 =	sadd.s32 $0x4A00, s1;
	s13 =	rddreg [dreg:$0x5]  }
0x228: {  	[tilespmem:s20], [sflag:$0x1] =	stream.indirect.gather [hbm4b:s13+s6], $0x20, s12, s6, $0xb8;
	[tilespmem:$0x19B00] =	vst v63  }
0x229: {  	s1 =	sadd.s32 $0x6280, s1;
	s23 =	rddreg [dreg:$0x6];
	s25 =	simm.s32 $0x2  }
0x22a: {  	[tilespmem:s22], [sflag:$0x1] =	stream.indirect.gather [hbm4b:s23+s6], $0x20, s1, s6, $0xb8;
	[tilespmem:$0x19B00] =	vst v63  }
0x22b: {  	_ =	swait.ge [sflag:s25], $0x1000  }
0x22c: {  	[sflag:s25] =	ssyncset.done $0x0  }
0x22d: {  	[sflag:s25] =	ssyncadd.s32 $0xFFFFF000  }
0x22e: {  	_ =	swait.ge [sflag:s25], $0x1000  }
0x22f: {  	[sflag:s25] =	ssyncset.done $0x0  }
0x230: {  	[sflag:s25] =	ssyncadd.s32 $0xFFFFF000  }
0x231: {  	_ =	swait.ge [sflag:s25], $0x1000  }
0x232: {  	[sflag:s25] =	ssyncset.done $0x0  }
0x233: {  	[sflag:s25] =	ssyncadd.s32 $0xFFFFF000  }
0x234: {  	_ =	swait.ge [sflag:s25], $0x1000  }
0x235: {  	[sflag:s25] =	ssyncset.done $0x0  }
0x236: {  	s1 =	simm.s32 @!p0 $0x5;
	[sflag:s25] =	ssyncadd.s32 $0xFFFFF000  }
0x237: {  	_ =	swait.ge @!p0 [sflag:s1], $0x2000  }
0x238: {  	[sflag:s1] =	ssyncset.done @!p0 $0x0;
	s10 =	rddreg [dreg:$0xf]  }
0x239: {  	s6 =	smov.u32 s9;
	s9 =	rddreg [dreg:$0x17];
	[sflag:s1] =	ssyncadd.s32 @!p0 $0xFFFFE000  }
0x23a: {  	s7 =	simm.s32 $0x0;
	s12 =	simm.s32 $0x0;
	s23 =	rddreg [dreg:$0x1]  }
.LBB2_15:
0x23b: {  	v8 =	vadd.s32 s7, v0;
	v9 =	vor.u32 s12, v0  }
0x23c: {  	v15 =	vand.u32 $0xF, v8;
	v11 =	vshll.u32 v9, $0x5  }
0x23d: {  	v10 =	vor.u32 v15, v11;
	_ =	sdelay $0x4  }
0x23e: {  	s1 =	simm.s32 $0x10;
	v12 =	vld.idx.msk [tilespmem:v10+s31+$0x0], $0xffff  }
0x23f: {  	v14 =	vor.u32 s1, v0;
	v13 =	vld.idx.msk [tilespmem:v10+s24+$0x0], $0xffff  }
0x240: {  	v19 =	vshll.u32 v14, $0x5;
	v16 =	vld.idx.msk [tilespmem:v10+s29+$0x0], $0xffff  }
0x241: {  	v17 =	vor.u32 v15, v19;
	v10 =	vld.idx.msk [tilespmem:v10+s26+$0x0], $0xffff;
	_ =	sdelay $0x1  }
0x242: {  	s8 =	simm.s32 $0x20  }
0x243: {  	v18 =	vshll.u32 v8, $0x8;
	v21 =	vor.u32 s8, v0;
	v29 =	vand.u32 $0x78, v9  }
0x244: {  	v9 =	vor.u32 $0x10, v8;
	v20 =	vand.u32 $0x300, v18;
	v23 =	vand.u32 $0xF00, v18  }
0x245: {  	v26 =	vshll.u32 v21, $0x5;
	v24 =	vld.idx.msk [tilespmem:v17+s31+$0x0], $0xffff;
	v16 =	vadd.bf16 v12, v16;
	v13 =	vadd.bf16 v10, v13  }
0x246: {  	v22 =	vor.u32 v7, v20;
	v25 =	vor.u32 v15, v26;
	v8 =	vld.idx.msk [tilespmem:v17+s26+$0x0], $0xffff;
	v12 =	vor.u32 v6, v23  }
0x247: {  	v10 =	vand.u32 $0xC00, v18;
	v23 =	vld.idx.msk [tilespmem:v17+s29+$0x0], $0xffff;
	v13 =	vadd.bf16 v16, v13;
	v16 =	vor.u32 v12, v29  }
0x248: {  	v18 =	vld.idx.msk [tilespmem:v17+s24+$0x0], $0xffff;
	v10 =	vor.u32 v22, v10  }
0x249: {  	v17 =	vor.u32 v29, v10;
	v13 =	vmul.bf16 v5, v13  }
0x24a: {  	v11 =	vor.u32 v9, v11  }
0x24b: {  	s13 =	simm.s32 $0x30;
	v27 =	vld.idx.msk [tilespmem:v25+s31+$0x0], $0xffff;
	v28 =	vunpack.i.l.bf16.f32 v13  }
0x24c: {  	v30 =	vld.idx.msk [tilespmem:v25+s24+$0x0], $0xffff;
	v23 =	vadd.bf16 v24, v23;
	[tilespmem:v16+s30+$0x0] =	vst.idx.msk $0xffff, v28;
	v16 =	vor.u32 s13, v0  }
0x24d: {  	v24 =	vld.idx.msk [tilespmem:v25+s29+$0x0], $0xffff;
	v8 =	vadd.bf16 v8, v18;
	v13 =	vunpack.i.u.bf16.f32 v13;
	v18 =	vshll.u32 v16, $0x5  }
0x24e: {  	v25 =	vld.idx.msk [tilespmem:v25+s26+$0x0], $0xffff;
	[tilespmem:v17+s30+$0x0] =	vst.idx.msk $0xffff, v13;
	v13 =	vor.u32 v15, v18  }
0x24f: {  	v17 =	vand.u32 $0x78, v14;
	v28 =	vld.idx.msk [tilespmem:v11+s31+$0x0], $0xffff  }
0x250: {  	v8 =	vadd.bf16 v23, v8;
	v14 =	vor.u32 v12, v17;
	v23 =	vld.idx.msk [tilespmem:v11+s26+$0x0], $0xffff  }
0x251: {  	v31 =	vld.idx.msk [tilespmem:v11+s29+$0x0], $0xffff  }
0x252: {  	v33 =	vshll.u32 v9, $0x8;
	v32 =	vor.u32 v17, v10;
	v8 =	vmul.bf16 v5, v8;
	v11 =	vld.idx.msk [tilespmem:v11+s24+$0x0], $0xffff  }
0x253: {  	v33 =	vand.u32 $0x1C00, v33;
	v19 =	vor.u32 v9, v19;
	v35 =	vld.idx.msk [tilespmem:v13+s31+$0x0], $0xffff  }
0x254: {  	s25 =	simm.s32 $0x40;
	v34 =	vor.u32 v33, v20;
	v24 =	vadd.bf16 v27, v24;
	v20 =	vunpack.i.l.bf16.f32 v8;
	v36 =	vld.idx.msk [tilespmem:v13+s24+$0x0], $0xffff  }
0x255: {  	v27 =	vor.u32 s25, v0;
	[tilespmem:v14+s30+$0x0] =	vst.idx.msk $0xffff, v20;
	v14 =	vand.u32 $0x78, v21;
	v21 =	vadd.bf16 v25, v30;
	v30 =	vld.idx.msk [tilespmem:v13+s29+$0x0], $0xffff  }
0x256: {  	v8 =	vunpack.i.u.bf16.f32 v8;
	v20 =	vshll.u32 v27, $0x5;
	v37 =	vld.idx.msk [tilespmem:v13+s26+$0x0], $0xffff;
	v13 =	vadd.bf16 v28, v31  }
0x257: {  	v25 =	vadd.bf16 v23, v11;
	[tilespmem:v32+s30+$0x0] =	vst.idx.msk $0xffff, v8;
	v28 =	vor.u32 v15, v20  }
0x258: {  	v8 =	vor.u32 v6, v34;
	v38 =	vor.u32 v12, v14;
	v23 =	vld.idx.msk [tilespmem:v19+s31+$0x0], $0xffff;
	v21 =	vadd.bf16 v24, v21  }
0x259: {  	v11 =	vor.u32 v33, v22;
	v24 =	vld.idx.msk [tilespmem:v19+s26+$0x0], $0xffff;
	v31 =	vadd.bf16 v13, v25;
	v22 =	vor.u32 v29, v8  }
0x25a: {  	v26 =	vor.u32 v9, v26;
	v32 =	vor.u32 v14, v10;
	v25 =	vld.idx.msk [tilespmem:v19+s29+$0x0], $0xffff;
	v39 =	vmul.bf16 v5, v21  }
0x25b: {  	v13 =	vand.u32 $0x78, v27;
	v27 =	vld.idx.msk [tilespmem:v19+s24+$0x0], $0xffff;
	v19 =	vor.u32 v29, v11;
	v21 =	vmul.bf16 v5, v31  }
0x25c: {  	v16 =	vand.u32 $0x78, v16;
	v33 =	vadd.bf16 v35, v30;
	v30 =	vld.idx.msk [tilespmem:v28+s31+$0x0], $0xffff;
	v29 =	vunpack.i.l.bf16.f32 v39  }
0x25d: {  	s4 =	simm.s32 $0x50;
	s1 =	simm.s32 $0x60;
	v34 =	vadd.bf16 v37, v36;
	v35 =	vunpack.i.u.bf16.f32 v39;
	v31 =	vld.idx.msk [tilespmem:v28+s24+$0x0], $0xffff;
	[tilespmem:v38+s30+$0x0] =	vst.idx.msk $0xffff, v29;
	v29 =	vunpack.i.l.bf16.f32 v21  }
.LBB2_16:
0x25e: {  	p1 =	sne.s32 s1, $0x70;
	v36 =	vor.u32 s4, v0;
	v37 =	vld.idx.msk [tilespmem:v28+s29+$0x0], $0xffff;
	[tilespmem:v22+s30+$0x0] =	vst.idx.msk $0xffff, v29;
	s4 =	smov.u32 s1;
	s1 =	sadd.s32 $0x10, s1  }
0x25f: {  	v22 =	vadd.bf16 v23, v25;
	v21 =	vunpack.i.u.bf16.f32 v21;
	v29 =	vshll.u32 v36, $0x5;
	v38 =	vld.idx.msk [tilespmem:v28+s26+$0x0], $0xffff;
	[tilespmem:v32+s30+$0x0] =	vst.idx.msk $0xffff, v35  }
0x260: {  	v27 =	vadd.bf16 v24, v27;
	v28 =	vor.u32 v15, v29;
	v23 =	vld.idx.msk [tilespmem:v26+s31+$0x0], $0xffff;
	[tilespmem:v19+s30+$0x0] =	vst.idx.msk $0xffff, v21  }
0x261: {  	v39 =	vor.u32 v12, v16;
	v36 =	vand.u32 $0x78, v36;
	v19 =	vadd.bf16 v33, v34;
	v24 =	vld.idx.msk [tilespmem:v26+s26+$0x0], $0xffff  }
.Ltmp6:
0x262: {  	v21 =	vadd.bf16 v22, v27;
	v22 =	vor.u32 v17, v8;
	v25 =	vld.idx.msk [tilespmem:v26+s29+$0x0], $0xffff;
	(pc) =	sbr.rel @p1 .LBB2_16-.Ltmp6, $4  }
0x263: {  	v32 =	vor.u32 v16, v10;
	v40 =	vmul.bf16 v5, v19;
	v19 =	vor.u32 v17, v11;
	v27 =	vld.idx.msk [tilespmem:v26+s24+$0x0], $0xffff  }
0x264: {  	v33 =	vadd.bf16 v30, v37;
	v26 =	vor.u32 v9, v18;
	v21 =	vmul.bf16 v5, v21;
	v18 =	vmovc v20  }
0x265: {  	v17 =	vmovc v14;
	v20 =	vmovc v29;
	v34 =	vadd.bf16 v38, v31;
	v35 =	vunpack.i.u.bf16.f32 v40;
	v37 =	vunpack.i.l.bf16.f32 v40;
	v30 =	vld.idx.msk [tilespmem:v28+s31+$0x0], $0xffff  }
0x266: {  	v14 =	vmovc v16;
	v16 =	vmov v13;
	v13 =	vmov v36;
	v29 =	vunpack.i.l.bf16.f32 v21;
	v31 =	vld.idx.msk [tilespmem:v28+s24+$0x0], $0xffff;
	[tilespmem:v39+s30+$0x0] =	vst.idx.msk $0xffff, v37  }
0x267: {  	v36 =	vor.u32 s4, v0  }
0x268: {  	v37 =	vshll.u32 v36, $0x5  }
0x269: {  	v15 =	vor.u32 v15, v37;
	_ =	sdelay $0x2  }
0x26a: {  	v38 =	vld.idx.msk [tilespmem:v28+s29+$0x0], $0xffff  }
0x26b: {  	v63 =	vld.idx.msk [tilespmem:v28+s26+$0x0], $0xffff  }
0x26c: {  	v39 =	vld.idx.msk [tilespmem:v15+s31+$0x0], $0xffff  }
0x26d: {  	v33 =	vadd.bf16 v33, v34;
	v45 =	vor.u32 v12, v16;
	v40 =	vld.idx.msk [tilespmem:v15+s24+$0x0], $0xffff  }
0x26e: {  	v41 =	vor.u32 v16, v10;
	v42 =	vld.idx.msk [tilespmem:v15+s29+$0x0], $0xffff  }
0x26f: {  	[tilespmem:v32+s30+$0x0] =	vst.idx.msk $0xffff, v35;
	v33 =	vmul.bf16 v5, v33;
	v15 =	vld.idx.msk [tilespmem:v15+s26+$0x0], $0xffff  }
0x270: {  	v18 =	vor.u32 v9, v18;
	v30 =	vadd.bf16 v30, v38;
	v28 =	vadd.bf16 v63, v31  }
0x271: {  	v48 =	vor.u32 v12, v13;
	v47 =	vld.idx.msk [tilespmem:v26+s31+$0x0], $0xffff;
	v46 =	vunpack.i.l.bf16.f32 v33  }
0x272: {  	v32 =	vld.idx.msk [tilespmem:v26+s26+$0x0], $0xffff;
	v33 =	vunpack.i.u.bf16.f32 v33;
	[tilespmem:v45+s30+$0x0] =	vst.idx.msk $0xffff, v46;
	v28 =	vadd.bf16 v30, v28  }
0x273: {  	v51 =	vor.u32 v13, v10;
	v20 =	vor.u32 v9, v20;
	v49 =	vld.idx.msk [tilespmem:v26+s29+$0x0], $0xffff;
	[tilespmem:v41+s30+$0x0] =	vst.idx.msk $0xffff, v33  }
0x274: {  	v52 =	vld.idx.msk [tilespmem:v26+s24+$0x0], $0xffff;
	v28 =	vmul.bf16 v5, v28;
	v50 =	vadd.bf16 v39, v42;
	v15 =	vadd.bf16 v15, v40  }
0x275: {  	v23 =	vadd.bf16 v23, v25;
	v25 =	vand.u32 $0x78, v36;
	v53 =	vld.idx.msk [tilespmem:v18+s31+$0x0], $0xffff  }
0x276: {  	v56 =	vor.u32 v12, v25;
	v54 =	vld.idx.msk [tilespmem:v18+s26+$0x0], $0xffff;
	v55 =	vunpack.i.l.bf16.f32 v28;
	v15 =	vadd.bf16 v50, v15  }
0x277: {  	v58 =	vor.u32 v25, v10;
	v57 =	vld.idx.msk [tilespmem:v18+s29+$0x0], $0xffff;
	v28 =	vunpack.i.u.bf16.f32 v28;
	[tilespmem:v48+s30+$0x0] =	vst.idx.msk $0xffff, v55  }
0x278: {  	v59 =	vor.u32 v9, v37;
	v18 =	vld.idx.msk [tilespmem:v18+s24+$0x0], $0xffff;
	[tilespmem:v51+s30+$0x0] =	vst.idx.msk $0xffff, v28;
	v15 =	vmul.bf16 v5, v15  }
0x279: {  	v28 =	vld.idx.msk [tilespmem:v20+s31+$0x0], $0xffff  }
0x27a: {  	v60 =	vld.idx.msk [tilespmem:v20+s26+$0x0], $0xffff;
	v61 =	vunpack.i.l.bf16.f32 v15  }
0x27b: {  	v24 =	vadd.bf16 v24, v27;
	v63 =	vld.idx.msk [tilespmem:v20+s29+$0x0], $0xffff;
	v15 =	vunpack.i.u.bf16.f32 v15;
	[tilespmem:v56+s30+$0x0] =	vst.idx.msk $0xffff, v61  }
0x27c: {  	v20 =	vld.idx.msk [tilespmem:v20+s24+$0x0], $0xffff;
	[tilespmem:v58+s30+$0x0] =	vst.idx.msk $0xffff, v15  }
0x27d: {  	v62 =	vor.u32 v17, v8;
	v23 =	vadd.bf16 v23, v24;
	v15 =	vld.idx.msk [tilespmem:v59+s31+$0x0], $0xffff  }
0x27e: {  	v43 =	vor.u32 v14, v8;
	v26 =	vadd.bf16 v32, v52;
	v40 =	vadd.bf16 v47, v49;
	v44 =	vld.idx.msk [tilespmem:v59+s26+$0x0], $0xffff  }
0x27f: {  	v41 =	vor.u32 v17, v11;
	v45 =	vadd.bf16 v53, v57;
	v18 =	vadd.bf16 v54, v18;
	v46 =	vld.idx.msk [tilespmem:v59+s29+$0x0], $0xffff  }
0x280: {  	v42 =	vmul.bf16 v5, v23;
	v48 =	vor.u32 v14, v11;
	v53 =	vor.u32 v16, v8;
	v9 =	vld.idx.msk [tilespmem:v59+s24+$0x0], $0xffff  }
0x281: {  	v54 =	vor.u32 v16, v11;
	v12 =	vadd.bf16 v40, v26;
	v18 =	vadd.bf16 v45, v18  }
0x282: {  	[tilespmem:v22+s30+$0x0] =	vst.idx.msk $0xffff, v29;
	v47 =	vunpack.i.l.bf16.f32 v42;
	v50 =	vadd.bf16 v28, v63;
	v51 =	vadd.bf16 v60, v20  }
0x283: {  	v55 =	vor.u32 v13, v8;
	v17 =	vunpack.i.u.bf16.f32 v42;
	[tilespmem:v62+s30+$0x0] =	vst.idx.msk $0xffff, v47;
	v12 =	vmul.bf16 v5, v12  }
0x284: {  	v21 =	vunpack.i.u.bf16.f32 v21;
	[tilespmem:v41+s30+$0x0] =	vst.idx.msk $0xffff, v17;
	v18 =	vmul.bf16 v5, v18;
	v17 =	vadd.bf16 v50, v51  }
0x285: {  	[tilespmem:v19+s30+$0x0] =	vst.idx.msk $0xffff, v21;
	v49 =	vunpack.i.l.bf16.f32 v12;
	v15 =	vadd.bf16 v15, v46;
	v9 =	vadd.bf16 v44, v9  }
0x286: {  	v57 =	vor.u32 v13, v11;
	v8 =	vor.u32 v25, v8;
	v52 =	vunpack.i.u.bf16.f32 v12;
	[tilespmem:v43+s30+$0x0] =	vst.idx.msk $0xffff, v49  }
0x287: {  	s7 =	sadd.s32 $0x1, s7;
	v56 =	vunpack.i.l.bf16.f32 v18;
	[tilespmem:v48+s30+$0x0] =	vst.idx.msk $0xffff, v52;
	v58 =	vmul.bf16 v5, v17;
	v9 =	vadd.bf16 v15, v9  }
0x288: {  	p1 =	sne.s32 s7, $0x10;
	v60 =	vor.u32 v25, v11;
	[tilespmem:v53+s30+$0x0] =	vst.idx.msk $0xffff, v56;
	v59 =	vunpack.i.u.bf16.f32 v18  }
.Ltmp7:
0x289: {  	[tilespmem:v54+s30+$0x0] =	vst.idx.msk $0xffff, v59;
	v61 =	vunpack.i.l.bf16.f32 v58;
	v9 =	vmul.bf16 v5, v9;
	(pc) =	sbr.rel @p1 .LBB2_15-.Ltmp7, $4  }
0x28a: {  	v62 =	vunpack.i.u.bf16.f32 v58;
	[tilespmem:v55+s30+$0x0] =	vst.idx.msk $0xffff, v61  }
0x28b: {  	[tilespmem:v57+s30+$0x0] =	vst.idx.msk $0xffff, v62;
	v63 =	vunpack.i.l.bf16.f32 v9  }
0x28c: {  	[tilespmem:v8+s30+$0x0] =	vst.idx.msk $0xffff, v63;
	v8 =	vunpack.i.u.bf16.f32 v9  }
0x28d: {  	[tilespmem:v60+s30+$0x0] =	vst.idx.msk $0xffff, v8  }
0x28e: {  	s7 =	rddreg [dreg:$0x1b]  }
0x28f: {  	s4 =	rddreg [dreg:$0x9];
	s1 =	sadd.s32 $0xFFFFFCE0, s7  }
0x290: {  	s5 =	rddreg [dreg:$0x1c];
	v8 =	vadd.s32 s1, v1  }
0x291: {  	s4 =	sadd.s32 s4, s5;
	v9 =	vadd.s32 s1, v3  }
0x292: {  	v10 =	vadd.s32 s7, v1;
	s4 =	sshrl.u32 s4, $0x3  }
0x293: {  	s8 =	simm.s32 $0x8000;
	s5 =	simm.s32 $0x400;
	s1 =	sadd.s32 s23, s4  }
0x294: {  	[hbm4b:s1+s5] =	stream.strided.scatter [tilespmem:s30], [sflag:$0x5], $0x2000, s8, s5, $0x38;
	[tilespmem:$0x19B00] =	vst v63  }
0x295: {  	v8 =	vld.idx.msk [tilespmem:v8+s2+$0x0], $0xffff  }
0x296: {  	v9 =	vld.idx.msk [tilespmem:v9+s2+$0x0], $0xffff  }
0x297: {  	v10 =	vld.idx.msk [tilespmem:v10+s2+$0x0], $0xffff;
	_ =	sdelay $0x1  }
0x298: {  	s4 =	sadd.s32 $0x640, s7  }
0x299: {  	s12 =	sadd.s32 $0xFFFFFCE0, s4;
	v18 =	vadd.s32 s4, v1;
	v8 =	vshll.u32 v8, $0xA  }
0x29a: {  	v19 =	vadd.s32 s4, v3;
	v21 =	vadd.s32 s12, v1;
	v8 =	vor.u32 v9, v8  }
0x29b: {  	v10 =	vshll.u32 v10, $0xA;
	v9 =	vadd.s32 s7, v3;
	v11 =	vxor.u32 $0x9E3779B9, v8  }
0x29c: {  	v13 =	vxor.u32 $0xBF58476D, v8;
	v14 =	vxor.u32 $0x94D049BB, v8;
	v12 =	vshrl.u32 v11, $0x10  }
0x29d: {  	v8 =	vxor.u32 $0xC1B53C1A, v8;
	v11 =	vxor.u32 v11, v12;
	v12 =	vshrl.u32 v13, $0x10  }
0x29e: {  	v18 =	vld.idx.msk [tilespmem:v18+s2+$0x0], $0xffff;
	v11 =	vmul.u32 $0x7FEB352D, v11;
	v12 =	vxor.u32 v13, v12;
	v13 =	vshrl.u32 v14, $0x10  }
0x29f: {  	v12 =	vmul.u32 $0x7FEB352D, v12;
	v13 =	vxor.u32 v14, v13;
	v14 =	vshrl.u32 v8, $0x10  }
0x2a0: {  	v9 =	vld.idx.msk [tilespmem:v9+s2+$0x0], $0xffff;
	v15 =	vshrl.u32 v11, $0xF;
	v13 =	vmul.u32 $0x7FEB352D, v13;
	v8 =	vxor.u32 v8, v14  }
0x2a1: {  	v11 =	vxor.u32 v11, v15;
	v14 =	vshrl.u32 v12, $0xF;
	v8 =	vmul.u32 $0x7FEB352D, v8  }
0x2a2: {  	v11 =	vmul.u32 $0x846CA68B, v11;
	v12 =	vxor.u32 v12, v14;
	v14 =	vshrl.u32 v13, $0xF  }
0x2a3: {  	v18 =	vshll.u32 v18, $0xA;
	v12 =	vmul.u32 $0x846CA68B, v12;
	v13 =	vxor.u32 v13, v14  }
0x2a4: {  	v14 =	vshrl.u32 v8, $0xF;
	v15 =	vshrl.u32 v11, $0x10;
	v13 =	vmul.u32 $0x846CA68B, v13  }
0x2a5: {  	v8 =	vxor.u32 v8, v14;
	v9 =	vor.u32 v9, v10;
	v10 =	vxor.u32 v11, v15  }
0x2a6: {  	v8 =	vmul.u32 $0x846CA68B, v8;
	v11 =	vshrl.u32 v12, $0x10;
	v15 =	vxor.u32 $0x94D049BB, v9  }
0x2a7: {  	v10 =	vand.u32 $0x1FFF, v10;
	v14 =	vshrl.u32 v13, $0x10;
	v11 =	vxor.u32 v12, v11  }
0x2a8: {  	v20 =	vshrl.u32 v15, $0x10;
	v12 =	vxor.u32 v13, v14;
	v13 =	vshrl.u32 v8, $0x10  }
0x2a9: {  	v15 =	vxor.u32 v15, v20;
	v8 =	vxor.u32 v8, v13;
	v13 =	vxor.u32 $0x9E3779B9, v9  }
0x2aa: {  	v15 =	vmul.u32 $0x7FEB352D, v15;
	v14 =	vand.u32 $0x1FFF, v8;
	v8 =	vxor.u32 $0xBF58476D, v9  }
0x2ab: {  	v16 =	vshrl.u32 v13, $0x10;
	v9 =	vxor.u32 $0xC1B53C1A, v9;
	v17 =	vshrl.u32 v8, $0x10  }
0x2ac: {  	v13 =	vxor.u32 v13, v16;
	v16 =	vadd.s32 s12, v3;
	v8 =	vxor.u32 v8, v17  }
0x2ad: {  	v13 =	vmul.u32 $0x7FEB352D, v13;
	v17 =	vshrl.u32 v9, $0x10;
	v8 =	vmul.u32 $0x7FEB352D, v8  }
0x2ae: {  	v11 =	vand.u32 $0x1FFF, v11;
	v51 =	vshrl.u32 v15, $0xF;
	v9 =	vxor.u32 v9, v17  }
0x2af: {  	v17 =	vshrl.u32 v13, $0xF;
	v9 =	vmul.u32 $0x7FEB352D, v9;
	v50 =	vshrl.u32 v8, $0xF  }
0x2b0: {  	v15 =	vxor.u32 v15, v51;
	v13 =	vxor.u32 v13, v17;
	v17 =	vld.idx.msk [tilespmem:v21+s2+$0x0], $0xffff;
	v8 =	vxor.u32 v8, v50  }
0x2b1: {  	v13 =	vmul.u32 $0x846CA68B, v13;
	v52 =	vshrl.u32 v9, $0xF;
	v16 =	vld.idx.msk [tilespmem:v16+s2+$0x0], $0xffff;
	v8 =	vmul.u32 $0x846CA68B, v8  }
0x2b2: {  	v19 =	vld.idx.msk [tilespmem:v19+s2+$0x0], $0xffff;
	v12 =	vand.u32 $0x1FFF, v12;
	v15 =	vmul.u32 $0x846CA68B, v15;
	v9 =	vxor.u32 v9, v52  }
0x2b3: {  	v53 =	vshrl.u32 v13, $0x10;
	v54 =	vmul.u32 $0x846CA68B, v9;
	v9 =	vshrl.u32 v8, $0x10  }
0x2b4: {  	v55 =	vshrl.u32 v15, $0x10;
	v13 =	vxor.u32 v13, v53;
	v22 =	vxor.u32 v8, v9  }
0x2b5: {  	v8 =	vshrl.u32 v54, $0x10;
	v17 =	vshll.u32 v17, $0xA;
	v9 =	vxor.u32 v15, v55  }
0x2b6: {  	v13 =	vand.u32 $0x1FFF, v13;
	v15 =	vor.u32 v16, v17;
	v8 =	vxor.u32 v54, v8  }
0x2b7: {  	v17 =	vor.u32 v19, v18;
	v56 =	vand.u32 $0x1FFF, v22;
	v16 =	vxor.u32 $0x9E3779B9, v15  }
0x2b8: {  	v58 =	vxor.u32 $0xBF58476D, v15;
	v59 =	vxor.u32 $0x94D049BB, v15;
	v57 =	vshrl.u32 v16, $0x10  }
0x2b9: {  	v15 =	vxor.u32 $0xC1B53C1A, v15;
	v60 =	vshrl.u32 v58, $0x10;
	v16 =	vxor.u32 v16, v57  }
0x2ba: {  	v61 =	vshrl.u32 v59, $0x10;
	v19 =	vxor.u32 v58, v60;
	v16 =	vmul.u32 $0x7FEB352D, v16  }
0x2bb: {  	s13 =	rddreg [dreg:$0x1a];
	v62 =	vshrl.u32 v15, $0x10;
	v20 =	vxor.u32 v59, v61;
	v19 =	vmul.u32 $0x7FEB352D, v19  }
0x2bc: {  	[tilespmem:s13+$0xFFFFFFF0] =	vst v10;
	v15 =	vxor.u32 v15, v62;
	v20 =	vmul.u32 $0x7FEB352D, v20;
	v63 =	vshrl.u32 v16, $0xF  }
0x2bd: {  	s25 =	rddreg [dreg:$0x19];
	v15 =	vmul.u32 $0x7FEB352D, v15;
	v10 =	vxor.u32 v16, v63;
	v16 =	vshrl.u32 v19, $0xF  }
0x2be: {  	[tilespmem:s25+$0xFFFFFFF0] =	vst v11;
	v10 =	vmul.u32 $0x846CA68B, v10;
	v11 =	vxor.u32 v19, v16;
	v16 =	vshrl.u32 v20, $0xF  }
0x2bf: {  	[tilespmem:s19+$0xFFFFFFF0] =	vst v12;
	v11 =	vmul.u32 $0x846CA68B, v11;
	v12 =	vxor.u32 v20, v16;
	v16 =	vshrl.u32 v15, $0xF  }
0x2c0: {  	[tilespmem:s14+$0xFFFFFFF0] =	vst v14;
	v14 =	vshrl.u32 v10, $0x10;
	v12 =	vmul.u32 $0x846CA68B, v12;
	v15 =	vxor.u32 v15, v16  }
0x2c1: {  	[tilespmem:s13+$0x0] =	vst v13;
	v10 =	vxor.u32 v10, v14;
	v13 =	vshrl.u32 v11, $0x10;
	v14 =	vmul.u32 $0x846CA68B, v15  }
0x2c2: {  	s7 =	sadd.s32 $0x20, s13;
	[tilespmem:s25+$0x0] =	vst v56;
	v10 =	vand.u32 $0x1FFF, v10;
	v11 =	vxor.u32 v11, v13;
	v13 =	vshrl.u32 v12, $0x10  }
0x2c3: {  	p1 =	slt.s32 s28, $0x2C;
	s12 =	sadd.s32 $0x20, s25;
	[tilespmem:s7+$0xFFFFFFF0] =	vst v10;
	v10 =	vand.u32 $0x1FFF, v11;
	v11 =	vxor.u32 v12, v13;
	v12 =	vshrl.u32 v14, $0x10  }
0x2c4: {  	s28 =	simm.s32 @!p1 $0x2C;
	s13 =	sadd.s32 $0x20, s19;
	[tilespmem:s12+$0xFFFFFFF0] =	vst v10;
	v11 =	vand.u32 $0x1FFF, v11;
	v12 =	vxor.u32 v14, v12;
	v10 =	vxor.u32 $0x9E3779B9, v17  }
0x2c5: {  	s8 =	sadd.s32 $0x20, s14;
	[tilespmem:s13+$0xFFFFFFF0] =	vst v11;
	v13 =	vand.u32 $0x1FFF, v12;
	v12 =	vxor.u32 $0xBF58476D, v17;
	v11 =	vxor.u32 $0x94D049BB, v17  }
0x2c6: {  	s1 =	simm.s32 $0x2;
	s4 =	sadd.s32 $0x640, s4;
	s25 =	sadd.s32 $0x4, s28;
	v15 =	vshrl.u32 v10, $0x10;
	[tilespmem:s8+$0xFFFFFFF0] =	vst v13;
	v14 =	vshrl.u32 v12, $0x10;
	v13 =	vxor.u32 $0xC1B53C1A, v17  }
.LBB2_19:
0x2c7: {  	s5 =	sadd.s32 $0xFFFFFCE0, s4;
	v16 =	vadd.s32 s4, v1;
	v17 =	vadd.s32 s4, v3;
	v18 =	vshrl.u32 v11, $0x10  }
0x2c8: {  	v10 =	vxor.u32 v10, v15;
	v15 =	vshrl.u32 v13, $0x10;
	v19 =	vadd.s32 s5, v1  }
0x2c9: {  	v12 =	vxor.u32 v12, v14;
	v20 =	vadd.s32 s5, v3;
	v11 =	vxor.u32 v11, v18  }
0x2ca: {  	s1 =	sadd.s32 $0x2, s1;
	v10 =	vmul.u32 $0x7FEB352D, v10;
	v12 =	vmul.u32 $0x7FEB352D, v12;
	v13 =	vxor.u32 v13, v15  }
0x2cb: {  	v9 =	vand.u32 $0x1FFF, v9;
	p1 =	slt.u32 s1, $0x6;
	v11 =	vmul.u32 $0x7FEB352D, v11;
	v13 =	vmul.u32 $0x7FEB352D, v13  }
0x2cc: {  	v8 =	vand.u32 $0x1FFF, v8;
	v15 =	vshrl.u32 v10, $0xF;
	v14 =	vld.idx.msk [tilespmem:v16+s2+$0x0], $0xffff;
	v16 =	vshrl.u32 v12, $0xF;
	[tilespmem:s19+$0x0] =	vst v9;
	s19 =	smov.u32 s13  }
0x2cd: {  	v10 =	vxor.u32 v10, v15;
	v15 =	vshrl.u32 v11, $0xF;
	v18 =	vshrl.u32 v13, $0xF;
	v9 =	vld.idx.msk [tilespmem:v19+s2+$0x0], $0xffff;
	[tilespmem:s14+$0x0] =	vst v8;
	s14 =	smov.u32 s8  }
0x2ce: {  	v11 =	vxor.u32 v11, v15;
	v13 =	vxor.u32 v13, v18;
	v12 =	vxor.u32 v12, v16;
	v8 =	vld.idx.msk [tilespmem:v20+s2+$0x0], $0xffff  }
0x2cf: {  	v10 =	vmul.u32 $0x846CA68B, v10;
	v11 =	vmul.u32 $0x846CA68B, v11;
	v12 =	vmul.u32 $0x846CA68B, v12;
	v15 =	vld.idx.msk [tilespmem:v17+s2+$0x0], $0xffff  }
0x2d0: {  	v13 =	vmul.u32 $0x846CA68B, v13  }
0x2d1: {  	v16 =	vshrl.u32 v10, $0x10;
	v18 =	vshrl.u32 v11, $0x10;
	v17 =	vshrl.u32 v12, $0x10  }
0x2d2: {  	v10 =	vxor.u32 v10, v16;
	v16 =	vshrl.u32 v13, $0x10;
	v14 =	vshll.u32 v14, $0xA  }
0x2d3: {  	v12 =	vxor.u32 v12, v17;
	v19 =	vshll.u32 v9, $0xA;
	v9 =	vxor.u32 v11, v18  }
0x2d4: {  	v10 =	vand.u32 $0x1FFF, v10;
	v11 =	vor.u32 v8, v19;
	v8 =	vxor.u32 v13, v16  }
0x2d5: {  	v13 =	vxor.u32 $0x9E3779B9, v11;
	v16 =	vor.u32 v15, v14;
	[tilespmem:s7+$0x0] =	vst v10;
	v10 =	vand.u32 $0x1FFF, v12  }
0x2d6: {  	v14 =	vxor.u32 $0xBF58476D, v11;
	v15 =	vxor.u32 $0x94D049BB, v11;
	v12 =	vshrl.u32 v13, $0x10;
	[tilespmem:s12+$0x0] =	vst v10  }
0x2d7: {  	v11 =	vxor.u32 $0xC1B53C1A, v11;
	v10 =	vxor.u32 v13, v12;
	v12 =	vshrl.u32 v14, $0x10  }
0x2d8: {  	v13 =	vshrl.u32 v15, $0x10;
	v10 =	vmul.u32 $0x7FEB352D, v10;
	v12 =	vxor.u32 v14, v12  }
0x2d9: {  	v13 =	vxor.u32 v15, v13;
	v14 =	vshrl.u32 v11, $0x10;
	v12 =	vmul.u32 $0x7FEB352D, v12  }
0x2da: {  	v13 =	vmul.u32 $0x7FEB352D, v13;
	v11 =	vxor.u32 v11, v14;
	v15 =	vshrl.u32 v10, $0xF  }
0x2db: {  	v11 =	vmul.u32 $0x7FEB352D, v11;
	v10 =	vxor.u32 v10, v15;
	v14 =	vshrl.u32 v12, $0xF  }
0x2dc: {  	v10 =	vmul.u32 $0x846CA68B, v10;
	v12 =	vxor.u32 v12, v14;
	v14 =	vshrl.u32 v13, $0xF  }
0x2dd: {  	v12 =	vmul.u32 $0x846CA68B, v12;
	v13 =	vxor.u32 v13, v14;
	v14 =	vshrl.u32 v11, $0xF  }
0x2de: {  	v15 =	vshrl.u32 v10, $0x10;
	v13 =	vmul.u32 $0x846CA68B, v13;
	v11 =	vxor.u32 v11, v14  }
0x2df: {  	v10 =	vxor.u32 v10, v15;
	v14 =	vshrl.u32 v12, $0x10;
	v11 =	vmul.u32 $0x846CA68B, v11  }
.Ltmp8:
0x2e0: {  	s7 =	sadd.s32 $0x20, s7;
	v10 =	vand.u32 $0x1FFF, v10;
	v12 =	vxor.u32 v12, v14;
	v14 =	vshrl.u32 v13, $0x10;
	(pc) =	sbr.rel @p1 .LBB2_19-.Ltmp8, $4  }
0x2e1: {  	s12 =	sadd.s32 $0x20, s12;
	[tilespmem:s7+$0xFFFFFFF0] =	vst v10;
	v10 =	vand.u32 $0x1FFF, v12;
	v12 =	vxor.u32 v13, v14;
	v13 =	vshrl.u32 v11, $0x10  }
0x2e2: {  	s13 =	sadd.s32 $0x20, s13;
	[tilespmem:s12+$0xFFFFFFF0] =	vst v10;
	v12 =	vand.u32 $0x1FFF, v12;
	v11 =	vxor.u32 v11, v13;
	v10 =	vxor.u32 $0x9E3779B9, v16  }
0x2e3: {  	s8 =	sadd.s32 $0x20, s8;
	[tilespmem:s13+$0xFFFFFFF0] =	vst v12;
	v13 =	vand.u32 $0x1FFF, v11;
	v12 =	vxor.u32 $0xBF58476D, v16;
	v11 =	vxor.u32 $0x94D049BB, v16  }
0x2e4: {  	s4 =	sadd.s32 $0x640, s4;
	v15 =	vshrl.u32 v10, $0x10;
	[tilespmem:s8+$0xFFFFFFF0] =	vst v13;
	v14 =	vshrl.u32 v12, $0x10;
	v13 =	vxor.u32 $0xC1B53C1A, v16  }
0x2e5: {  	v16 =	vshrl.u32 v11, $0x10;
	v10 =	vxor.u32 v10, v15;
	v54 =	vshrl.u32 v13, $0x10  }
0x2e6: {  	v12 =	vxor.u32 v12, v14;
	v9 =	vand.u32 $0x1FFF, v9;
	v10 =	vmul.u32 $0x7FEB352D, v10  }
0x2e7: {  	v8 =	vand.u32 $0x1FFF, v8;
	v11 =	vxor.u32 v11, v16;
	v12 =	vmul.u32 $0x7FEB352D, v12  }
0x2e8: {  	v13 =	vxor.u32 v13, v54;
	v11 =	vmul.u32 $0x7FEB352D, v11;
	v55 =	vshrl.u32 v10, $0xF  }
0x2e9: {  	v13 =	vmul.u32 $0x7FEB352D, v13;
	v56 =	vshrl.u32 v12, $0xF;
	v10 =	vxor.u32 v10, v55  }
0x2ea: {  	v57 =	vshrl.u32 v11, $0xF;
	v12 =	vxor.u32 v12, v56;
	v10 =	vmul.u32 $0x846CA68B, v10  }
0x2eb: {  	v58 =	vshrl.u32 v13, $0xF;
	v11 =	vxor.u32 v11, v57;
	v12 =	vmul.u32 $0x846CA68B, v12  }
0x2ec: {  	v13 =	vxor.u32 v13, v58;
	v11 =	vmul.u32 $0x846CA68B, v11;
	v59 =	vshrl.u32 v10, $0x10  }
0x2ed: {  	[tilespmem:s19+$0x0] =	vst v9;
	v60 =	vmul.u32 $0x846CA68B, v13;
	v61 =	vshrl.u32 v12, $0x10;
	v10 =	vxor.u32 v10, v59  }
0x2ee: {  	[tilespmem:s14+$0x0] =	vst v8;
	v8 =	vshrl.u32 v11, $0x10;
	v12 =	vxor.u32 v12, v61;
	v10 =	vand.u32 $0x1FFF, v10  }
0x2ef: {  	v62 =	vshrl.u32 v60, $0x10;
	v8 =	vxor.u32 v11, v8;
	v63 =	vand.u32 $0x1FFF, v12;
	[tilespmem:s7+$0x0] =	vst v10  }
0x2f0: {  	v9 =	vxor.u32 v60, v62;
	v8 =	vand.u32 $0x1FFF, v8;
	[tilespmem:s12+$0x0] =	vst v63  }
0x2f1: {  	[tilespmem:s13+$0x0] =	vst v8;
	v8 =	vand.u32 $0x1FFF, v9  }
0x2f2: {  	s1 =	sshll.u32 s25, $0x7;
	[tilespmem:s8+$0x0] =	vst v8  }
0x2f3: {  	s4 =	sadd.s32 $0x1900, s1;
	s8 =	simm.s32 $0x80;
	s5 =	rddreg [dreg:$0x3]  }
0x2f4: {  	[tilespmem:s24], [sflag:$0x2] =	stream.indirect.gather [hbm4b:s5+s8], $0x20, s4, s8, $0xb8;
	[tilespmem:$0x19B00] =	vst v63  }
0x2f5: {  	s12 =	sadd.s32 $0x3180, s1;
	s13 =	rddreg [dreg:$0x4]  }
0x2f6: {  	[tilespmem:s26], [sflag:$0x2] =	stream.indirect.gather [hbm4b:s13+s8], $0x20, s12, s8, $0xb8;
	[tilespmem:$0x19B00] =	vst v63  }
0x2f7: {  	s14 =	sadd.s32 $0x4A00, s1;
	s19 =	rddreg [dreg:$0x5]  }
0x2f8: {  	[tilespmem:s29], [sflag:$0x2] =	stream.indirect.gather [hbm4b:s19+s8], $0x20, s14, s8, $0xb8;
	[tilespmem:$0x19B00] =	vst v63  }
0x2f9: {  	s28 =	simm.s32 $0x3;
	s1 =	sadd.s32 $0x6280, s1;
	s25 =	rddreg [dreg:$0x6]  }
0x2fa: {  	[tilespmem:s31], [sflag:$0x2] =	stream.indirect.gather [hbm4b:s25+s8], $0x20, s1, s8, $0xb8;
	[tilespmem:$0x19B00] =	vst v63  }
0x2fb: {  	_ =	swait.ge [sflag:s28], $0x1000  }
0x2fc: {  	[sflag:s28] =	ssyncset.done $0x0  }
0x2fd: {  	[sflag:s28] =	ssyncadd.s32 $0xFFFFF000  }
0x2fe: {  	_ =	swait.ge [sflag:s28], $0x1000  }
0x2ff: {  	[sflag:s28] =	ssyncset.done $0x0  }
0x300: {  	[sflag:s28] =	ssyncadd.s32 $0xFFFFF000  }
0x301: {  	_ =	swait.ge [sflag:s28], $0x1000  }
0x302: {  	[sflag:s28] =	ssyncset.done $0x0  }
0x303: {  	[sflag:s28] =	ssyncadd.s32 $0xFFFFF000  }
0x304: {  	_ =	swait.ge [sflag:s28], $0x1000  }
0x305: {  	[sflag:s28] =	ssyncset.done $0x0  }
0x306: {  	s1 =	simm.s32 @!p0 $0x6;
	[sflag:s28] =	ssyncadd.s32 $0xFFFFF000  }
0x307: {  	_ =	swait.ge @!p0 [sflag:s1], $0x2000  }
0x308: {  	s7 =	simm.s32 $0x0;
	[sflag:s1] =	ssyncset.done @!p0 $0x0  }
0x309: {  	s12 =	simm.s32 $0x0;
	s13 =	rddreg [dreg:$0xe];
	[sflag:s1] =	ssyncadd.s32 @!p0 $0xFFFFE000  }
.LBB2_21:
0x30a: {  	v8 =	vadd.s32 s12, v0;
	v9 =	vor.u32 s7, v0  }
0x30b: {  	v15 =	vand.u32 $0xF, v8;
	v11 =	vshll.u32 v9, $0x5  }
0x30c: {  	v10 =	vor.u32 v15, v11;
	_ =	sdelay $0x4  }
0x30d: {  	s1 =	simm.s32 $0x10;
	v12 =	vld.idx.msk [tilespmem:v10+s17+$0x0], $0xffff  }
0x30e: {  	v14 =	vor.u32 s1, v0;
	v13 =	vld.idx.msk [tilespmem:v10+s0+$0x0], $0xffff  }
0x30f: {  	v19 =	vshll.u32 v14, $0x5;
	v16 =	vld.idx.msk [tilespmem:v10+s15+$0x0], $0xffff  }
0x310: {  	v17 =	vor.u32 v15, v19;
	v10 =	vld.idx.msk [tilespmem:v10+s3+$0x0], $0xffff;
	_ =	sdelay $0x1  }
0x311: {  	s19 =	simm.s32 $0x20  }
0x312: {  	v18 =	vshll.u32 v8, $0x8;
	v21 =	vor.u32 s19, v0;
	v29 =	vand.u32 $0x78, v9  }
0x313: {  	v9 =	vor.u32 $0x10, v8;
	v20 =	vand.u32 $0x300, v18;
	v23 =	vand.u32 $0xF00, v18  }
0x314: {  	v26 =	vshll.u32 v21, $0x5;
	v24 =	vld.idx.msk [tilespmem:v17+s17+$0x0], $0xffff;
	v16 =	vadd.bf16 v12, v16;
	v13 =	vadd.bf16 v10, v13  }
0x315: {  	v22 =	vor.u32 v7, v20;
	v25 =	vor.u32 v15, v26;
	v8 =	vld.idx.msk [tilespmem:v17+s3+$0x0], $0xffff;
	v12 =	vor.u32 v6, v23  }
0x316: {  	v10 =	vand.u32 $0xC00, v18;
	v23 =	vld.idx.msk [tilespmem:v17+s15+$0x0], $0xffff;
	v13 =	vadd.bf16 v16, v13;
	v16 =	vor.u32 v12, v29  }
0x317: {  	v18 =	vld.idx.msk [tilespmem:v17+s0+$0x0], $0xffff;
	v10 =	vor.u32 v22, v10  }
0x318: {  	v17 =	vor.u32 v29, v10;
	v13 =	vmul.bf16 v5, v13  }
0x319: {  	v11 =	vor.u32 v9, v11  }
0x31a: {  	s25 =	simm.s32 $0x30;
	v27 =	vld.idx.msk [tilespmem:v25+s17+$0x0], $0xffff;
	v28 =	vunpack.i.l.bf16.f32 v13  }
0x31b: {  	v30 =	vld.idx.msk [tilespmem:v25+s0+$0x0], $0xffff;
	v23 =	vadd.bf16 v24, v23;
	[tilespmem:v16+s11+$0x0] =	vst.idx.msk $0xffff, v28;
	v16 =	vor.u32 s25, v0  }
0x31c: {  	v24 =	vld.idx.msk [tilespmem:v25+s15+$0x0], $0xffff;
	v8 =	vadd.bf16 v8, v18;
	v13 =	vunpack.i.u.bf16.f32 v13;
	v18 =	vshll.u32 v16, $0x5  }
0x31d: {  	v25 =	vld.idx.msk [tilespmem:v25+s3+$0x0], $0xffff;
	[tilespmem:v17+s11+$0x0] =	vst.idx.msk $0xffff, v13;
	v13 =	vor.u32 v15, v18  }
0x31e: {  	v17 =	vand.u32 $0x78, v14;
	v28 =	vld.idx.msk [tilespmem:v11+s17+$0x0], $0xffff  }
0x31f: {  	v8 =	vadd.bf16 v23, v8;
	v14 =	vor.u32 v12, v17;
	v23 =	vld.idx.msk [tilespmem:v11+s3+$0x0], $0xffff  }
0x320: {  	v31 =	vld.idx.msk [tilespmem:v11+s15+$0x0], $0xffff  }
0x321: {  	v33 =	vshll.u32 v9, $0x8;
	v32 =	vor.u32 v17, v10;
	v8 =	vmul.bf16 v5, v8;
	v11 =	vld.idx.msk [tilespmem:v11+s0+$0x0], $0xffff  }
0x322: {  	v33 =	vand.u32 $0x1C00, v33;
	v19 =	vor.u32 v9, v19;
	v35 =	vld.idx.msk [tilespmem:v13+s17+$0x0], $0xffff  }
0x323: {  	s28 =	simm.s32 $0x40;
	v34 =	vor.u32 v33, v20;
	v24 =	vadd.bf16 v27, v24;
	v20 =	vunpack.i.l.bf16.f32 v8;
	v36 =	vld.idx.msk [tilespmem:v13+s0+$0x0], $0xffff  }
0x324: {  	v27 =	vor.u32 s28, v0;
	[tilespmem:v14+s11+$0x0] =	vst.idx.msk $0xffff, v20;
	v14 =	vand.u32 $0x78, v21;
	v21 =	vadd.bf16 v25, v30;
	v30 =	vld.idx.msk [tilespmem:v13+s15+$0x0], $0xffff  }
0x325: {  	v8 =	vunpack.i.u.bf16.f32 v8;
	v20 =	vshll.u32 v27, $0x5;
	v37 =	vld.idx.msk [tilespmem:v13+s3+$0x0], $0xffff;
	v13 =	vadd.bf16 v28, v31  }
0x326: {  	v25 =	vadd.bf16 v23, v11;
	[tilespmem:v32+s11+$0x0] =	vst.idx.msk $0xffff, v8;
	v28 =	vor.u32 v15, v20  }
0x327: {  	v8 =	vor.u32 v6, v34;
	v38 =	vor.u32 v12, v14;
	v23 =	vld.idx.msk [tilespmem:v19+s17+$0x0], $0xffff;
	v21 =	vadd.bf16 v24, v21  }
0x328: {  	v11 =	vor.u32 v33, v22;
	v24 =	vld.idx.msk [tilespmem:v19+s3+$0x0], $0xffff;
	v31 =	vadd.bf16 v13, v25;
	v22 =	vor.u32 v29, v8  }
0x329: {  	v26 =	vor.u32 v9, v26;
	v32 =	vor.u32 v14, v10;
	v25 =	vld.idx.msk [tilespmem:v19+s15+$0x0], $0xffff;
	v39 =	vmul.bf16 v5, v21  }
0x32a: {  	v13 =	vand.u32 $0x78, v27;
	v27 =	vld.idx.msk [tilespmem:v19+s0+$0x0], $0xffff;
	v19 =	vor.u32 v29, v11;
	v21 =	vmul.bf16 v5, v31  }
0x32b: {  	v16 =	vand.u32 $0x78, v16;
	v33 =	vadd.bf16 v35, v30;
	v30 =	vld.idx.msk [tilespmem:v28+s17+$0x0], $0xffff;
	v29 =	vunpack.i.l.bf16.f32 v39  }
0x32c: {  	s4 =	simm.s32 $0x50;
	s1 =	simm.s32 $0x60;
	v34 =	vadd.bf16 v37, v36;
	v35 =	vunpack.i.u.bf16.f32 v39;
	v31 =	vld.idx.msk [tilespmem:v28+s0+$0x0], $0xffff;
	[tilespmem:v38+s11+$0x0] =	vst.idx.msk $0xffff, v29;
	v29 =	vunpack.i.l.bf16.f32 v21  }
.LBB2_22:
0x32d: {  	p0 =	sne.s32 s1, $0x70;
	v36 =	vor.u32 s4, v0;
	v37 =	vld.idx.msk [tilespmem:v28+s15+$0x0], $0xffff;
	[tilespmem:v22+s11+$0x0] =	vst.idx.msk $0xffff, v29;
	s4 =	smov.u32 s1;
	s1 =	sadd.s32 $0x10, s1  }
0x32e: {  	v22 =	vadd.bf16 v23, v25;
	v21 =	vunpack.i.u.bf16.f32 v21;
	v29 =	vshll.u32 v36, $0x5;
	v38 =	vld.idx.msk [tilespmem:v28+s3+$0x0], $0xffff;
	[tilespmem:v32+s11+$0x0] =	vst.idx.msk $0xffff, v35  }
0x32f: {  	v27 =	vadd.bf16 v24, v27;
	v28 =	vor.u32 v15, v29;
	v23 =	vld.idx.msk [tilespmem:v26+s17+$0x0], $0xffff;
	[tilespmem:v19+s11+$0x0] =	vst.idx.msk $0xffff, v21  }
0x330: {  	v39 =	vor.u32 v12, v16;
	v36 =	vand.u32 $0x78, v36;
	v19 =	vadd.bf16 v33, v34;
	v24 =	vld.idx.msk [tilespmem:v26+s3+$0x0], $0xffff  }
.Ltmp9:
0x331: {  	v21 =	vadd.bf16 v22, v27;
	v22 =	vor.u32 v17, v8;
	v25 =	vld.idx.msk [tilespmem:v26+s15+$0x0], $0xffff;
	(pc) =	sbr.rel @p0 .LBB2_22-.Ltmp9, $4  }
0x332: {  	v32 =	vor.u32 v16, v10;
	v40 =	vmul.bf16 v5, v19;
	v19 =	vor.u32 v17, v11;
	v27 =	vld.idx.msk [tilespmem:v26+s0+$0x0], $0xffff  }
0x333: {  	v33 =	vadd.bf16 v30, v37;
	v26 =	vor.u32 v9, v18;
	v21 =	vmul.bf16 v5, v21;
	v18 =	vmovc v20  }
0x334: {  	v17 =	vmovc v14;
	v20 =	vmovc v29;
	v34 =	vadd.bf16 v38, v31;
	v35 =	vunpack.i.u.bf16.f32 v40;
	v37 =	vunpack.i.l.bf16.f32 v40;
	v30 =	vld.idx.msk [tilespmem:v28+s17+$0x0], $0xffff  }
0x335: {  	v14 =	vmovc v16;
	v16 =	vmov v13;
	v13 =	vmov v36;
	v29 =	vunpack.i.l.bf16.f32 v21;
	v31 =	vld.idx.msk [tilespmem:v28+s0+$0x0], $0xffff;
	[tilespmem:v39+s11+$0x0] =	vst.idx.msk $0xffff, v37  }
0x336: {  	v36 =	vor.u32 s4, v0  }
0x337: {  	v37 =	vshll.u32 v36, $0x5  }
0x338: {  	v15 =	vor.u32 v15, v37;
	_ =	sdelay $0x2  }
0x339: {  	v38 =	vld.idx.msk [tilespmem:v28+s15+$0x0], $0xffff  }
0x33a: {  	v63 =	vld.idx.msk [tilespmem:v28+s3+$0x0], $0xffff  }
0x33b: {  	v39 =	vld.idx.msk [tilespmem:v15+s17+$0x0], $0xffff  }
0x33c: {  	v33 =	vadd.bf16 v33, v34;
	v45 =	vor.u32 v12, v16;
	v40 =	vld.idx.msk [tilespmem:v15+s0+$0x0], $0xffff  }
0x33d: {  	v41 =	vor.u32 v16, v10;
	v42 =	vld.idx.msk [tilespmem:v15+s15+$0x0], $0xffff  }
0x33e: {  	[tilespmem:v32+s11+$0x0] =	vst.idx.msk $0xffff, v35;
	v33 =	vmul.bf16 v5, v33;
	v15 =	vld.idx.msk [tilespmem:v15+s3+$0x0], $0xffff  }
0x33f: {  	v18 =	vor.u32 v9, v18;
	v30 =	vadd.bf16 v30, v38;
	v28 =	vadd.bf16 v63, v31  }
0x340: {  	v48 =	vor.u32 v12, v13;
	v47 =	vld.idx.msk [tilespmem:v26+s17+$0x0], $0xffff;
	v46 =	vunpack.i.l.bf16.f32 v33  }
0x341: {  	v32 =	vld.idx.msk [tilespmem:v26+s3+$0x0], $0xffff;
	v33 =	vunpack.i.u.bf16.f32 v33;
	[tilespmem:v45+s11+$0x0] =	vst.idx.msk $0xffff, v46;
	v28 =	vadd.bf16 v30, v28  }
0x342: {  	v51 =	vor.u32 v13, v10;
	v20 =	vor.u32 v9, v20;
	v49 =	vld.idx.msk [tilespmem:v26+s15+$0x0], $0xffff;
	[tilespmem:v41+s11+$0x0] =	vst.idx.msk $0xffff, v33  }
0x343: {  	v52 =	vld.idx.msk [tilespmem:v26+s0+$0x0], $0xffff;
	v28 =	vmul.bf16 v5, v28;
	v50 =	vadd.bf16 v39, v42;
	v15 =	vadd.bf16 v15, v40  }
0x344: {  	v23 =	vadd.bf16 v23, v25;
	v25 =	vand.u32 $0x78, v36;
	v53 =	vld.idx.msk [tilespmem:v18+s17+$0x0], $0xffff  }
0x345: {  	v56 =	vor.u32 v12, v25;
	v54 =	vld.idx.msk [tilespmem:v18+s3+$0x0], $0xffff;
	v55 =	vunpack.i.l.bf16.f32 v28;
	v15 =	vadd.bf16 v50, v15  }
0x346: {  	v58 =	vor.u32 v25, v10;
	v57 =	vld.idx.msk [tilespmem:v18+s15+$0x0], $0xffff;
	v28 =	vunpack.i.u.bf16.f32 v28;
	[tilespmem:v48+s11+$0x0] =	vst.idx.msk $0xffff, v55  }
0x347: {  	v59 =	vor.u32 v9, v37;
	v18 =	vld.idx.msk [tilespmem:v18+s0+$0x0], $0xffff;
	[tilespmem:v51+s11+$0x0] =	vst.idx.msk $0xffff, v28;
	v15 =	vmul.bf16 v5, v15  }
0x348: {  	v28 =	vld.idx.msk [tilespmem:v20+s17+$0x0], $0xffff  }
0x349: {  	v60 =	vld.idx.msk [tilespmem:v20+s3+$0x0], $0xffff;
	v61 =	vunpack.i.l.bf16.f32 v15  }
0x34a: {  	v24 =	vadd.bf16 v24, v27;
	v63 =	vld.idx.msk [tilespmem:v20+s15+$0x0], $0xffff;
	v15 =	vunpack.i.u.bf16.f32 v15;
	[tilespmem:v56+s11+$0x0] =	vst.idx.msk $0xffff, v61  }
0x34b: {  	v20 =	vld.idx.msk [tilespmem:v20+s0+$0x0], $0xffff;
	[tilespmem:v58+s11+$0x0] =	vst.idx.msk $0xffff, v15  }
0x34c: {  	v62 =	vor.u32 v17, v8;
	v23 =	vadd.bf16 v23, v24;
	v15 =	vld.idx.msk [tilespmem:v59+s17+$0x0], $0xffff  }
0x34d: {  	v43 =	vor.u32 v14, v8;
	v26 =	vadd.bf16 v32, v52;
	v40 =	vadd.bf16 v47, v49;
	v44 =	vld.idx.msk [tilespmem:v59+s3+$0x0], $0xffff  }
0x34e: {  	v41 =	vor.u32 v17, v11;
	v45 =	vadd.bf16 v53, v57;
	v18 =	vadd.bf16 v54, v18;
	v46 =	vld.idx.msk [tilespmem:v59+s15+$0x0], $0xffff  }
0x34f: {  	v42 =	vmul.bf16 v5, v23;
	v48 =	vor.u32 v14, v11;
	v53 =	vor.u32 v16, v8;
	v9 =	vld.idx.msk [tilespmem:v59+s0+$0x0], $0xffff  }
0x350: {  	v54 =	vor.u32 v16, v11;
	v12 =	vadd.bf16 v40, v26;
	v18 =	vadd.bf16 v45, v18  }
0x351: {  	[tilespmem:v22+s11+$0x0] =	vst.idx.msk $0xffff, v29;
	v47 =	vunpack.i.l.bf16.f32 v42;
	v50 =	vadd.bf16 v28, v63;
	v51 =	vadd.bf16 v60, v20  }
0x352: {  	v55 =	vor.u32 v13, v8;
	v17 =	vunpack.i.u.bf16.f32 v42;
	[tilespmem:v62+s11+$0x0] =	vst.idx.msk $0xffff, v47;
	v12 =	vmul.bf16 v5, v12  }
0x353: {  	v21 =	vunpack.i.u.bf16.f32 v21;
	[tilespmem:v41+s11+$0x0] =	vst.idx.msk $0xffff, v17;
	v18 =	vmul.bf16 v5, v18;
	v17 =	vadd.bf16 v50, v51  }
0x354: {  	[tilespmem:v19+s11+$0x0] =	vst.idx.msk $0xffff, v21;
	v49 =	vunpack.i.l.bf16.f32 v12;
	v15 =	vadd.bf16 v15, v46;
	v9 =	vadd.bf16 v44, v9  }
0x355: {  	v57 =	vor.u32 v13, v11;
	v8 =	vor.u32 v25, v8;
	v52 =	vunpack.i.u.bf16.f32 v12;
	[tilespmem:v43+s11+$0x0] =	vst.idx.msk $0xffff, v49  }
0x356: {  	s12 =	sadd.s32 $0x1, s12;
	v56 =	vunpack.i.l.bf16.f32 v18;
	[tilespmem:v48+s11+$0x0] =	vst.idx.msk $0xffff, v52;
	v58 =	vmul.bf16 v5, v17;
	v9 =	vadd.bf16 v15, v9  }
0x357: {  	p0 =	sne.s32 s12, $0x10;
	v60 =	vor.u32 v25, v11;
	[tilespmem:v53+s11+$0x0] =	vst.idx.msk $0xffff, v56;
	v59 =	vunpack.i.u.bf16.f32 v18  }
.Ltmp10:
0x358: {  	[tilespmem:v54+s11+$0x0] =	vst.idx.msk $0xffff, v59;
	v61 =	vunpack.i.l.bf16.f32 v58;
	v9 =	vmul.bf16 v5, v9;
	(pc) =	sbr.rel @p0 .LBB2_21-.Ltmp10, $4  }
0x359: {  	v62 =	vunpack.i.u.bf16.f32 v58;
	[tilespmem:v55+s11+$0x0] =	vst.idx.msk $0xffff, v61  }
0x35a: {  	[tilespmem:v57+s11+$0x0] =	vst.idx.msk $0xffff, v62;
	v63 =	vunpack.i.l.bf16.f32 v9  }
0x35b: {  	[tilespmem:v8+s11+$0x0] =	vst.idx.msk $0xffff, v63;
	v8 =	vunpack.i.u.bf16.f32 v9  }
0x35c: {  	[tilespmem:v60+s11+$0x0] =	vst.idx.msk $0xffff, v8  }
0x35d: {  	s1 =	rddreg [dreg:$0x18]  }
0x35e: {  	s4 =	rddreg [dreg:$0x7]  }
0x35f: {  	s7 =	rddreg [dreg:$0xd]  }
0x360: {  	s8 =	rddreg [dreg:$0x10]  }
0x361: {  	s28 =	simm.s32 $0x400;
	s12 =	rddreg [dreg:$0x12];
	s1 =	sshll.u32 s1, $0x12  }
0x362: {  	s5 =	simm.s32 $0x8000;
	s14 =	rddreg [dreg:$0x13];
	s1 =	sor.u32 s4, s1  }
0x363: {  	s9 =	sadd.s32 $0x1, s9;
	s19 =	rddreg [dreg:$0x14];
	s1 =	sshrl.u32 s1, $0x3  }
0x364: {  	s13 =	sadd.s32 $0x180, s13;
	s25 =	rddreg [dreg:$0x15];
	s1 =	sadd.s32 s23, s1  }
0x365: {  	[hbm4b:s1+s28] =	stream.strided.scatter [tilespmem:s11], [sflag:$0x6], $0x2000, s5, s28, $0x38;
	[tilespmem:$0x19B00] =	vst v63  }
0x366: {  	s10 =	sadd.s32 $0x180, s10;
	p0 =	sne.s32 s9, $0x10;
	s5 =	rddreg [dreg:$0x11]  }
.Ltmp11:
0x367: {  	s1 =	sadd.s32 $0x180, s12;
	s28 =	rddreg [dreg:$0x16];
	(pc) =	sbr.rel @p0 .LBB2_6-.Ltmp11, $4  }
0x368: {  	s6 =	sadd.s32 $0x3, s6;
	[dreg:$0x12] =	wrdreg s1;
	s1 =	sadd.s32 $0x180, s14  }
0x369: {  	s7 =	sadd.s32 $0x180, s7;
	[dreg:$0x13] =	wrdreg s1;
	s1 =	sadd.s32 $0x180, s19  }
0x36a: {  	s8 =	sadd.s32 $0x180, s8;
	[dreg:$0x14] =	wrdreg s1;
	s1 =	sadd.s32 $0x180, s25  }
0x36b: {  	s4 =	sadd.s32 $0x3, s5;
	s5 =	sadd.s32 $0x3, s28;
	[dreg:$0x15] =	wrdreg s1  }
0x36c: {  	s1 =	simm.s32 $0x1  }
0x36d: {  	_ =	swait.ge [sflag:s1], $0x1000  }
0x36e: {  	[sflag:s1] =	ssyncset.done $0x0  }
0x36f: {  	[sflag:s1] =	ssyncadd.s32 $0xFFFFF000  }
0x370: {  	_ =	swait.ge [sflag:s1], $0x1000  }
0x371: {  	[sflag:s1] =	ssyncset.done $0x0  }
0x372: {  	[sflag:s1] =	ssyncadd.s32 $0xFFFFF000  }
0x373: {  	_ =	swait.ge [sflag:s1], $0x1000  }
0x374: {  	[sflag:s1] =	ssyncset.done $0x0  }
0x375: {  	[sflag:s1] =	ssyncadd.s32 $0xFFFFF000  }
0x376: {  	_ =	swait.ge [sflag:s1], $0x1000  }
0x377: {  	[sflag:s1] =	ssyncset.done $0x0  }
0x378: {  	s7 =	simm.s32 $0x4;
	[sflag:s1] =	ssyncadd.s32 $0xFFFFF000  }
0x379: {  	_ =	swait.ge [sflag:s7], $0x2000  }
0x37a: {  	[sflag:s7] =	ssyncset.done $0x0  }
0x37b: {  	s4 =	simm.s32 $0x0;
	s1 =	simm.s32 $0x0;
	[sflag:s7] =	ssyncadd.s32 $0xFFFFE000  }
.LBB2_26:
0x37c: {  	v8 =	vadd.s32 s4, v0;
	v9 =	vor.u32 s1, v0  }
0x37d: {  	v15 =	vand.u32 $0xF, v8;
	v11 =	vshll.u32 v9, $0x5  }
0x37e: {  	v10 =	vor.u32 v15, v11;
	_ =	sdelay $0x4  }
0x37f: {  	s5 =	simm.s32 $0x10;
	v12 =	vld.idx.msk [tilespmem:v10+s22+$0x0], $0xffff  }
0x380: {  	v14 =	vor.u32 s5, v0;
	v13 =	vld.idx.msk [tilespmem:v10+s16+$0x0], $0xffff  }
0x381: {  	v19 =	vshll.u32 v14, $0x5;
	v16 =	vld.idx.msk [tilespmem:v10+s20+$0x0], $0xffff  }
0x382: {  	v17 =	vor.u32 v15, v19;
	v10 =	vld.idx.msk [tilespmem:v10+s18+$0x0], $0xffff;
	_ =	sdelay $0x1  }
0x383: {  	s23 =	simm.s32 $0x20  }
0x384: {  	v18 =	vshll.u32 v8, $0x8;
	v21 =	vor.u32 s23, v0;
	v29 =	vand.u32 $0x78, v9  }
0x385: {  	v9 =	vor.u32 $0x10, v8;
	v20 =	vand.u32 $0x300, v18;
	v23 =	vand.u32 $0xF00, v18  }
0x386: {  	v26 =	vshll.u32 v21, $0x5;
	v24 =	vld.idx.msk [tilespmem:v17+s22+$0x0], $0xffff;
	v16 =	vadd.bf16 v12, v16;
	v13 =	vadd.bf16 v10, v13  }
0x387: {  	v22 =	vor.u32 v7, v20;
	v25 =	vor.u32 v15, v26;
	v8 =	vld.idx.msk [tilespmem:v17+s18+$0x0], $0xffff;
	v12 =	vor.u32 v6, v23  }
0x388: {  	v10 =	vand.u32 $0xC00, v18;
	v23 =	vld.idx.msk [tilespmem:v17+s20+$0x0], $0xffff;
	v13 =	vadd.bf16 v16, v13;
	v16 =	vor.u32 v12, v29  }
0x389: {  	v18 =	vld.idx.msk [tilespmem:v17+s16+$0x0], $0xffff;
	v10 =	vor.u32 v22, v10  }
0x38a: {  	v17 =	vor.u32 v29, v10;
	v13 =	vmul.bf16 v5, v13  }
0x38b: {  	v11 =	vor.u32 v9, v11  }
0x38c: {  	s25 =	simm.s32 $0x30;
	v27 =	vld.idx.msk [tilespmem:v25+s22+$0x0], $0xffff;
	v28 =	vunpack.i.l.bf16.f32 v13  }
0x38d: {  	v30 =	vld.idx.msk [tilespmem:v25+s16+$0x0], $0xffff;
	v23 =	vadd.bf16 v24, v23;
	[tilespmem:v16+s21+$0x0] =	vst.idx.msk $0xffff, v28;
	v16 =	vor.u32 s25, v0  }
0x38e: {  	v24 =	vld.idx.msk [tilespmem:v25+s20+$0x0], $0xffff;
	v8 =	vadd.bf16 v8, v18;
	v13 =	vunpack.i.u.bf16.f32 v13;
	v18 =	vshll.u32 v16, $0x5  }
0x38f: {  	v25 =	vld.idx.msk [tilespmem:v25+s18+$0x0], $0xffff;
	[tilespmem:v17+s21+$0x0] =	vst.idx.msk $0xffff, v13;
	v13 =	vor.u32 v15, v18  }
0x390: {  	v17 =	vand.u32 $0x78, v14;
	v28 =	vld.idx.msk [tilespmem:v11+s22+$0x0], $0xffff  }
0x391: {  	v8 =	vadd.bf16 v23, v8;
	v14 =	vor.u32 v12, v17;
	v23 =	vld.idx.msk [tilespmem:v11+s18+$0x0], $0xffff  }
0x392: {  	v31 =	vld.idx.msk [tilespmem:v11+s20+$0x0], $0xffff  }
0x393: {  	v33 =	vshll.u32 v9, $0x8;
	v32 =	vor.u32 v17, v10;
	v8 =	vmul.bf16 v5, v8;
	v11 =	vld.idx.msk [tilespmem:v11+s16+$0x0], $0xffff  }
0x394: {  	v33 =	vand.u32 $0x1C00, v33;
	v19 =	vor.u32 v9, v19;
	v35 =	vld.idx.msk [tilespmem:v13+s22+$0x0], $0xffff  }
0x395: {  	s28 =	simm.s32 $0x40;
	v34 =	vor.u32 v33, v20;
	v24 =	vadd.bf16 v27, v24;
	v20 =	vunpack.i.l.bf16.f32 v8;
	v36 =	vld.idx.msk [tilespmem:v13+s16+$0x0], $0xffff  }
0x396: {  	v27 =	vor.u32 s28, v0;
	[tilespmem:v14+s21+$0x0] =	vst.idx.msk $0xffff, v20;
	v14 =	vand.u32 $0x78, v21;
	v21 =	vadd.bf16 v25, v30;
	v30 =	vld.idx.msk [tilespmem:v13+s20+$0x0], $0xffff  }
0x397: {  	v8 =	vunpack.i.u.bf16.f32 v8;
	v20 =	vshll.u32 v27, $0x5;
	v37 =	vld.idx.msk [tilespmem:v13+s18+$0x0], $0xffff;
	v13 =	vadd.bf16 v28, v31  }
0x398: {  	v25 =	vadd.bf16 v23, v11;
	[tilespmem:v32+s21+$0x0] =	vst.idx.msk $0xffff, v8;
	v28 =	vor.u32 v15, v20  }
0x399: {  	v8 =	vor.u32 v6, v34;
	v38 =	vor.u32 v12, v14;
	v23 =	vld.idx.msk [tilespmem:v19+s22+$0x0], $0xffff;
	v21 =	vadd.bf16 v24, v21  }
0x39a: {  	v11 =	vor.u32 v33, v22;
	v24 =	vld.idx.msk [tilespmem:v19+s18+$0x0], $0xffff;
	v31 =	vadd.bf16 v13, v25;
	v22 =	vor.u32 v29, v8  }
0x39b: {  	v26 =	vor.u32 v9, v26;
	v32 =	vor.u32 v14, v10;
	v25 =	vld.idx.msk [tilespmem:v19+s20+$0x0], $0xffff;
	v39 =	vmul.bf16 v5, v21  }
0x39c: {  	v13 =	vand.u32 $0x78, v27;
	v27 =	vld.idx.msk [tilespmem:v19+s16+$0x0], $0xffff;
	v19 =	vor.u32 v29, v11;
	v21 =	vmul.bf16 v5, v31  }
0x39d: {  	v16 =	vand.u32 $0x78, v16;
	v33 =	vadd.bf16 v35, v30;
	v30 =	vld.idx.msk [tilespmem:v28+s22+$0x0], $0xffff;
	v29 =	vunpack.i.l.bf16.f32 v39  }
0x39e: {  	s6 =	simm.s32 $0x50;
	s5 =	simm.s32 $0x60;
	v34 =	vadd.bf16 v37, v36;
	v35 =	vunpack.i.u.bf16.f32 v39;
	v31 =	vld.idx.msk [tilespmem:v28+s16+$0x0], $0xffff;
	[tilespmem:v38+s21+$0x0] =	vst.idx.msk $0xffff, v29;
	v29 =	vunpack.i.l.bf16.f32 v21  }
.LBB2_27:
0x39f: {  	p0 =	sne.s32 s5, $0x70;
	v36 =	vor.u32 s6, v0;
	v37 =	vld.idx.msk [tilespmem:v28+s20+$0x0], $0xffff;
	[tilespmem:v22+s21+$0x0] =	vst.idx.msk $0xffff, v29;
	s6 =	smov.u32 s5;
	s5 =	sadd.s32 $0x10, s5  }
0x3a0: {  	v22 =	vadd.bf16 v23, v25;
	v21 =	vunpack.i.u.bf16.f32 v21;
	v29 =	vshll.u32 v36, $0x5;
	v38 =	vld.idx.msk [tilespmem:v28+s18+$0x0], $0xffff;
	[tilespmem:v32+s21+$0x0] =	vst.idx.msk $0xffff, v35  }
0x3a1: {  	v27 =	vadd.bf16 v24, v27;
	v28 =	vor.u32 v15, v29;
	v23 =	vld.idx.msk [tilespmem:v26+s22+$0x0], $0xffff;
	[tilespmem:v19+s21+$0x0] =	vst.idx.msk $0xffff, v21  }
0x3a2: {  	v39 =	vor.u32 v12, v16;
	v36 =	vand.u32 $0x78, v36;
	v19 =	vadd.bf16 v33, v34;
	v24 =	vld.idx.msk [tilespmem:v26+s18+$0x0], $0xffff  }
.Ltmp12:
0x3a3: {  	v21 =	vadd.bf16 v22, v27;
	v22 =	vor.u32 v17, v8;
	v25 =	vld.idx.msk [tilespmem:v26+s20+$0x0], $0xffff;
	(pc) =	sbr.rel @p0 .LBB2_27-.Ltmp12, $4  }
0x3a4: {  	v32 =	vor.u32 v16, v10;
	v40 =	vmul.bf16 v5, v19;
	v19 =	vor.u32 v17, v11;
	v27 =	vld.idx.msk [tilespmem:v26+s16+$0x0], $0xffff  }
0x3a5: {  	v33 =	vadd.bf16 v30, v37;
	v26 =	vor.u32 v9, v18;
	v21 =	vmul.bf16 v5, v21;
	v18 =	vmovc v20  }
0x3a6: {  	v17 =	vmovc v14;
	v20 =	vmovc v29;
	v34 =	vadd.bf16 v38, v31;
	v35 =	vunpack.i.u.bf16.f32 v40;
	v37 =	vunpack.i.l.bf16.f32 v40;
	v30 =	vld.idx.msk [tilespmem:v28+s22+$0x0], $0xffff  }
0x3a7: {  	v14 =	vmovc v16;
	v16 =	vmov v13;
	v13 =	vmov v36;
	v29 =	vunpack.i.l.bf16.f32 v21;
	v31 =	vld.idx.msk [tilespmem:v28+s16+$0x0], $0xffff;
	[tilespmem:v39+s21+$0x0] =	vst.idx.msk $0xffff, v37  }
0x3a8: {  	v36 =	vor.u32 s6, v0  }
0x3a9: {  	v37 =	vshll.u32 v36, $0x5  }
0x3aa: {  	v15 =	vor.u32 v15, v37;
	_ =	sdelay $0x2  }
0x3ab: {  	v38 =	vld.idx.msk [tilespmem:v28+s20+$0x0], $0xffff  }
0x3ac: {  	v63 =	vld.idx.msk [tilespmem:v28+s18+$0x0], $0xffff  }
0x3ad: {  	v39 =	vld.idx.msk [tilespmem:v15+s22+$0x0], $0xffff  }
0x3ae: {  	v33 =	vadd.bf16 v33, v34;
	v45 =	vor.u32 v12, v16;
	v40 =	vld.idx.msk [tilespmem:v15+s16+$0x0], $0xffff  }
0x3af: {  	v41 =	vor.u32 v16, v10;
	v42 =	vld.idx.msk [tilespmem:v15+s20+$0x0], $0xffff  }
0x3b0: {  	[tilespmem:v32+s21+$0x0] =	vst.idx.msk $0xffff, v35;
	v33 =	vmul.bf16 v5, v33;
	v15 =	vld.idx.msk [tilespmem:v15+s18+$0x0], $0xffff  }
0x3b1: {  	v18 =	vor.u32 v9, v18;
	v30 =	vadd.bf16 v30, v38;
	v28 =	vadd.bf16 v63, v31  }
0x3b2: {  	v48 =	vor.u32 v12, v13;
	v47 =	vld.idx.msk [tilespmem:v26+s22+$0x0], $0xffff;
	v46 =	vunpack.i.l.bf16.f32 v33  }
0x3b3: {  	v32 =	vld.idx.msk [tilespmem:v26+s18+$0x0], $0xffff;
	v33 =	vunpack.i.u.bf16.f32 v33;
	[tilespmem:v45+s21+$0x0] =	vst.idx.msk $0xffff, v46;
	v28 =	vadd.bf16 v30, v28  }
0x3b4: {  	v51 =	vor.u32 v13, v10;
	v20 =	vor.u32 v9, v20;
	v49 =	vld.idx.msk [tilespmem:v26+s20+$0x0], $0xffff;
	[tilespmem:v41+s21+$0x0] =	vst.idx.msk $0xffff, v33  }
0x3b5: {  	v52 =	vld.idx.msk [tilespmem:v26+s16+$0x0], $0xffff;
	v28 =	vmul.bf16 v5, v28;
	v50 =	vadd.bf16 v39, v42;
	v15 =	vadd.bf16 v15, v40  }
0x3b6: {  	v23 =	vadd.bf16 v23, v25;
	v25 =	vand.u32 $0x78, v36;
	v53 =	vld.idx.msk [tilespmem:v18+s22+$0x0], $0xffff  }
0x3b7: {  	v56 =	vor.u32 v12, v25;
	v54 =	vld.idx.msk [tilespmem:v18+s18+$0x0], $0xffff;
	v55 =	vunpack.i.l.bf16.f32 v28;
	v15 =	vadd.bf16 v50, v15  }
0x3b8: {  	v58 =	vor.u32 v25, v10;
	v57 =	vld.idx.msk [tilespmem:v18+s20+$0x0], $0xffff;
	v28 =	vunpack.i.u.bf16.f32 v28;
	[tilespmem:v48+s21+$0x0] =	vst.idx.msk $0xffff, v55  }
0x3b9: {  	v59 =	vor.u32 v9, v37;
	v18 =	vld.idx.msk [tilespmem:v18+s16+$0x0], $0xffff;
	[tilespmem:v51+s21+$0x0] =	vst.idx.msk $0xffff, v28;
	v15 =	vmul.bf16 v5, v15  }
0x3ba: {  	v28 =	vld.idx.msk [tilespmem:v20+s22+$0x0], $0xffff  }
0x3bb: {  	v60 =	vld.idx.msk [tilespmem:v20+s18+$0x0], $0xffff;
	v61 =	vunpack.i.l.bf16.f32 v15  }
0x3bc: {  	v24 =	vadd.bf16 v24, v27;
	v63 =	vld.idx.msk [tilespmem:v20+s20+$0x0], $0xffff;
	v15 =	vunpack.i.u.bf16.f32 v15;
	[tilespmem:v56+s21+$0x0] =	vst.idx.msk $0xffff, v61  }
0x3bd: {  	v20 =	vld.idx.msk [tilespmem:v20+s16+$0x0], $0xffff;
	[tilespmem:v58+s21+$0x0] =	vst.idx.msk $0xffff, v15  }
0x3be: {  	v62 =	vor.u32 v17, v8;
	v23 =	vadd.bf16 v23, v24;
	v15 =	vld.idx.msk [tilespmem:v59+s22+$0x0], $0xffff  }
0x3bf: {  	v43 =	vor.u32 v14, v8;
	v26 =	vadd.bf16 v32, v52;
	v40 =	vadd.bf16 v47, v49;
	v44 =	vld.idx.msk [tilespmem:v59+s18+$0x0], $0xffff  }
0x3c0: {  	v41 =	vor.u32 v17, v11;
	v45 =	vadd.bf16 v53, v57;
	v18 =	vadd.bf16 v54, v18;
	v46 =	vld.idx.msk [tilespmem:v59+s20+$0x0], $0xffff  }
0x3c1: {  	v42 =	vmul.bf16 v5, v23;
	v48 =	vor.u32 v14, v11;
	v53 =	vor.u32 v16, v8;
	v9 =	vld.idx.msk [tilespmem:v59+s16+$0x0], $0xffff  }
0x3c2: {  	v54 =	vor.u32 v16, v11;
	v12 =	vadd.bf16 v40, v26;
	v18 =	vadd.bf16 v45, v18  }
0x3c3: {  	[tilespmem:v22+s21+$0x0] =	vst.idx.msk $0xffff, v29;
	v47 =	vunpack.i.l.bf16.f32 v42;
	v50 =	vadd.bf16 v28, v63;
	v51 =	vadd.bf16 v60, v20  }
0x3c4: {  	v55 =	vor.u32 v13, v8;
	v17 =	vunpack.i.u.bf16.f32 v42;
	[tilespmem:v62+s21+$0x0] =	vst.idx.msk $0xffff, v47;
	v12 =	vmul.bf16 v5, v12  }
0x3c5: {  	v21 =	vunpack.i.u.bf16.f32 v21;
	[tilespmem:v41+s21+$0x0] =	vst.idx.msk $0xffff, v17;
	v18 =	vmul.bf16 v5, v18;
	v17 =	vadd.bf16 v50, v51  }
0x3c6: {  	[tilespmem:v19+s21+$0x0] =	vst.idx.msk $0xffff, v21;
	v49 =	vunpack.i.l.bf16.f32 v12;
	v15 =	vadd.bf16 v15, v46;
	v9 =	vadd.bf16 v44, v9  }
0x3c7: {  	v57 =	vor.u32 v13, v11;
	v8 =	vor.u32 v25, v8;
	v52 =	vunpack.i.u.bf16.f32 v12;
	[tilespmem:v43+s21+$0x0] =	vst.idx.msk $0xffff, v49  }
0x3c8: {  	s4 =	sadd.s32 $0x1, s4;
	v56 =	vunpack.i.l.bf16.f32 v18;
	[tilespmem:v48+s21+$0x0] =	vst.idx.msk $0xffff, v52;
	v58 =	vmul.bf16 v5, v17;
	v9 =	vadd.bf16 v15, v9  }
0x3c9: {  	p0 =	sne.s32 s4, $0x10;
	v60 =	vor.u32 v25, v11;
	[tilespmem:v53+s21+$0x0] =	vst.idx.msk $0xffff, v56;
	v59 =	vunpack.i.u.bf16.f32 v18  }
.Ltmp13:
0x3ca: {  	[tilespmem:v54+s21+$0x0] =	vst.idx.msk $0xffff, v59;
	v61 =	vunpack.i.l.bf16.f32 v58;
	v9 =	vmul.bf16 v5, v9;
	(pc) =	sbr.rel @p0 .LBB2_26-.Ltmp13, $4  }
0x3cb: {  	v62 =	vunpack.i.u.bf16.f32 v58;
	[tilespmem:v55+s21+$0x0] =	vst.idx.msk $0xffff, v61  }
0x3cc: {  	[tilespmem:v57+s21+$0x0] =	vst.idx.msk $0xffff, v62;
	v63 =	vunpack.i.l.bf16.f32 v9  }
0x3cd: {  	[tilespmem:v8+s21+$0x0] =	vst.idx.msk $0xffff, v63;
	v8 =	vunpack.i.u.bf16.f32 v9  }
0x3ce: {  	[tilespmem:v60+s21+$0x0] =	vst.idx.msk $0xffff, v8  }
0x3cf: {  	s1 =	rddreg [dreg:$0xa]  }
0x3d0: {  	s4 =	simm.s32 $0x400;
	s5 =	simm.s32 $0x8000;
	s14 =	simm.s32 $0x2  }
0x3d1: {  	[hbm4b:s1+s4] =	stream.strided.scatter [tilespmem:s21], [sflag:$0x4], $0x2000, s5, s4, $0x38;
	[tilespmem:$0x19B00] =	vst v63  }
0x3d2: {  	_ =	swait.ge [sflag:s14], $0x1000  }
0x3d3: {  	[sflag:s14] =	ssyncset.done $0x0  }
0x3d4: {  	[sflag:s14] =	ssyncadd.s32 $0xFFFFF000  }
0x3d5: {  	_ =	swait.ge [sflag:s14], $0x1000  }
0x3d6: {  	[sflag:s14] =	ssyncset.done $0x0  }
0x3d7: {  	[sflag:s14] =	ssyncadd.s32 $0xFFFFF000  }
0x3d8: {  	_ =	swait.ge [sflag:s14], $0x1000  }
0x3d9: {  	[sflag:s14] =	ssyncset.done $0x0  }
0x3da: {  	[sflag:s14] =	ssyncadd.s32 $0xFFFFF000  }
0x3db: {  	_ =	swait.ge [sflag:s14], $0x1000  }
0x3dc: {  	[sflag:s14] =	ssyncset.done $0x0  }
0x3dd: {  	[sflag:s14] =	ssyncadd.s32 $0xFFFFF000  }
0x3de: {  	_ =	swait.ge [sflag:s7], $0x2000  }
0x3df: {  	[sflag:s7] =	ssyncset.done $0x0  }
0x3e0: {  	s19 =	simm.s32 $0x5;
	[sflag:s7] =	ssyncadd.s32 $0xFFFFE000  }
0x3e1: {  	_ =	swait.ge [sflag:s19], $0x2000  }
0x3e2: {  	[sflag:s19] =	ssyncset.done $0x0  }
0x3e3: {  	s23 =	simm.s32 $0x6;
	[sflag:s19] =	ssyncadd.s32 $0xFFFFE000  }
0x3e4: {  	_ =	swait.ge [sflag:s23], $0x2000  }
0x3e5: {  	s25 =	rddreg [dreg:$0xc]  }
0x3e6: {  	s28 =	rddreg [dreg:$0xb];
	s5 =	sadd.s32 $0x1, s25  }
0x3e7: {  	p0 =	sne.s32 s5, s28  }
.Ltmp14:
0x3e8: {  	_ = 	snop;
	(pc) =	sbr.rel @p0 .LBB2_1-.Ltmp14, $3  }
0x3e9: {  	_ =	sdelay $0x1  }
0x3ea: {  	[sflag:s23] =	ssyncset.done $0x0  }
0x3eb: {  	[sflag:s23] =	ssyncadd.s32 $0xFFFFE000  }
0x3ec: {  	_ =	sfence.sel $0x180000  }
0x3ed: {  	[bflag:$0x0] =	sbarrier.arrive $0xFFFF  }
0x3ee: {  	_ =	strace $0x90000047  }
0x3ef: {  	s0 =	stileid.u32;
	[bflag:$0x2] =	sbarrier.arrive $0xFFFF  }
0x3f0: {  	p0 =	sne.s32 s0, $0x0;
	s0 =	rddreg [dreg:$0x2]  }
0x3f1: {  	s0 =	sadd.s32 @!p0 $0x100000, s0  }
0x3f2: {  	[sflag:s0] =	ssyncadd.tile.s32 @!p0 $0x1;
	_ =	shalt  }
.Lfunc_end2:
_tile_overlayer_lowered:
.L_overlay_start_2:
0x3f3: {  	(tag) =	ssettag $0x2  }
0x3f4: {  	s0 =	rddreg [dreg:$0x0];
	s2 =	stileid.u32  }
0x3f5: {  	s1 =	rddreg [dreg:$0x1];
	p0 =	sne.s32 s2, $0x0  }
0x3f6: {  	s3 =	rddreg [dreg:$0x2];
	[bflag:$0x3] =	sbarrier.arrive $0xFFFF;
	s2 =	simm.s32 @!p0 $0x1C07  }
0x3f7: {  	[timem:s3], [sflag:s2] =	dma.local @!p0 [hbm:s0], s1  }
0x3f8: {  	s0 =	simm.s32 @!p0 $0x7  }
0x3f9: {  	_ =	swait.ge @!p0 [sflag:s0], s1  }
0x3fa: {  	s1 =	ssub.s32 @!p0 $0x0, s1;
	[sflag:s0] =	ssyncset.done @!p0 $0x0  }
0x3fb: {  	[sflag:s0] =	ssyncadd.s32 @!p0 s1  }
0x3fc: {  	[bflag:$0x3] =	sbarrier.arrive $0xFFFF  }
0x3fd: {  	_ =	shalt  }

</sc_bundles>
